<compile_context>
chip_gen: v7x
topology: tpu7x:2x2x1
jax: 0.10.2.dev20260603
libtpu: 0.0.44.dev20260713+nightly
codegen_flags: <defaults>
</compile_context>

<pallas_src>
import functools

import jax
import jax.numpy as jnp
from jax import lax
from jax.experimental import pallas as pl
from jax.experimental.pallas import tpu as pltpu
from jax.experimental.pallas import tpu_sc as plsc

_B, _T, _D = 4, 4096, 1024
_A0, _A1 = 64, 64
_NC, _NS = 2, 16
_NW = _NC * _NS
_IPW = _A0 // _NW
_HJ = _A1 // 2


def _sc_body(w0_hbm, w1_hbm, out_hbm, w0_v, w1_v, obuf, osem):
    wid = lax.axis_index("s") * _NC + lax.axis_index("c")
    pltpu.sync_copy(w0_hbm.at[pl.ds(wid * _IPW, _IPW), :], w0_v)

    def compute_half(ii, h):
        def dloop(dc, _):
            va = w0_v[ii, pl.ds(dc * 16, 16)]
            for j in range(_HJ):
                obuf[h * _HJ + j, pl.ds(dc * 16, 16)] = (
                    va + w1_v[j, pl.ds(dc * 16, 16)])
            return 0
        lax.fori_loop(0, _D // 16, dloop, 0)

    for ii in range(_IPW):
        if ii > 0:
            pt0 = (wid * _IPW + ii - 1) * _A1
            for b in range(_B):
                pltpu.make_async_copy(
                    obuf,
                    out_hbm.at[pl.ds(b * _T + pt0, _A1), :],
                    osem.at[b],
                ).wait()
        for h in range(2):
            pltpu.sync_copy(w1_hbm.at[pl.ds(h * _HJ, _HJ), :], w1_v)
            compute_half(ii, h)
        t0 = (wid * _IPW + ii) * _A1
        for b in range(_B):
            pltpu.make_async_copy(
                obuf,
                out_hbm.at[pl.ds(b * _T + t0, _A1), :],
                osem.at[b],
            ).start()

    pt0 = (wid * _IPW + _IPW - 1) * _A1
    for b in range(_B):
        pltpu.make_async_copy(
            obuf,
            out_hbm.at[pl.ds(b * _T + pt0, _A1), :],
            osem.at[b],
        ).wait()


_sc_call = functools.partial(
    pl.kernel,
    mesh=plsc.VectorSubcoreMesh(core_axis_name="c", subcore_axis_name="s"),
    out_type=jax.ShapeDtypeStruct((_B * _T, _D), jnp.float32),
    scratch_types=[
        pltpu.VMEM((_IPW, _D), jnp.float32),
        pltpu.VMEM((_HJ, _D), jnp.float32),
        pltpu.VMEM((_A1, _D), jnp.float32),
        pltpu.SemaphoreType.DMA((_B,)),
    ],
)(_sc_body)


def kernel(x, w0, w1):
    del x
    out = _sc_call(w0.reshape(_A0, _D), w1.reshape(_A1, _D))
    return out.reshape(_B, _T, _D)

# --- scband reference (transcript-rebuilt; emitter-appended) ---
"""Pipeline reference for scband-axial-positional-embedding-16441134809827 (READ-ONLY COPY).

The authoritative reference and input builder live on the scoring server;
editing this copy changes nothing except your own understanding.
"""

import jax, jax.numpy as jnp
import numpy as np

AXIAL_SHAPE = (64, 64)
DIM = 1024
MAX_SEQ_LEN = AXIAL_SHAPE[0] * AXIAL_SHAPE[1]


def setup_inputs(seed: int = 0) -> dict:
    key = jax.random.key(seed)
    k_x, k_w0, k_w1 = jax.random.split(key, 3)
    x = jax.random.normal(k_x, (4, 4096, DIM), dtype=jnp.float32)
    # summed axial embeddings: each axial param has full dim
    w0 = jax.random.normal(k_w0, (1, AXIAL_SHAPE[0], 1, DIM), dtype=jnp.float32)
    w1 = jax.random.normal(k_w1, (1, 1, AXIAL_SHAPE[1], DIM), dtype=jnp.float32)
    return {"x": x, "w0": w0, "w1": w1}


def reference(x, w0, w1):
    b, t, e = x.shape
    assert t <= MAX_SEQ_LEN
    embs = []
    for ax_emb in (w0, w1):
        axial_dim = ax_emb.shape[-1]
        expand_shape = (b, AXIAL_SHAPE[0], AXIAL_SHAPE[1], axial_dim)
        emb = jnp.broadcast_to(ax_emb, expand_shape).reshape(b, MAX_SEQ_LEN, axial_dim)
        embs.append(emb)
    pos_emb = embs[0] + embs[1]  # summed=True
    return pos_emb[:, :t].astype(x.dtype)

if __name__ == "__main__":
    import jax
    _d = setup_inputs()
    print(jax.jit(kernel)(*tuple(_d.values())))

</pallas_src>

<mosaic_0001>
#map = affine_map<(d0, d1) -> (0, 0)>
module attributes {stable_mosaic.version = 14 : i64} {
  func.func @_sc_body(%arg0: i32, %arg1: i32, %arg2: memref<64x1024xf32, #tpu.memory_space<hbm>>, %arg3: memref<64x1024xf32, #tpu.memory_space<hbm>>, %arg4: memref<16384x1024xf32, #tpu.memory_space<hbm>>, %arg5: memref<2x1024xf32, #tpu.memory_space<vmem>>, %arg6: memref<32x1024xf32, #tpu.memory_space<vmem>>, %arg7: memref<64x1024xf32, #tpu.memory_space<vmem>>, %arg8: memref<4x!tpu.dma_semaphore, #tpu.memory_space<semaphore_mem>>) attributes {dimension_semantics = [#tpu.dimension_semantics<core_parallel>, #tpu.dimension_semantics<subcore_parallel>], iteration_bounds = array<i64: 2, 16>, scalar_prefetch = 0 : i64, scratch_operands = 4 : i64, tpu.core_type = #tpu.core_type<sc_vector_subcore>, window_params = [{transform_indices = #map}, {transform_indices = #map}, {transform_indices = #map}]} {
    %mul3A = arith.constant 2 : i32
    %mul3A_0 = arith.muli %arg1, %mul3A : i32
    %add3A = arith.addi %mul3A_0, %arg0 : i32
    %mul3A_1 = arith.constant 2 : i32
    %mul3A_2 = arith.muli %add3A, %mul3A_1 : i32
    "tpu.region"() ({
      %run_scoped3A = tpu.sem_alloc : memref<!tpu.dma_semaphore, #tpu.memory_space<semaphore_mem>>
      %dma_start3A_199 = arith.constant 0 : i32
      %dma_start3A_200 = tpu.memref_slice %arg2[%mul3A_2, %dma_start3A_199] : memref<64x1024xf32, #tpu.memory_space<hbm>> -> memref<2x1024xf32, #tpu.memory_space<hbm>>
      %dma_start3A_201 = arith.constant 0 : i32
      %dma_start3A_202 = tpu.memref_slice %arg2[%mul3A_2, %dma_start3A_201] : memref<64x1024xf32, #tpu.memory_space<hbm>> -> memref<2x1024xf32, #tpu.memory_space<hbm>>
      tpu.enqueue_dma source(%dma_start3A_202 : memref<2x1024xf32, #tpu.memory_space<hbm>>) target(%arg5 : memref<2x1024xf32, #tpu.memory_space<vmem>>) target_semaphore(%run_scoped3A : memref<!tpu.dma_semaphore, #tpu.memory_space<semaphore_mem>>)
      %dma_wait3A_203 = arith.constant 0 : i32
      %dma_wait3A_204 = tpu.memref_slice %arg2[%mul3A_2, %dma_wait3A_203] : memref<64x1024xf32, #tpu.memory_space<hbm>> -> memref<2x1024xf32, #tpu.memory_space<hbm>>
      %dma_wait3A_205 = arith.constant 0 : i32
      %dma_wait3A_206 = tpu.memref_slice %arg2[%mul3A_2, %dma_wait3A_205] : memref<64x1024xf32, #tpu.memory_space<hbm>> -> memref<2x1024xf32, #tpu.memory_space<hbm>>
      tpu.wait_dma2 semaphore(%run_scoped3A : memref<!tpu.dma_semaphore, #tpu.memory_space<semaphore_mem>>) src(%dma_wait3A_206 : memref<2x1024xf32, #tpu.memory_space<hbm>>) dst(%arg5 : memref<2x1024xf32, #tpu.memory_space<vmem>>)
      tpu.yield
    }) : () -> ()
    "tpu.region"() ({
      %run_scoped3A = tpu.sem_alloc : memref<!tpu.dma_semaphore, #tpu.memory_space<semaphore_mem>>
      %dma_start3A_199 = arith.constant 0 : i32
      %dma_start3A_200 = arith.constant 0 : i32
      %dma_start3A_201 = tpu.memref_slice %arg3[%dma_start3A_199, %dma_start3A_200] : memref<64x1024xf32, #tpu.memory_space<hbm>> -> memref<32x1024xf32, #tpu.memory_space<hbm>>
      %dma_start3A_202 = arith.constant 0 : i32
      %dma_start3A_203 = arith.constant 0 : i32
      %dma_start3A_204 = tpu.memref_slice %arg3[%dma_start3A_202, %dma_start3A_203] : memref<64x1024xf32, #tpu.memory_space<hbm>> -> memref<32x1024xf32, #tpu.memory_space<hbm>>
      tpu.enqueue_dma source(%dma_start3A_204 : memref<32x1024xf32, #tpu.memory_space<hbm>>) target(%arg6 : memref<32x1024xf32, #tpu.memory_space<vmem>>) target_semaphore(%run_scoped3A : memref<!tpu.dma_semaphore, #tpu.memory_space<semaphore_mem>>)
      %dma_wait3A_205 = arith.constant 0 : i32
      %dma_wait3A_206 = arith.constant 0 : i32
      %dma_wait3A_207 = tpu.memref_slice %arg3[%dma_wait3A_205, %dma_wait3A_206] : memref<64x1024xf32, #tpu.memory_space<hbm>> -> memref<32x1024xf32, #tpu.memory_space<hbm>>
      %dma_wait3A_208 = arith.constant 0 : i32
      %dma_wait3A_209 = arith.constant 0 : i32
      %dma_wait3A_210 = tpu.memref_slice %arg3[%dma_wait3A_208, %dma_wait3A_209] : memref<64x1024xf32, #tpu.memory_space<hbm>> -> memref<32x1024xf32, #tpu.memory_space<hbm>>
      tpu.wait_dma2 semaphore(%run_scoped3A : memref<!tpu.dma_semaphore, #tpu.memory_space<semaphore_mem>>) src(%dma_wait3A_210 : memref<32x1024xf32, #tpu.memory_space<hbm>>) dst(%arg6 : memref<32x1024xf32, #tpu.memory_space<vmem>>)
      tpu.yield
    }) : () -> ()
    %scan3A = arith.constant 0 : i32
    %scan3A_3 = arith.constant 0 : i32
    %scan3A_4 = arith.constant 64 : i32
    %scan3A_5 = arith.addi %scan3A_3, %scan3A_4 : i32
    %scan3A_6 = arith.constant 1 : i32
    %scan3A_7 = scf.for %scan3A_199 = %scan3A_3 to %scan3A_5 step %scan3A_6 iter_args(%scan3A_200 = %scan3A) -> (i32)  : i32 {
      %mul3A_201 = arith.constant 16 : i32
      %mul3A_202 = arith.muli %scan3A_199, %mul3A_201 : i32
      %get3A = arith.constant 0 : i32
      %get3A_203 = arith.index_cast %get3A : i32 to index
      %get3A_204 = arith.index_cast %mul3A_202 : i32 to index
      %get3A_205 = tpu.vector_load %arg5[%get3A_203, %get3A_204] {strides = array<i32>} : memref<2x1024xf32, #tpu.memory_space<vmem>>, vector<1x16xf32>,
      %get3A_206 = vector.shape_cast %get3A_205 : vector<1x16xf32> to vector<16xf32>
      %mul3A_207 = arith.constant 16 : i32
      %mul3A_208 = arith.muli %scan3A_199, %mul3A_207 : i32
      %get3A_209 = arith.constant 0 : i32
      %get3A_210 = arith.index_cast %get3A_209 : i32 to index
      %get3A_211 = arith.index_cast %mul3A_208 : i32 to index
      %get3A_212 = tpu.vector_load %arg6[%get3A_210, %get3A_211] {strides = array<i32>} : memref<32x1024xf32, #tpu.memory_space<vmem>>, vector<1x16xf32>,
      %get3A_213 = vector.shape_cast %get3A_212 : vector<1x16xf32> to vector<16xf32>
      %add3A_214 = arith.addf %get3A_206, %get3A_213 : vector<16xf32>
      %mul3A_215 = arith.constant 16 : i32
      %mul3A_216 = arith.muli %scan3A_199, %mul3A_215 : i32
      %swap3A = arith.constant 0 : i32
      %swap3A_217 = arith.index_cast %swap3A : i32 to index
      %swap3A_218 = arith.index_cast %mul3A_216 : i32 to index
      %swap3A_219 = tpu.vector_load %arg7[%swap3A_217, %swap3A_218] {strides = array<i32>} : memref<64x1024xf32, #tpu.memory_space<vmem>>, vector<1x16xf32>,
      %swap3A_220 = vector.shape_cast %swap3A_219 : vector<1x16xf32> to vector<16xf32>
      %swap3A_221 = vector.shape_cast %add3A_214 : vector<16xf32> to vector<1x16xf32>
      tpu.vector_store %arg7[%swap3A_217, %swap3A_218], %swap3A_221 {strides = array<i32>} : memref<64x1024xf32, #tpu.memory_space<vmem>>, vector<1x16xf32>,
      %mul3A_222 = arith.constant 16 : i32
      %mul3A_223 = arith.muli %scan3A_199, %mul3A_222 : i32
      %get3A_224 = arith.constant 1 : i32
      %get3A_225 = arith.index_cast %get3A_224 : i32 to index
      %get3A_226 = arith.index_cast %mul3A_223 : i32 to index
      %get3A_227 = tpu.vector_load %arg6[%get3A_225, %get3A_226] {strides = array<i32>} : memref<32x1024xf32, #tpu.memory_space<vmem>>, vector<1x16xf32>,
      %get3A_228 = vector.shape_cast %get3A_227 : vector<1x16xf32> to vector<16xf32>
      %add3A_229 = arith.addf %get3A_206, %get3A_228 : vector<16xf32>
      %mul3A_230 = arith.constant 16 : i32
      %mul3A_231 = arith.muli %scan3A_199, %mul3A_230 : i32
      %swap3A_232 = arith.constant 1 : i32
      %swap3A_233 = arith.index_cast %swap3A_232 : i32 to index
      %swap3A_234 = arith.index_cast %mul3A_231 : i32 to index
      %swap3A_235 = tpu.vector_load %arg7[%swap3A_233, %swap3A_234] {strides = array<i32>} : memref<64x1024xf32, #tpu.memory_space<vmem>>, vector<1x16xf32>,
      %swap3A_236 = vector.shape_cast %swap3A_235 : vector<1x16xf32> to vector<16xf32>
      %swap3A_237 = vector.shape_cast %add3A_229 : vector<16xf32> to vector<1x16xf32>
      tpu.vector_store %arg7[%swap3A_233, %swap3A_234], %swap3A_237 {strides = array<i32>} : memref<64x1024xf32, #tpu.memory_space<vmem>>, vector<1x16xf32>,
      %mul3A_238 = arith.constant 16 : i32
      %mul3A_239 = arith.muli %scan3A_199, %mul3A_238 : i32
      %get3A_240 = arith.constant 2 : i32
      %get3A_241 = arith.index_cast %get3A_240 : i32 to index
      %get3A_242 = arith.index_cast %mul3A_239 : i32 to index
      %get3A_243 = tpu.vector_load %arg6[%get3A_241, %get3A_242] {strides = array<i32>} : memref<32x1024xf32, #tpu.memory_space<vmem>>, vector<1x16xf32>,
      %get3A_244 = vector.shape_cast %get3A_243 : vector<1x16xf32> to vector<16xf32>
      %add3A_245 = arith.addf %get3A_206, %get3A_244 : vector<16xf32>
      %mul3A_246 = arith.constant 16 : i32
      %mul3A_247 = arith.muli %scan3A_199, %mul3A_246 : i32
      %swap3A_248 = arith.constant 2 : i32
      %swap3A_249 = arith.index_cast %swap3A_248 : i32 to index
      %swap3A_250 = arith.index_cast %mul3A_247 : i32 to index
      %swap3A_251 = tpu.vector_load %arg7[%swap3A_249, %swap3A_250] {strides = array<i32>} : memref<64x1024xf32, #tpu.memory_space<vmem>>, vector<1x16xf32>,
      %swap3A_252 = vector.shape_cast %swap3A_251 : vector<1x16xf32> to vector<16xf32>
      %swap3A_253 = vector.shape_cast %add3A_245 : vector<16xf32> to vector<1x16xf32>
      tpu.vector_store %arg7[%swap3A_249, %swap3A_250], %swap3A_253 {strides = array<i32>} : memref<64x1024xf32, #tpu.memory_space<vmem>>, vector<1x16xf32>,
      %mul3A_254 = arith.constant 16 : i32
      %mul3A_255 = arith.muli %scan3A_199, %mul3A_254 : i32
      %get3A_256 = arith.constant 3 : i32
      %get3A_257 = arith.index_cast %get3A_256 : i32 to index
      %get3A_258 = arith.index_cast %mul3A_255 : i32 to index
      %get3A_259 = tpu.vector_load %arg6[%get3A_257, %get3A_258] {strides = array<i32>} : memref<32x1024xf32, #tpu.memory_space<vmem>>, vector<1x16xf32>,
      %get3A_260 = vector.shape_cast %get3A_259 : vector<1x16xf32> to vector<16xf32>
      %add3A_261 = arith.addf %get3A_206, %get3A_260 : vector<16xf32>
      %mul3A_262 = arith.constant 16 : i32
      %mul3A_263 = arith.muli %scan3A_199, %mul3A_262 : i32
      %swap3A_264 = arith.constant 3 : i32
      %swap3A_265 = arith.index_cast %swap3A_264 : i32 to index
      %swap3A_266 = arith.index_cast %mul3A_263 : i32 to index
      %swap3A_267 = tpu.vector_load %arg7[%swap3A_265, %swap3A_266] {strides = array<i32>} : memref<64x1024xf32, #tpu.memory_space<vmem>>, vector<1x16xf32>,
      %swap3A_268 = vector.shape_cast %swap3A_267 : vector<1x16xf32> to vector<16xf32>
      %swap3A_269 = vector.shape_cast %add3A_261 : vector<16xf32> to vector<1x16xf32>
      tpu.vector_store %arg7[%swap3A_265, %swap3A_266], %swap3A_269 {strides = array<i32>} : memref<64x1024xf32, #tpu.memory_space<vmem>>, vector<1x16xf32>,
      %mul3A_270 = arith.constant 16 : i32
      %mul3A_271 = arith.muli %scan3A_199, %mul3A_270 : i32
      %get3A_272 = arith.constant 4 : i32
      %get3A_273 = arith.index_cast %get3A_272 : i32 to index
      %get3A_274 = arith.index_cast %mul3A_271 : i32 to index
      %get3A_275 = tpu.vector_load %arg6[%get3A_273, %get3A_274] {strides = array<i32>} : memref<32x1024xf32, #tpu.memory_space<vmem>>, vector<1x16xf32>,
      %get3A_276 = vector.shape_cast %get3A_275 : vector<1x16xf32> to vector<16xf32>
      %add3A_277 = arith.addf %get3A_206, %get3A_276 : vector<16xf32>
      %mul3A_278 = arith.constant 16 : i32
      %mul3A_279 = arith.muli %scan3A_199, %mul3A_278 : i32
      %swap3A_280 = arith.constant 4 : i32
      %swap3A_281 = arith.index_cast %swap3A_280 : i32 to index
      %swap3A_282 = arith.index_cast %mul3A_279 : i32 to index
      %swap3A_283 = tpu.vector_load %arg7[%swap3A_281, %swap3A_282] {strides = array<i32>} : memref<64x1024xf32, #tpu.memory_space<vmem>>, vector<1x16xf32>,
      %swap3A_284 = vector.shape_cast %swap3A_283 : vector<1x16xf32> to vector<16xf32>
      %swap3A_285 = vector.shape_cast %add3A_277 : vector<16xf32> to vector<1x16xf32>
      tpu.vector_store %arg7[%swap3A_281, %swap3A_282], %swap3A_285 {strides = array<i32>} : memref<64x1024xf32, #tpu.memory_space<vmem>>, vector<1x16xf32>,
      %mul3A_286 = arith.constant 16 : i32
      %mul3A_287 = arith.muli %scan3A_199, %mul3A_286 : i32
      %get3A_288 = arith.constant 5 : i32
      %get3A_289 = arith.index_cast %get3A_288 : i32 to index
      %get3A_290 = arith.index_cast %mul3A_287 : i32 to index
      %get3A_291 = tpu.vector_load %arg6[%get3A_289, %get3A_290] {strides = array<i32>} : memref<32x1024xf32, #tpu.memory_space<vmem>>, vector<1x16xf32>,
      %get3A_292 = vector.shape_cast %get3A_291 : vector<1x16xf32> to vector<16xf32>
      %add3A_293 = arith.addf %get3A_206, %get3A_292 : vector<16xf32>
      %mul3A_294 = arith.constant 16 : i32
      %mul3A_295 = arith.muli %scan3A_199, %mul3A_294 : i32
      %swap3A_296 = arith.constant 5 : i32
      %swap3A_297 = arith.index_cast %swap3A_296 : i32 to index
      %swap3A_298 = arith.index_cast %mul3A_295 : i32 to index
      %swap3A_299 = tpu.vector_load %arg7[%swap3A_297, %swap3A_298] {strides = array<i32>} : memref<64x1024xf32, #tpu.memory_space<vmem>>, vector<1x16xf32>,
      %swap3A_300 = vector.shape_cast %swap3A_299 : vector<1x16xf32> to vector<16xf32>
      %swap3A_301 = vector.shape_cast %add3A_293 : vector<16xf32> to vector<1x16xf32>
      tpu.vector_store %arg7[%swap3A_297, %swap3A_298], %swap3A_301 {strides = array<i32>} : memref<64x1024xf32, #tpu.memory_space<vmem>>, vector<1x16xf32>,
      %mul3A_302 = arith.constant 16 : i32
      %mul3A_303 = arith.muli %scan3A_199, %mul3A_302 : i32
      %get3A_304 = arith.constant 6 : i32
      %get3A_305 = arith.index_cast %get3A_304 : i32 to index
      %get3A_306 = arith.index_cast %mul3A_303 : i32 to index
      %get3A_307 = tpu.vector_load %arg6[%get3A_305, %get3A_306] {strides = array<i32>} : memref<32x1024xf32, #tpu.memory_space<vmem>>, vector<1x16xf32>,
      %get3A_308 = vector.shape_cast %get3A_307 : vector<1x16xf32> to vector<16xf32>
      %add3A_309 = arith.addf %get3A_206, %get3A_308 : vector<16xf32>
      %mul3A_310 = arith.constant 16 : i32
      %mul3A_311 = arith.muli %scan3A_199, %mul3A_310 : i32
      %swap3A_312 = arith.constant 6 : i32
      %swap3A_313 = arith.index_cast %swap3A_312 : i32 to index
      %swap3A_314 = arith.index_cast %mul3A_311 : i32 to index
      %swap3A_315 = tpu.vector_load %arg7[%swap3A_313, %swap3A_314] {strides = array<i32>} : memref<64x1024xf32, #tpu.memory_space<vmem>>, vector<1x16xf32>,
      %swap3A_316 = vector.shape_cast %swap3A_315 : vector<1x16xf32> to vector<16xf32>
      %swap3A_317 = vector.shape_cast %add3A_309 : vector<16xf32> to vector<1x16xf32>
      tpu.vector_store %arg7[%swap3A_313, %swap3A_314], %swap3A_317 {strides = array<i32>} : memref<64x1024xf32, #tpu.memory_space<vmem>>, vector<1x16xf32>,
      %mul3A_318 = arith.constant 16 : i32
      %mul3A_319 = arith.muli %scan3A_199, %mul3A_318 : i32
      %get3A_320 = arith.constant 7 : i32
      %get3A_321 = arith.index_cast %get3A_320 : i32 to index
      %get3A_322 = arith.index_cast %mul3A_319 : i32 to index
      %get3A_323 = tpu.vector_load %arg6[%get3A_321, %get3A_322] {strides = array<i32>} : memref<32x1024xf32, #tpu.memory_space<vmem>>, vector<1x16xf32>,
      %get3A_324 = vector.shape_cast %get3A_323 : vector<1x16xf32> to vector<16xf32>
      %add3A_325 = arith.addf %get3A_206, %get3A_324 : vector<16xf32>
      %mul3A_326 = arith.constant 16 : i32
      %mul3A_327 = arith.muli %scan3A_199, %mul3A_326 : i32
      %swap3A_328 = arith.constant 7 : i32
      %swap3A_329 = arith.index_cast %swap3A_328 : i32 to index
      %swap3A_330 = arith.index_cast %mul3A_327 : i32 to index
      %swap3A_331 = tpu.vector_load %arg7[%swap3A_329, %swap3A_330] {strides = array<i32>} : memref<64x1024xf32, #tpu.memory_space<vmem>>, vector<1x16xf32>,
      %swap3A_332 = vector.shape_cast %swap3A_331 : vector<1x16xf32> to vector<16xf32>
      %swap3A_333 = vector.shape_cast %add3A_325 : vector<16xf32> to vector<1x16xf32>
      tpu.vector_store %arg7[%swap3A_329, %swap3A_330], %swap3A_333 {strides = array<i32>} : memref<64x1024xf32, #tpu.memory_space<vmem>>, vector<1x16xf32>,
      %mul3A_334 = arith.constant 16 : i32
      %mul3A_335 = arith.muli %scan3A_199, %mul3A_334 : i32
      %get3A_336 = arith.constant 8 : i32
      %get3A_337 = arith.index_cast %get3A_336 : i32 to index
      %get3A_338 = arith.index_cast %mul3A_335 : i32 to index
      %get3A_339 = tpu.vector_load %arg6[%get3A_337, %get3A_338] {strides = array<i32>} : memref<32x1024xf32, #tpu.memory_space<vmem>>, vector<1x16xf32>,
      %get3A_340 = vector.shape_cast %get3A_339 : vector<1x16xf32> to vector<16xf32>
      %add3A_341 = arith.addf %get3A_206, %get3A_340 : vector<16xf32>
      %mul3A_342 = arith.constant 16 : i32
      %mul3A_343 = arith.muli %scan3A_199, %mul3A_342 : i32
      %swap3A_344 = arith.constant 8 : i32
      %swap3A_345 = arith.index_cast %swap3A_344 : i32 to index
      %swap3A_346 = arith.index_cast %mul3A_343 : i32 to index
      %swap3A_347 = tpu.vector_load %arg7[%swap3A_345, %swap3A_346] {strides = array<i32>} : memref<64x1024xf32, #tpu.memory_space<vmem>>, vector<1x16xf32>,
      %swap3A_348 = vector.shape_cast %swap3A_347 : vector<1x16xf32> to vector<16xf32>
      %swap3A_349 = vector.shape_cast %add3A_341 : vector<16xf32> to vector<1x16xf32>
      tpu.vector_store %arg7[%swap3A_345, %swap3A_346], %swap3A_349 {strides = array<i32>} : memref<64x1024xf32, #tpu.memory_space<vmem>>, vector<1x16xf32>,
      %mul3A_350 = arith.constant 16 : i32
      %mul3A_351 = arith.muli %scan3A_199, %mul3A_350 : i32
      %get3A_352 = arith.constant 9 : i32
      %get3A_353 = arith.index_cast %get3A_352 : i32 to index
      %get3A_354 = arith.index_cast %mul3A_351 : i32 to index
      %get3A_355 = tpu.vector_load %arg6[%get3A_353, %get3A_354] {strides = array<i32>} : memref<32x1024xf32, #tpu.memory_space<vmem>>, vector<1x16xf32>,
      %get3A_356 = vector.shape_cast %get3A_355 : vector<1x16xf32> to vector<16xf32>
      %add3A_357 = arith.addf %get3A_206, %get3A_356 : vector<16xf32>
      %mul3A_358 = arith.constant 16 : i32
      %mul3A_359 = arith.muli %scan3A_199, %mul3A_358 : i32
      %swap3A_360 = arith.constant 9 : i32
      %swap3A_361 = arith.index_cast %swap3A_360 : i32 to index
      %swap3A_362 = arith.index_cast %mul3A_359 : i32 to index
      %swap3A_363 = tpu.vector_load %arg7[%swap3A_361, %swap3A_362] {strides = array<i32>} : memref<64x1024xf32, #tpu.memory_space<vmem>>, vector<1x16xf32>,
      %swap3A_364 = vector.shape_cast %swap3A_363 : vector<1x16xf32> to vector<16xf32>
      %swap3A_365 = vector.shape_cast %add3A_357 : vector<16xf32> to vector<1x16xf32>
      tpu.vector_store %arg7[%swap3A_361, %swap3A_362], %swap3A_365 {strides = array<i32>} : memref<64x1024xf32, #tpu.memory_space<vmem>>, vector<1x16xf32>,
      %mul3A_366 = arith.constant 16 : i32
      %mul3A_367 = arith.muli %scan3A_199, %mul3A_366 : i32
      %get3A_368 = arith.constant 10 : i32
      %get3A_369 = arith.index_cast %get3A_368 : i32 to index
      %get3A_370 = arith.index_cast %mul3A_367 : i32 to index
      %get3A_371 = tpu.vector_load %arg6[%get3A_369, %get3A_370] {strides = array<i32>} : memref<32x1024xf32, #tpu.memory_space<vmem>>, vector<1x16xf32>,
      %get3A_372 = vector.shape_cast %get3A_371 : vector<1x16xf32> to vector<16xf32>
      %add3A_373 = arith.addf %get3A_206, %get3A_372 : vector<16xf32>
      %mul3A_374 = arith.constant 16 : i32
      %mul3A_375 = arith.muli %scan3A_199, %mul3A_374 : i32
      %swap3A_376 = arith.constant 10 : i32
      %swap3A_377 = arith.index_cast %swap3A_376 : i32 to index
      %swap3A_378 = arith.index_cast %mul3A_375 : i32 to index
      %swap3A_379 = tpu.vector_load %arg7[%swap3A_377, %swap3A_378] {strides = array<i32>} : memref<64x1024xf32, #tpu.memory_space<vmem>>, vector<1x16xf32>,
      %swap3A_380 = vector.shape_cast %swap3A_379 : vector<1x16xf32> to vector<16xf32>
      %swap3A_381 = vector.shape_cast %add3A_373 : vector<16xf32> to vector<1x16xf32>
      tpu.vector_store %arg7[%swap3A_377, %swap3A_378], %swap3A_381 {strides = array<i32>} : memref<64x1024xf32, #tpu.memory_space<vmem>>, vector<1x16xf32>,
      %mul3A_382 = arith.constant 16 : i32
      %mul3A_383 = arith.muli %scan3A_199, %mul3A_382 : i32
      %get3A_384 = arith.constant 11 : i32
      %get3A_385 = arith.index_cast %get3A_384 : i32 to index
      %get3A_386 = arith.index_cast %mul3A_383 : i32 to index
      %get3A_387 = tpu.vector_load %arg6[%get3A_385, %get3A_386] {strides = array<i32>} : memref<32x1024xf32, #tpu.memory_space<vmem>>, vector<1x16xf32>,
      %get3A_388 = vector.shape_cast %get3A_387 : vector<1x16xf32> to vector<16xf32>
      %add3A_389 = arith.addf %get3A_206, %get3A_388 : vector<16xf32>
      %mul3A_390 = arith.constant 16 : i32
      %mul3A_391 = arith.muli %scan3A_199, %mul3A_390 : i32
      %swap3A_392 = arith.constant 11 : i32
      %swap3A_393 = arith.index_cast %swap3A_392 : i32 to index
      %swap3A_394 = arith.index_cast %mul3A_391 : i32 to index
      %swap3A_395 = tpu.vector_load %arg7[%swap3A_393, %swap3A_394] {strides = array<i32>} : memref<64x1024xf32, #tpu.memory_space<vmem>>, vector<1x16xf32>,
      %swap3A_396 = vector.shape_cast %swap3A_395 : vector<1x16xf32> to vector<16xf32>
      %swap3A_397 = vector.shape_cast %add3A_389 : vector<16xf32> to vector<1x16xf32>
      tpu.vector_store %arg7[%swap3A_393, %swap3A_394], %swap3A_397 {strides = array<i32>} : memref<64x1024xf32, #tpu.memory_space<vmem>>, vector<1x16xf32>,
      %mul3A_398 = arith.constant 16 : i32
      %mul3A_399 = arith.muli %scan3A_199, %mul3A_398 : i32
      %get3A_400 = arith.constant 12 : i32
      %get3A_401 = arith.index_cast %get3A_400 : i32 to index
      %get3A_402 = arith.index_cast %mul3A_399 : i32 to index
      %get3A_403 = tpu.vector_load %arg6[%get3A_401, %get3A_402] {strides = array<i32>} : memref<32x1024xf32, #tpu.memory_space<vmem>>, vector<1x16xf32>,
      %get3A_404 = vector.shape_cast %get3A_403 : vector<1x16xf32> to vector<16xf32>
      %add3A_405 = arith.addf %get3A_206, %get3A_404 : vector<16xf32>
      %mul3A_406 = arith.constant 16 : i32
      %mul3A_407 = arith.muli %scan3A_199, %mul3A_406 : i32
      %swap3A_408 = arith.constant 12 : i32
      %swap3A_409 = arith.index_cast %swap3A_408 : i32 to index
      %swap3A_410 = arith.index_cast %mul3A_407 : i32 to index
      %swap3A_411 = tpu.vector_load %arg7[%swap3A_409, %swap3A_410] {strides = array<i32>} : memref<64x1024xf32, #tpu.memory_space<vmem>>, vector<1x16xf32>,
      %swap3A_412 = vector.shape_cast %swap3A_411 : vector<1x16xf32> to vector<16xf32>
      %swap3A_413 = vector.shape_cast %add3A_405 : vector<16xf32> to vector<1x16xf32>
      tpu.vector_store %arg7[%swap3A_409, %swap3A_410], %swap3A_413 {strides = array<i32>} : memref<64x1024xf32, #tpu.memory_space<vmem>>, vector<1x16xf32>,
      %mul3A_414 = arith.constant 16 : i32
      %mul3A_415 = arith.muli %scan3A_199, %mul3A_414 : i32
      %get3A_416 = arith.constant 13 : i32
      %get3A_417 = arith.index_cast %get3A_416 : i32 to index
      %get3A_418 = arith.index_cast %mul3A_415 : i32 to index
      %get3A_419 = tpu.vector_load %arg6[%get3A_417, %get3A_418] {strides = array<i32>} : memref<32x1024xf32, #tpu.memory_space<vmem>>, vector<1x16xf32>,
      %get3A_420 = vector.shape_cast %get3A_419 : vector<1x16xf32> to vector<16xf32>
      %add3A_421 = arith.addf %get3A_206, %get3A_420 : vector<16xf32>
      %mul3A_422 = arith.constant 16 : i32
      %mul3A_423 = arith.muli %scan3A_199, %mul3A_422 : i32
      %swap3A_424 = arith.constant 13 : i32
      %swap3A_425 = arith.index_cast %swap3A_424 : i32 to index
      %swap3A_426 = arith.index_cast %mul3A_423 : i32 to index
      %swap3A_427 = tpu.vector_load %arg7[%swap3A_425, %swap3A_426] {strides = array<i32>} : memref<64x1024xf32, #tpu.memory_space<vmem>>, vector<1x16xf32>,
      %swap3A_428 = vector.shape_cast %swap3A_427 : vector<1x16xf32> to vector<16xf32>
      %swap3A_429 = vector.shape_cast %add3A_421 : vector<16xf32> to vector<1x16xf32>
      tpu.vector_store %arg7[%swap3A_425, %swap3A_426], %swap3A_429 {strides = array<i32>} : memref<64x1024xf32, #tpu.memory_space<vmem>>, vector<1x16xf32>,
      %mul3A_430 = arith.constant 16 : i32
      %mul3A_431 = arith.muli %scan3A_199, %mul3A_430 : i32
      %get3A_432 = arith.constant 14 : i32
      %get3A_433 = arith.index_cast %get3A_432 : i32 to index
      %get3A_434 = arith.index_cast %mul3A_431 : i32 to index
      %get3A_435 = tpu.vector_load %arg6[%get3A_433, %get3A_434] {strides = array<i32>} : memref<32x1024xf32, #tpu.memory_space<vmem>>, vector<1x16xf32>,
      %get3A_436 = vector.shape_cast %get3A_435 : vector<1x16xf32> to vector<16xf32>
      %add3A_437 = arith.addf %get3A_206, %get3A_436 : vector<16xf32>
      %mul3A_438 = arith.constant 16 : i32
      %mul3A_439 = arith.muli %scan3A_199, %mul3A_438 : i32
      %swap3A_440 = arith.constant 14 : i32
      %swap3A_441 = arith.index_cast %swap3A_440 : i32 to index
      %swap3A_442 = arith.index_cast %mul3A_439 : i32 to index
      %swap3A_443 = tpu.vector_load %arg7[%swap3A_441, %swap3A_442] {strides = array<i32>} : memref<64x1024xf32, #tpu.memory_space<vmem>>, vector<1x16xf32>,
      %swap3A_444 = vector.shape_cast %swap3A_443 : vector<1x16xf32> to vector<16xf32>
      %swap3A_445 = vector.shape_cast %add3A_437 : vector<16xf32> to vector<1x16xf32>
      tpu.vector_store %arg7[%swap3A_441, %swap3A_442], %swap3A_445 {strides = array<i32>} : memref<64x1024xf32, #tpu.memory_space<vmem>>, vector<1x16xf32>,
      %mul3A_446 = arith.constant 16 : i32
      %mul3A_447 = arith.muli %scan3A_199, %mul3A_446 : i32
      %get3A_448 = arith.constant 15 : i32
      %get3A_449 = arith.index_cast %get3A_448 : i32 to index
      %get3A_450 = arith.index_cast %mul3A_447 : i32 to index
      %get3A_451 = tpu.vector_load %arg6[%get3A_449, %get3A_450] {strides = array<i32>} : memref<32x1024xf32, #tpu.memory_space<vmem>>, vector<1x16xf32>,
      %get3A_452 = vector.shape_cast %get3A_451 : vector<1x16xf32> to vector<16xf32>
      %add3A_453 = arith.addf %get3A_206, %get3A_452 : vector<16xf32>
      %mul3A_454 = arith.constant 16 : i32
      %mul3A_455 = arith.muli %scan3A_199, %mul3A_454 : i32
      %swap3A_456 = arith.constant 15 : i32
      %swap3A_457 = arith.index_cast %swap3A_456 : i32 to index
      %swap3A_458 = arith.index_cast %mul3A_455 : i32 to index
      %swap3A_459 = tpu.vector_load %arg7[%swap3A_457, %swap3A_458] {strides = array<i32>} : memref<64x1024xf32, #tpu.memory_space<vmem>>, vector<1x16xf32>,
      %swap3A_460 = vector.shape_cast %swap3A_459 : vector<1x16xf32> to vector<16xf32>
      %swap3A_461 = vector.shape_cast %add3A_453 : vector<16xf32> to vector<1x16xf32>
      tpu.vector_store %arg7[%swap3A_457, %swap3A_458], %swap3A_461 {strides = array<i32>} : memref<64x1024xf32, #tpu.memory_space<vmem>>, vector<1x16xf32>,
      %mul3A_462 = arith.constant 16 : i32
      %mul3A_463 = arith.muli %scan3A_199, %mul3A_462 : i32
      %get3A_464 = arith.constant 16 : i32
      %get3A_465 = arith.index_cast %get3A_464 : i32 to index
      %get3A_466 = arith.index_cast %mul3A_463 : i32 to index
      %get3A_467 = tpu.vector_load %arg6[%get3A_465, %get3A_466] {strides = array<i32>} : memref<32x1024xf32, #tpu.memory_space<vmem>>, vector<1x16xf32>,
      %get3A_468 = vector.shape_cast %get3A_467 : vector<1x16xf32> to vector<16xf32>
      %add3A_469 = arith.addf %get3A_206, %get3A_468 : vector<16xf32>
      %mul3A_470 = arith.constant 16 : i32
      %mul3A_471 = arith.muli %scan3A_199, %mul3A_470 : i32
      %swap3A_472 = arith.constant 16 : i32
      %swap3A_473 = arith.index_cast %swap3A_472 : i32 to index
      %swap3A_474 = arith.index_cast %mul3A_471 : i32 to index
      %swap3A_475 = tpu.vector_load %arg7[%swap3A_473, %swap3A_474] {strides = array<i32>} : memref<64x1024xf32, #tpu.memory_space<vmem>>, vector<1x16xf32>,
      %swap3A_476 = vector.shape_cast %swap3A_475 : vector<1x16xf32> to vector<16xf32>
      %swap3A_477 = vector.shape_cast %add3A_469 : vector<16xf32> to vector<1x16xf32>
      tpu.vector_store %arg7[%swap3A_473, %swap3A_474], %swap3A_477 {strides = array<i32>} : memref<64x1024xf32, #tpu.memory_space<vmem>>, vector<1x16xf32>,
      %mul3A_478 = arith.constant 16 : i32
      %mul3A_479 = arith.muli %scan3A_199, %mul3A_478 : i32
      %get3A_480 = arith.constant 17 : i32
      %get3A_481 = arith.index_cast %get3A_480 : i32 to index
      %get3A_482 = arith.index_cast %mul3A_479 : i32 to index
      %get3A_483 = tpu.vector_load %arg6[%get3A_481, %get3A_482] {strides = array<i32>} : memref<32x1024xf32, #tpu.memory_space<vmem>>, vector<1x16xf32>,
      %get3A_484 = vector.shape_cast %get3A_483 : vector<1x16xf32> to vector<16xf32>
      %add3A_485 = arith.addf %get3A_206, %get3A_484 : vector<16xf32>
      %mul3A_486 = arith.constant 16 : i32
      %mul3A_487 = arith.muli %scan3A_199, %mul3A_486 : i32
      %swap3A_488 = arith.constant 17 : i32
      %swap3A_489 = arith.index_cast %swap3A_488 : i32 to index
      %swap3A_490 = arith.index_cast %mul3A_487 : i32 to index
      %swap3A_491 = tpu.vector_load %arg7[%swap3A_489, %swap3A_490] {strides = array<i32>} : memref<64x1024xf32, #tpu.memory_space<vmem>>, vector<1x16xf32>,
      %swap3A_492 = vector.shape_cast %swap3A_491 : vector<1x16xf32> to vector<16xf32>
      %swap3A_493 = vector.shape_cast %add3A_485 : vector<16xf32> to vector<1x16xf32>
      tpu.vector_store %arg7[%swap3A_489, %swap3A_490], %swap3A_493 {strides = array<i32>} : memref<64x1024xf32, #tpu.memory_space<vmem>>, vector<1x16xf32>,
      %mul3A_494 = arith.constant 16 : i32
      %mul3A_495 = arith.muli %scan3A_199, %mul3A_494 : i32
      %get3A_496 = arith.constant 18 : i32
      %get3A_497 = arith.index_cast %get3A_496 : i32 to index
      %get3A_498 = arith.index_cast %mul3A_495 : i32 to index
      %get3A_499 = tpu.vector_load %arg6[%get3A_497, %get3A_498] {strides = array<i32>} : memref<32x1024xf32, #tpu.memory_space<vmem>>, vector<1x16xf32>,
      %get3A_500 = vector.shape_cast %get3A_499 : vector<1x16xf32> to vector<16xf32>
      %add3A_501 = arith.addf %get3A_206, %get3A_500 : vector<16xf32>
      %mul3A_502 = arith.constant 16 : i32
      %mul3A_503 = arith.muli %scan3A_199, %mul3A_502 : i32
      %swap3A_504 = arith.constant 18 : i32
      %swap3A_505 = arith.index_cast %swap3A_504 : i32 to index
      %swap3A_506 = arith.index_cast %mul3A_503 : i32 to index
      %swap3A_507 = tpu.vector_load %arg7[%swap3A_505, %swap3A_506] {strides = array<i32>} : memref<64x1024xf32, #tpu.memory_space<vmem>>, vector<1x16xf32>,
      %swap3A_508 = vector.shape_cast %swap3A_507 : vector<1x16xf32> to vector<16xf32>
      %swap3A_509 = vector.shape_cast %add3A_501 : vector<16xf32> to vector<1x16xf32>
      tpu.vector_store %arg7[%swap3A_505, %swap3A_506], %swap3A_509 {strides = array<i32>} : memref<64x1024xf32, #tpu.memory_space<vmem>>, vector<1x16xf32>,
      %mul3A_510 = arith.constant 16 : i32
      %mul3A_511 = arith.muli %scan3A_199, %mul3A_510 : i32
      %get3A_512 = arith.constant 19 : i32
      %get3A_513 = arith.index_cast %get3A_512 : i32 to index
      %get3A_514 = arith.index_cast %mul3A_511 : i32 to index
      %get3A_515 = tpu.vector_load %arg6[%get3A_513, %get3A_514] {strides = array<i32>} : memref<32x1024xf32, #tpu.memory_space<vmem>>, vector<1x16xf32>,
      %get3A_516 = vector.shape_cast %get3A_515 : vector<1x16xf32> to vector<16xf32>
      %add3A_517 = arith.addf %get3A_206, %get3A_516 : vector<16xf32>
      %mul3A_518 = arith.constant 16 : i32
      %mul3A_519 = arith.muli %scan3A_199, %mul3A_518 : i32
      %swap3A_520 = arith.constant 19 : i32
      %swap3A_521 = arith.index_cast %swap3A_520 : i32 to index
      %swap3A_522 = arith.index_cast %mul3A_519 : i32 to index
      %swap3A_523 = tpu.vector_load %arg7[%swap3A_521, %swap3A_522] {strides = array<i32>} : memref<64x1024xf32, #tpu.memory_space<vmem>>, vector<1x16xf32>,
      %swap3A_524 = vector.shape_cast %swap3A_523 : vector<1x16xf32> to vector<16xf32>
      %swap3A_525 = vector.shape_cast %add3A_517 : vector<16xf32> to vector<1x16xf32>
      tpu.vector_store %arg7[%swap3A_521, %swap3A_522], %swap3A_525 {strides = array<i32>} : memref<64x1024xf32, #tpu.memory_space<vmem>>, vector<1x16xf32>,
      %mul3A_526 = arith.constant 16 : i32
      %mul3A_527 = arith.muli %scan3A_199, %mul3A_526 : i32
      %get3A_528 = arith.constant 20 : i32
      %get3A_529 = arith.index_cast %get3A_528 : i32 to index
      %get3A_530 = arith.index_cast %mul3A_527 : i32 to index
      %get3A_531 = tpu.vector_load %arg6[%get3A_529, %get3A_530] {strides = array<i32>} : memref<32x1024xf32, #tpu.memory_space<vmem>>, vector<1x16xf32>,
      %get3A_532 = vector.shape_cast %get3A_531 : vector<1x16xf32> to vector<16xf32>
      %add3A_533 = arith.addf %get3A_206, %get3A_532 : vector<16xf32>
      %mul3A_534 = arith.constant 16 : i32
      %mul3A_535 = arith.muli %scan3A_199, %mul3A_534 : i32
      %swap3A_536 = arith.constant 20 : i32
      %swap3A_537 = arith.index_cast %swap3A_536 : i32 to index
      %swap3A_538 = arith.index_cast %mul3A_535 : i32 to index
      %swap3A_539 = tpu.vector_load %arg7[%swap3A_537, %swap3A_538] {strides = array<i32>} : memref<64x1024xf32, #tpu.memory_space<vmem>>, vector<1x16xf32>,
      %swap3A_540 = vector.shape_cast %swap3A_539 : vector<1x16xf32> to vector<16xf32>
      %swap3A_541 = vector.shape_cast %add3A_533 : vector<16xf32> to vector<1x16xf32>
      tpu.vector_store %arg7[%swap3A_537, %swap3A_538], %swap3A_541 {strides = array<i32>} : memref<64x1024xf32, #tpu.memory_space<vmem>>, vector<1x16xf32>,
      %mul3A_542 = arith.constant 16 : i32
      %mul3A_543 = arith.muli %scan3A_199, %mul3A_542 : i32
      %get3A_544 = arith.constant 21 : i32
      %get3A_545 = arith.index_cast %get3A_544 : i32 to index
      %get3A_546 = arith.index_cast %mul3A_543 : i32 to index
      %get3A_547 = tpu.vector_load %arg6[%get3A_545, %get3A_546] {strides = array<i32>} : memref<32x1024xf32, #tpu.memory_space<vmem>>, vector<1x16xf32>,
      %get3A_548 = vector.shape_cast %get3A_547 : vector<1x16xf32> to vector<16xf32>
      %add3A_549 = arith.addf %get3A_206, %get3A_548 : vector<16xf32>
      %mul3A_550 = arith.constant 16 : i32
      %mul3A_551 = arith.muli %scan3A_199, %mul3A_550 : i32
      %swap3A_552 = arith.constant 21 : i32
      %swap3A_553 = arith.index_cast %swap3A_552 : i32 to index
      %swap3A_554 = arith.index_cast %mul3A_551 : i32 to index
      %swap3A_555 = tpu.vector_load %arg7[%swap3A_553, %swap3A_554] {strides = array<i32>} : memref<64x1024xf32, #tpu.memory_space<vmem>>, vector<1x16xf32>,
      %swap3A_556 = vector.shape_cast %swap3A_555 : vector<1x16xf32> to vector<16xf32>
      %swap3A_557 = vector.shape_cast %add3A_549 : vector<16xf32> to vector<1x16xf32>
      tpu.vector_store %arg7[%swap3A_553, %swap3A_554], %swap3A_557 {strides = array<i32>} : memref<64x1024xf32, #tpu.memory_space<vmem>>, vector<1x16xf32>,
      %mul3A_558 = arith.constant 16 : i32
      %mul3A_559 = arith.muli %scan3A_199, %mul3A_558 : i32
      %get3A_560 = arith.constant 22 : i32
      %get3A_561 = arith.index_cast %get3A_560 : i32 to index
      %get3A_562 = arith.index_cast %mul3A_559 : i32 to index
      %get3A_563 = tpu.vector_load %arg6[%get3A_561, %get3A_562] {strides = array<i32>} : memref<32x1024xf32, #tpu.memory_space<vmem>>, vector<1x16xf32>,
      %get3A_564 = vector.shape_cast %get3A_563 : vector<1x16xf32> to vector<16xf32>
      %add3A_565 = arith.addf %get3A_206, %get3A_564 : vector<16xf32>
      %mul3A_566 = arith.constant 16 : i32
      %mul3A_567 = arith.muli %scan3A_199, %mul3A_566 : i32
      %swap3A_568 = arith.constant 22 : i32
      %swap3A_569 = arith.index_cast %swap3A_568 : i32 to index
      %swap3A_570 = arith.index_cast %mul3A_567 : i32 to index
      %swap3A_571 = tpu.vector_load %arg7[%swap3A_569, %swap3A_570] {strides = array<i32>} : memref<64x1024xf32, #tpu.memory_space<vmem>>, vector<1x16xf32>,
      %swap3A_572 = vector.shape_cast %swap3A_571 : vector<1x16xf32> to vector<16xf32>
      %swap3A_573 = vector.shape_cast %add3A_565 : vector<16xf32> to vector<1x16xf32>
      tpu.vector_store %arg7[%swap3A_569, %swap3A_570], %swap3A_573 {strides = array<i32>} : memref<64x1024xf32, #tpu.memory_space<vmem>>, vector<1x16xf32>,
      %mul3A_574 = arith.constant 16 : i32
      %mul3A_575 = arith.muli %scan3A_199, %mul3A_574 : i32
      %get3A_576 = arith.constant 23 : i32
      %get3A_577 = arith.index_cast %get3A_576 : i32 to index
      %get3A_578 = arith.index_cast %mul3A_575 : i32 to index
      %get3A_579 = tpu.vector_load %arg6[%get3A_577, %get3A_578] {strides = array<i32>} : memref<32x1024xf32, #tpu.memory_space<vmem>>, vector<1x16xf32>,
      %get3A_580 = vector.shape_cast %get3A_579 : vector<1x16xf32> to vector<16xf32>
      %add3A_581 = arith.addf %get3A_206, %get3A_580 : vector<16xf32>
      %mul3A_582 = arith.constant 16 : i32
      %mul3A_583 = arith.muli %scan3A_199, %mul3A_582 : i32
      %swap3A_584 = arith.constant 23 : i32
      %swap3A_585 = arith.index_cast %swap3A_584 : i32 to index
      %swap3A_586 = arith.index_cast %mul3A_583 : i32 to index
      %swap3A_587 = tpu.vector_load %arg7[%swap3A_585, %swap3A_586] {strides = array<i32>} : memref<64x1024xf32, #tpu.memory_space<vmem>>, vector<1x16xf32>,
      %swap3A_588 = vector.shape_cast %swap3A_587 : vector<1x16xf32> to vector<16xf32>
      %swap3A_589 = vector.shape_cast %add3A_581 : vector<16xf32> to vector<1x16xf32>
      tpu.vector_store %arg7[%swap3A_585, %swap3A_586], %swap3A_589 {strides = array<i32>} : memref<64x1024xf32, #tpu.memory_space<vmem>>, vector<1x16xf32>,
      %mul3A_590 = arith.constant 16 : i32
      %mul3A_591 = arith.muli %scan3A_199, %mul3A_590 : i32
      %get3A_592 = arith.constant 24 : i32
      %get3A_593 = arith.index_cast %get3A_592 : i32 to index
      %get3A_594 = arith.index_cast %mul3A_591 : i32 to index
      %get3A_595 = tpu.vector_load %arg6[%get3A_593, %get3A_594] {strides = array<i32>} : memref<32x1024xf32, #tpu.memory_space<vmem>>, vector<1x16xf32>,
      %get3A_596 = vector.shape_cast %get3A_595 : vector<1x16xf32> to vector<16xf32>
      %add3A_597 = arith.addf %get3A_206, %get3A_596 : vector<16xf32>
      %mul3A_598 = arith.constant 16 : i32
      %mul3A_599 = arith.muli %scan3A_199, %mul3A_598 : i32
      %swap3A_600 = arith.constant 24 : i32
      %swap3A_601 = arith.index_cast %swap3A_600 : i32 to index
      %swap3A_602 = arith.index_cast %mul3A_599 : i32 to index
      %swap3A_603 = tpu.vector_load %arg7[%swap3A_601, %swap3A_602] {strides = array<i32>} : memref<64x1024xf32, #tpu.memory_space<vmem>>, vector<1x16xf32>,
      %swap3A_604 = vector.shape_cast %swap3A_603 : vector<1x16xf32> to vector<16xf32>
      %swap3A_605 = vector.shape_cast %add3A_597 : vector<16xf32> to vector<1x16xf32>
      tpu.vector_store %arg7[%swap3A_601, %swap3A_602], %swap3A_605 {strides = array<i32>} : memref<64x1024xf32, #tpu.memory_space<vmem>>, vector<1x16xf32>,
      %mul3A_606 = arith.constant 16 : i32
      %mul3A_607 = arith.muli %scan3A_199, %mul3A_606 : i32
      %get3A_608 = arith.constant 25 : i32
      %get3A_609 = arith.index_cast %get3A_608 : i32 to index
      %get3A_610 = arith.index_cast %mul3A_607 : i32 to index
      %get3A_611 = tpu.vector_load %arg6[%get3A_609, %get3A_610] {strides = array<i32>} : memref<32x1024xf32, #tpu.memory_space<vmem>>, vector<1x16xf32>,
      %get3A_612 = vector.shape_cast %get3A_611 : vector<1x16xf32> to vector<16xf32>
      %add3A_613 = arith.addf %get3A_206, %get3A_612 : vector<16xf32>
      %mul3A_614 = arith.constant 16 : i32
      %mul3A_615 = arith.muli %scan3A_199, %mul3A_614 : i32
      %swap3A_616 = arith.constant 25 : i32
      %swap3A_617 = arith.index_cast %swap3A_616 : i32 to index
      %swap3A_618 = arith.index_cast %mul3A_615 : i32 to index
      %swap3A_619 = tpu.vector_load %arg7[%swap3A_617, %swap3A_618] {strides = array<i32>} : memref<64x1024xf32, #tpu.memory_space<vmem>>, vector<1x16xf32>,
      %swap3A_620 = vector.shape_cast %swap3A_619 : vector<1x16xf32> to vector<16xf32>
      %swap3A_621 = vector.shape_cast %add3A_613 : vector<16xf32> to vector<1x16xf32>
      tpu.vector_store %arg7[%swap3A_617, %swap3A_618], %swap3A_621 {strides = array<i32>} : memref<64x1024xf32, #tpu.memory_space<vmem>>, vector<1x16xf32>,
      %mul3A_622 = arith.constant 16 : i32
      %mul3A_623 = arith.muli %scan3A_199, %mul3A_622 : i32
      %get3A_624 = arith.constant 26 : i32
      %get3A_625 = arith.index_cast %get3A_624 : i32 to index
      %get3A_626 = arith.index_cast %mul3A_623 : i32 to index
      %get3A_627 = tpu.vector_load %arg6[%get3A_625, %get3A_626] {strides = array<i32>} : memref<32x1024xf32, #tpu.memory_space<vmem>>, vector<1x16xf32>,
      %get3A_628 = vector.shape_cast %get3A_627 : vector<1x16xf32> to vector<16xf32>
      %add3A_629 = arith.addf %get3A_206, %get3A_628 : vector<16xf32>
      %mul3A_630 = arith.constant 16 : i32
      %mul3A_631 = arith.muli %scan3A_199, %mul3A_630 : i32
      %swap3A_632 = arith.constant 26 : i32
      %swap3A_633 = arith.index_cast %swap3A_632 : i32 to index
      %swap3A_634 = arith.index_cast %mul3A_631 : i32 to index
      %swap3A_635 = tpu.vector_load %arg7[%swap3A_633, %swap3A_634] {strides = array<i32>} : memref<64x1024xf32, #tpu.memory_space<vmem>>, vector<1x16xf32>,
      %swap3A_636 = vector.shape_cast %swap3A_635 : vector<1x16xf32> to vector<16xf32>
      %swap3A_637 = vector.shape_cast %add3A_629 : vector<16xf32> to vector<1x16xf32>
      tpu.vector_store %arg7[%swap3A_633, %swap3A_634], %swap3A_637 {strides = array<i32>} : memref<64x1024xf32, #tpu.memory_space<vmem>>, vector<1x16xf32>,
      %mul3A_638 = arith.constant 16 : i32
      %mul3A_639 = arith.muli %scan3A_199, %mul3A_638 : i32
      %get3A_640 = arith.constant 27 : i32
      %get3A_641 = arith.index_cast %get3A_640 : i32 to index
      %get3A_642 = arith.index_cast %mul3A_639 : i32 to index
      %get3A_643 = tpu.vector_load %arg6[%get3A_641, %get3A_642] {strides = array<i32>} : memref<32x1024xf32, #tpu.memory_space<vmem>>, vector<1x16xf32>,
      %get3A_644 = vector.shape_cast %get3A_643 : vector<1x16xf32> to vector<16xf32>
      %add3A_645 = arith.addf %get3A_206, %get3A_644 : vector<16xf32>
      %mul3A_646 = arith.constant 16 : i32
      %mul3A_647 = arith.muli %scan3A_199, %mul3A_646 : i32
      %swap3A_648 = arith.constant 27 : i32
      %swap3A_649 = arith.index_cast %swap3A_648 : i32 to index
      %swap3A_650 = arith.index_cast %mul3A_647 : i32 to index
      %swap3A_651 = tpu.vector_load %arg7[%swap3A_649, %swap3A_650] {strides = array<i32>} : memref<64x1024xf32, #tpu.memory_space<vmem>>, vector<1x16xf32>,
      %swap3A_652 = vector.shape_cast %swap3A_651 : vector<1x16xf32> to vector<16xf32>
      %swap3A_653 = vector.shape_cast %add3A_645 : vector<16xf32> to vector<1x16xf32>
      tpu.vector_store %arg7[%swap3A_649, %swap3A_650], %swap3A_653 {strides = array<i32>} : memref<64x1024xf32, #tpu.memory_space<vmem>>, vector<1x16xf32>,
      %mul3A_654 = arith.constant 16 : i32
      %mul3A_655 = arith.muli %scan3A_199, %mul3A_654 : i32
      %get3A_656 = arith.constant 28 : i32
      %get3A_657 = arith.index_cast %get3A_656 : i32 to index
      %get3A_658 = arith.index_cast %mul3A_655 : i32 to index
      %get3A_659 = tpu.vector_load %arg6[%get3A_657, %get3A_658] {strides = array<i32>} : memref<32x1024xf32, #tpu.memory_space<vmem>>, vector<1x16xf32>,
      %get3A_660 = vector.shape_cast %get3A_659 : vector<1x16xf32> to vector<16xf32>
      %add3A_661 = arith.addf %get3A_206, %get3A_660 : vector<16xf32>
      %mul3A_662 = arith.constant 16 : i32
      %mul3A_663 = arith.muli %scan3A_199, %mul3A_662 : i32
      %swap3A_664 = arith.constant 28 : i32
      %swap3A_665 = arith.index_cast %swap3A_664 : i32 to index
      %swap3A_666 = arith.index_cast %mul3A_663 : i32 to index
      %swap3A_667 = tpu.vector_load %arg7[%swap3A_665, %swap3A_666] {strides = array<i32>} : memref<64x1024xf32, #tpu.memory_space<vmem>>, vector<1x16xf32>,
      %swap3A_668 = vector.shape_cast %swap3A_667 : vector<1x16xf32> to vector<16xf32>
      %swap3A_669 = vector.shape_cast %add3A_661 : vector<16xf32> to vector<1x16xf32>
      tpu.vector_store %arg7[%swap3A_665, %swap3A_666], %swap3A_669 {strides = array<i32>} : memref<64x1024xf32, #tpu.memory_space<vmem>>, vector<1x16xf32>,
      %mul3A_670 = arith.constant 16 : i32
      %mul3A_671 = arith.muli %scan3A_199, %mul3A_670 : i32
      %get3A_672 = arith.constant 29 : i32
      %get3A_673 = arith.index_cast %get3A_672 : i32 to index
      %get3A_674 = arith.index_cast %mul3A_671 : i32 to index
      %get3A_675 = tpu.vector_load %arg6[%get3A_673, %get3A_674] {strides = array<i32>} : memref<32x1024xf32, #tpu.memory_space<vmem>>, vector<1x16xf32>,
      %get3A_676 = vector.shape_cast %get3A_675 : vector<1x16xf32> to vector<16xf32>
      %add3A_677 = arith.addf %get3A_206, %get3A_676 : vector<16xf32>
      %mul3A_678 = arith.constant 16 : i32
      %mul3A_679 = arith.muli %scan3A_199, %mul3A_678 : i32
      %swap3A_680 = arith.constant 29 : i32
      %swap3A_681 = arith.index_cast %swap3A_680 : i32 to index
      %swap3A_682 = arith.index_cast %mul3A_679 : i32 to index
      %swap3A_683 = tpu.vector_load %arg7[%swap3A_681, %swap3A_682] {strides = array<i32>} : memref<64x1024xf32, #tpu.memory_space<vmem>>, vector<1x16xf32>,
      %swap3A_684 = vector.shape_cast %swap3A_683 : vector<1x16xf32> to vector<16xf32>
      %swap3A_685 = vector.shape_cast %add3A_677 : vector<16xf32> to vector<1x16xf32>
      tpu.vector_store %arg7[%swap3A_681, %swap3A_682], %swap3A_685 {strides = array<i32>} : memref<64x1024xf32, #tpu.memory_space<vmem>>, vector<1x16xf32>,
      %mul3A_686 = arith.constant 16 : i32
      %mul3A_687 = arith.muli %scan3A_199, %mul3A_686 : i32
      %get3A_688 = arith.constant 30 : i32
      %get3A_689 = arith.index_cast %get3A_688 : i32 to index
      %get3A_690 = arith.index_cast %mul3A_687 : i32 to index
      %get3A_691 = tpu.vector_load %arg6[%get3A_689, %get3A_690] {strides = array<i32>} : memref<32x1024xf32, #tpu.memory_space<vmem>>, vector<1x16xf32>,
      %get3A_692 = vector.shape_cast %get3A_691 : vector<1x16xf32> to vector<16xf32>
      %add3A_693 = arith.addf %get3A_206, %get3A_692 : vector<16xf32>
      %mul3A_694 = arith.constant 16 : i32
      %mul3A_695 = arith.muli %scan3A_199, %mul3A_694 : i32
      %swap3A_696 = arith.constant 30 : i32
      %swap3A_697 = arith.index_cast %swap3A_696 : i32 to index
      %swap3A_698 = arith.index_cast %mul3A_695 : i32 to index
      %swap3A_699 = tpu.vector_load %arg7[%swap3A_697, %swap3A_698] {strides = array<i32>} : memref<64x1024xf32, #tpu.memory_space<vmem>>, vector<1x16xf32>,
      %swap3A_700 = vector.shape_cast %swap3A_699 : vector<1x16xf32> to vector<16xf32>
      %swap3A_701 = vector.shape_cast %add3A_693 : vector<16xf32> to vector<1x16xf32>
      tpu.vector_store %arg7[%swap3A_697, %swap3A_698], %swap3A_701 {strides = array<i32>} : memref<64x1024xf32, #tpu.memory_space<vmem>>, vector<1x16xf32>,
      %mul3A_702 = arith.constant 16 : i32
      %mul3A_703 = arith.muli %scan3A_199, %mul3A_702 : i32
      %get3A_704 = arith.constant 31 : i32
      %get3A_705 = arith.index_cast %get3A_704 : i32 to index
      %get3A_706 = arith.index_cast %mul3A_703 : i32 to index
      %get3A_707 = tpu.vector_load %arg6[%get3A_705, %get3A_706] {strides = array<i32>} : memref<32x1024xf32, #tpu.memory_space<vmem>>, vector<1x16xf32>,
      %get3A_708 = vector.shape_cast %get3A_707 : vector<1x16xf32> to vector<16xf32>
      %add3A_709 = arith.addf %get3A_206, %get3A_708 : vector<16xf32>
      %mul3A_710 = arith.constant 16 : i32
      %mul3A_711 = arith.muli %scan3A_199, %mul3A_710 : i32
      %swap3A_712 = arith.constant 31 : i32
      %swap3A_713 = arith.index_cast %swap3A_712 : i32 to index
      %swap3A_714 = arith.index_cast %mul3A_711 : i32 to index
      %swap3A_715 = tpu.vector_load %arg7[%swap3A_713, %swap3A_714] {strides = array<i32>} : memref<64x1024xf32, #tpu.memory_space<vmem>>, vector<1x16xf32>,
      %swap3A_716 = vector.shape_cast %swap3A_715 : vector<1x16xf32> to vector<16xf32>
      %swap3A_717 = vector.shape_cast %add3A_709 : vector<16xf32> to vector<1x16xf32>
      tpu.vector_store %arg7[%swap3A_713, %swap3A_714], %swap3A_717 {strides = array<i32>} : memref<64x1024xf32, #tpu.memory_space<vmem>>, vector<1x16xf32>,
      %scan3A_718 = arith.constant 0 : i32
      scf.yield %scan3A_718 : i32
    }
    %scan3A_8 = arith.constant 64 : i32
    "tpu.region"() ({
      %run_scoped3A = tpu.sem_alloc : memref<!tpu.dma_semaphore, #tpu.memory_space<semaphore_mem>>
      %dma_start3A_199 = arith.constant 32 : i32
      %dma_start3A_200 = arith.constant 0 : i32
      %dma_start3A_201 = tpu.memref_slice %arg3[%dma_start3A_199, %dma_start3A_200] : memref<64x1024xf32, #tpu.memory_space<hbm>> -> memref<32x1024xf32, #tpu.memory_space<hbm>>
      %dma_start3A_202 = arith.constant 32 : i32
      %dma_start3A_203 = arith.constant 0 : i32
      %dma_start3A_204 = tpu.memref_slice %arg3[%dma_start3A_202, %dma_start3A_203] : memref<64x1024xf32, #tpu.memory_space<hbm>> -> memref<32x1024xf32, #tpu.memory_space<hbm>>
      tpu.enqueue_dma source(%dma_start3A_204 : memref<32x1024xf32, #tpu.memory_space<hbm>>) target(%arg6 : memref<32x1024xf32, #tpu.memory_space<vmem>>) target_semaphore(%run_scoped3A : memref<!tpu.dma_semaphore, #tpu.memory_space<semaphore_mem>>)
      %dma_wait3A_205 = arith.constant 32 : i32
      %dma_wait3A_206 = arith.constant 0 : i32
      %dma_wait3A_207 = tpu.memref_slice %arg3[%dma_wait3A_205, %dma_wait3A_206] : memref<64x1024xf32, #tpu.memory_space<hbm>> -> memref<32x1024xf32, #tpu.memory_space<hbm>>
      %dma_wait3A_208 = arith.constant 32 : i32
      %dma_wait3A_209 = arith.constant 0 : i32
      %dma_wait3A_210 = tpu.memref_slice %arg3[%dma_wait3A_208, %dma_wait3A_209] : memref<64x1024xf32, #tpu.memory_space<hbm>> -> memref<32x1024xf32, #tpu.memory_space<hbm>>
      tpu.wait_dma2 semaphore(%run_scoped3A : memref<!tpu.dma_semaphore, #tpu.memory_space<semaphore_mem>>) src(%dma_wait3A_210 : memref<32x1024xf32, #tpu.memory_space<hbm>>) dst(%arg6 : memref<32x1024xf32, #tpu.memory_space<vmem>>)
      tpu.yield
    }) : () -> ()
    %scan3A_9 = arith.constant 0 : i32
    %scan3A_10 = arith.constant 0 : i32
    %scan3A_11 = arith.constant 64 : i32
    %scan3A_12 = arith.addi %scan3A_10, %scan3A_11 : i32
    %scan3A_13 = arith.constant 1 : i32
    %scan3A_14 = scf.for %scan3A_199 = %scan3A_10 to %scan3A_12 step %scan3A_13 iter_args(%scan3A_200 = %scan3A_9) -> (i32)  : i32 {
      %mul3A_201 = arith.constant 16 : i32
      %mul3A_202 = arith.muli %scan3A_199, %mul3A_201 : i32
      %get3A = arith.constant 0 : i32
      %get3A_203 = arith.index_cast %get3A : i32 to index
      %get3A_204 = arith.index_cast %mul3A_202 : i32 to index
      %get3A_205 = tpu.vector_load %arg5[%get3A_203, %get3A_204] {strides = array<i32>} : memref<2x1024xf32, #tpu.memory_space<vmem>>, vector<1x16xf32>,
      %get3A_206 = vector.shape_cast %get3A_205 : vector<1x16xf32> to vector<16xf32>
      %mul3A_207 = arith.constant 16 : i32
      %mul3A_208 = arith.muli %scan3A_199, %mul3A_207 : i32
      %get3A_209 = arith.constant 0 : i32
      %get3A_210 = arith.index_cast %get3A_209 : i32 to index
      %get3A_211 = arith.index_cast %mul3A_208 : i32 to index
      %get3A_212 = tpu.vector_load %arg6[%get3A_210, %get3A_211] {strides = array<i32>} : memref<32x1024xf32, #tpu.memory_space<vmem>>, vector<1x16xf32>,
      %get3A_213 = vector.shape_cast %get3A_212 : vector<1x16xf32> to vector<16xf32>
      %add3A_214 = arith.addf %get3A_206, %get3A_213 : vector<16xf32>
      %mul3A_215 = arith.constant 16 : i32
      %mul3A_216 = arith.muli %scan3A_199, %mul3A_215 : i32
      %swap3A = arith.constant 32 : i32
      %swap3A_217 = arith.index_cast %swap3A : i32 to index
      %swap3A_218 = arith.index_cast %mul3A_216 : i32 to index
      %swap3A_219 = tpu.vector_load %arg7[%swap3A_217, %swap3A_218] {strides = array<i32>} : memref<64x1024xf32, #tpu.memory_space<vmem>>, vector<1x16xf32>,
      %swap3A_220 = vector.shape_cast %swap3A_219 : vector<1x16xf32> to vector<16xf32>
      %swap3A_221 = vector.shape_cast %add3A_214 : vector<16xf32> to vector<1x16xf32>
      tpu.vector_store %arg7[%swap3A_217, %swap3A_218], %swap3A_221 {strides = array<i32>} : memref<64x1024xf32, #tpu.memory_space<vmem>>, vector<1x16xf32>,
      %mul3A_222 = arith.constant 16 : i32
      %mul3A_223 = arith.muli %scan3A_199, %mul3A_222 : i32
      %get3A_224 = arith.constant 1 : i32
      %get3A_225 = arith.index_cast %get3A_224 : i32 to index
      %get3A_226 = arith.index_cast %mul3A_223 : i32 to index
      %get3A_227 = tpu.vector_load %arg6[%get3A_225, %get3A_226] {strides = array<i32>} : memref<32x1024xf32, #tpu.memory_space<vmem>>, vector<1x16xf32>,
      %get3A_228 = vector.shape_cast %get3A_227 : vector<1x16xf32> to vector<16xf32>
      %add3A_229 = arith.addf %get3A_206, %get3A_228 : vector<16xf32>
      %mul3A_230 = arith.constant 16 : i32
      %mul3A_231 = arith.muli %scan3A_199, %mul3A_230 : i32
      %swap3A_232 = arith.constant 33 : i32
      %swap3A_233 = arith.index_cast %swap3A_232 : i32 to index
      %swap3A_234 = arith.index_cast %mul3A_231 : i32 to index
      %swap3A_235 = tpu.vector_load %arg7[%swap3A_233, %swap3A_234] {strides = array<i32>} : memref<64x1024xf32, #tpu.memory_space<vmem>>, vector<1x16xf32>,
      %swap3A_236 = vector.shape_cast %swap3A_235 : vector<1x16xf32> to vector<16xf32>
      %swap3A_237 = vector.shape_cast %add3A_229 : vector<16xf32> to vector<1x16xf32>
      tpu.vector_store %arg7[%swap3A_233, %swap3A_234], %swap3A_237 {strides = array<i32>} : memref<64x1024xf32, #tpu.memory_space<vmem>>, vector<1x16xf32>,
      %mul3A_238 = arith.constant 16 : i32
      %mul3A_239 = arith.muli %scan3A_199, %mul3A_238 : i32
      %get3A_240 = arith.constant 2 : i32
      %get3A_241 = arith.index_cast %get3A_240 : i32 to index
      %get3A_242 = arith.index_cast %mul3A_239 : i32 to index
      %get3A_243 = tpu.vector_load %arg6[%get3A_241, %get3A_242] {strides = array<i32>} : memref<32x1024xf32, #tpu.memory_space<vmem>>, vector<1x16xf32>,
      %get3A_244 = vector.shape_cast %get3A_243 : vector<1x16xf32> to vector<16xf32>
      %add3A_245 = arith.addf %get3A_206, %get3A_244 : vector<16xf32>
      %mul3A_246 = arith.constant 16 : i32
      %mul3A_247 = arith.muli %scan3A_199, %mul3A_246 : i32
      %swap3A_248 = arith.constant 34 : i32
      %swap3A_249 = arith.index_cast %swap3A_248 : i32 to index
      %swap3A_250 = arith.index_cast %mul3A_247 : i32 to index
      %swap3A_251 = tpu.vector_load %arg7[%swap3A_249, %swap3A_250] {strides = array<i32>} : memref<64x1024xf32, #tpu.memory_space<vmem>>, vector<1x16xf32>,
      %swap3A_252 = vector.shape_cast %swap3A_251 : vector<1x16xf32> to vector<16xf32>
      %swap3A_253 = vector.shape_cast %add3A_245 : vector<16xf32> to vector<1x16xf32>
      tpu.vector_store %arg7[%swap3A_249, %swap3A_250], %swap3A_253 {strides = array<i32>} : memref<64x1024xf32, #tpu.memory_space<vmem>>, vector<1x16xf32>,
      %mul3A_254 = arith.constant 16 : i32
      %mul3A_255 = arith.muli %scan3A_199, %mul3A_254 : i32
      %get3A_256 = arith.constant 3 : i32
      %get3A_257 = arith.index_cast %get3A_256 : i32 to index
      %get3A_258 = arith.index_cast %mul3A_255 : i32 to index
      %get3A_259 = tpu.vector_load %arg6[%get3A_257, %get3A_258] {strides = array<i32>} : memref<32x1024xf32, #tpu.memory_space<vmem>>, vector<1x16xf32>,
      %get3A_260 = vector.shape_cast %get3A_259 : vector<1x16xf32> to vector<16xf32>
      %add3A_261 = arith.addf %get3A_206, %get3A_260 : vector<16xf32>
      %mul3A_262 = arith.constant 16 : i32
      %mul3A_263 = arith.muli %scan3A_199, %mul3A_262 : i32
      %swap3A_264 = arith.constant 35 : i32
      %swap3A_265 = arith.index_cast %swap3A_264 : i32 to index
      %swap3A_266 = arith.index_cast %mul3A_263 : i32 to index
      %swap3A_267 = tpu.vector_load %arg7[%swap3A_265, %swap3A_266] {strides = array<i32>} : memref<64x1024xf32, #tpu.memory_space<vmem>>, vector<1x16xf32>,
      %swap3A_268 = vector.shape_cast %swap3A_267 : vector<1x16xf32> to vector<16xf32>
      %swap3A_269 = vector.shape_cast %add3A_261 : vector<16xf32> to vector<1x16xf32>
      tpu.vector_store %arg7[%swap3A_265, %swap3A_266], %swap3A_269 {strides = array<i32>} : memref<64x1024xf32, #tpu.memory_space<vmem>>, vector<1x16xf32>,
      %mul3A_270 = arith.constant 16 : i32
      %mul3A_271 = arith.muli %scan3A_199, %mul3A_270 : i32
      %get3A_272 = arith.constant 4 : i32
      %get3A_273 = arith.index_cast %get3A_272 : i32 to index
      %get3A_274 = arith.index_cast %mul3A_271 : i32 to index
      %get3A_275 = tpu.vector_load %arg6[%get3A_273, %get3A_274] {strides = array<i32>} : memref<32x1024xf32, #tpu.memory_space<vmem>>, vector<1x16xf32>,
      %get3A_276 = vector.shape_cast %get3A_275 : vector<1x16xf32> to vector<16xf32>
      %add3A_277 = arith.addf %get3A_206, %get3A_276 : vector<16xf32>
      %mul3A_278 = arith.constant 16 : i32
      %mul3A_279 = arith.muli %scan3A_199, %mul3A_278 : i32
      %swap3A_280 = arith.constant 36 : i32
      %swap3A_281 = arith.index_cast %swap3A_280 : i32 to index
      %swap3A_282 = arith.index_cast %mul3A_279 : i32 to index
      %swap3A_283 = tpu.vector_load %arg7[%swap3A_281, %swap3A_282] {strides = array<i32>} : memref<64x1024xf32, #tpu.memory_space<vmem>>, vector<1x16xf32>,
      %swap3A_284 = vector.shape_cast %swap3A_283 : vector<1x16xf32> to vector<16xf32>
      %swap3A_285 = vector.shape_cast %add3A_277 : vector<16xf32> to vector<1x16xf32>
      tpu.vector_store %arg7[%swap3A_281, %swap3A_282], %swap3A_285 {strides = array<i32>} : memref<64x1024xf32, #tpu.memory_space<vmem>>, vector<1x16xf32>,
      %mul3A_286 = arith.constant 16 : i32
      %mul3A_287 = arith.muli %scan3A_199, %mul3A_286 : i32
      %get3A_288 = arith.constant 5 : i32
      %get3A_289 = arith.index_cast %get3A_288 : i32 to index
      %get3A_290 = arith.index_cast %mul3A_287 : i32 to index
      %get3A_291 = tpu.vector_load %arg6[%get3A_289, %get3A_290] {strides = array<i32>} : memref<32x1024xf32, #tpu.memory_space<vmem>>, vector<1x16xf32>,
      %get3A_292 = vector.shape_cast %get3A_291 : vector<1x16xf32> to vector<16xf32>
      %add3A_293 = arith.addf %get3A_206, %get3A_292 : vector<16xf32>
      %mul3A_294 = arith.constant 16 : i32
      %mul3A_295 = arith.muli %scan3A_199, %mul3A_294 : i32
      %swap3A_296 = arith.constant 37 : i32
      %swap3A_297 = arith.index_cast %swap3A_296 : i32 to index
      %swap3A_298 = arith.index_cast %mul3A_295 : i32 to index
      %swap3A_299 = tpu.vector_load %arg7[%swap3A_297, %swap3A_298] {strides = array<i32>} : memref<64x1024xf32, #tpu.memory_space<vmem>>, vector<1x16xf32>,
      %swap3A_300 = vector.shape_cast %swap3A_299 : vector<1x16xf32> to vector<16xf32>
      %swap3A_301 = vector.shape_cast %add3A_293 : vector<16xf32> to vector<1x16xf32>
      tpu.vector_store %arg7[%swap3A_297, %swap3A_298], %swap3A_301 {strides = array<i32>} : memref<64x1024xf32, #tpu.memory_space<vmem>>, vector<1x16xf32>,
      %mul3A_302 = arith.constant 16 : i32
      %mul3A_303 = arith.muli %scan3A_199, %mul3A_302 : i32
      %get3A_304 = arith.constant 6 : i32
      %get3A_305 = arith.index_cast %get3A_304 : i32 to index
      %get3A_306 = arith.index_cast %mul3A_303 : i32 to index
      %get3A_307 = tpu.vector_load %arg6[%get3A_305, %get3A_306] {strides = array<i32>} : memref<32x1024xf32, #tpu.memory_space<vmem>>, vector<1x16xf32>,
      %get3A_308 = vector.shape_cast %get3A_307 : vector<1x16xf32> to vector<16xf32>
      %add3A_309 = arith.addf %get3A_206, %get3A_308 : vector<16xf32>
      %mul3A_310 = arith.constant 16 : i32
      %mul3A_311 = arith.muli %scan3A_199, %mul3A_310 : i32
      %swap3A_312 = arith.constant 38 : i32
      %swap3A_313 = arith.index_cast %swap3A_312 : i32 to index
      %swap3A_314 = arith.index_cast %mul3A_311 : i32 to index
      %swap3A_315 = tpu.vector_load %arg7[%swap3A_313, %swap3A_314] {strides = array<i32>} : memref<64x1024xf32, #tpu.memory_space<vmem>>, vector<1x16xf32>,
      %swap3A_316 = vector.shape_cast %swap3A_315 : vector<1x16xf32> to vector<16xf32>
      %swap3A_317 = vector.shape_cast %add3A_309 : vector<16xf32> to vector<1x16xf32>
      tpu.vector_store %arg7[%swap3A_313, %swap3A_314], %swap3A_317 {strides = array<i32>} : memref<64x1024xf32, #tpu.memory_space<vmem>>, vector<1x16xf32>,
      %mul3A_318 = arith.constant 16 : i32
      %mul3A_319 = arith.muli %scan3A_199, %mul3A_318 : i32
      %get3A_320 = arith.constant 7 : i32
      %get3A_321 = arith.index_cast %get3A_320 : i32 to index
      %get3A_322 = arith.index_cast %mul3A_319 : i32 to index
      %get3A_323 = tpu.vector_load %arg6[%get3A_321, %get3A_322] {strides = array<i32>} : memref<32x1024xf32, #tpu.memory_space<vmem>>, vector<1x16xf32>,
      %get3A_324 = vector.shape_cast %get3A_323 : vector<1x16xf32> to vector<16xf32>
      %add3A_325 = arith.addf %get3A_206, %get3A_324 : vector<16xf32>
      %mul3A_326 = arith.constant 16 : i32
      %mul3A_327 = arith.muli %scan3A_199, %mul3A_326 : i32
      %swap3A_328 = arith.constant 39 : i32
      %swap3A_329 = arith.index_cast %swap3A_328 : i32 to index
      %swap3A_330 = arith.index_cast %mul3A_327 : i32 to index
      %swap3A_331 = tpu.vector_load %arg7[%swap3A_329, %swap3A_330] {strides = array<i32>} : memref<64x1024xf32, #tpu.memory_space<vmem>>, vector<1x16xf32>,
      %swap3A_332 = vector.shape_cast %swap3A_331 : vector<1x16xf32> to vector<16xf32>
      %swap3A_333 = vector.shape_cast %add3A_325 : vector<16xf32> to vector<1x16xf32>
      tpu.vector_store %arg7[%swap3A_329, %swap3A_330], %swap3A_333 {strides = array<i32>} : memref<64x1024xf32, #tpu.memory_space<vmem>>, vector<1x16xf32>,
      %mul3A_334 = arith.constant 16 : i32
      %mul3A_335 = arith.muli %scan3A_199, %mul3A_334 : i32
      %get3A_336 = arith.constant 8 : i32
      %get3A_337 = arith.index_cast %get3A_336 : i32 to index
      %get3A_338 = arith.index_cast %mul3A_335 : i32 to index
      %get3A_339 = tpu.vector_load %arg6[%get3A_337, %get3A_338] {strides = array<i32>} : memref<32x1024xf32, #tpu.memory_space<vmem>>, vector<1x16xf32>,
      %get3A_340 = vector.shape_cast %get3A_339 : vector<1x16xf32> to vector<16xf32>
      %add3A_341 = arith.addf %get3A_206, %get3A_340 : vector<16xf32>
      %mul3A_342 = arith.constant 16 : i32
      %mul3A_343 = arith.muli %scan3A_199, %mul3A_342 : i32
      %swap3A_344 = arith.constant 40 : i32
      %swap3A_345 = arith.index_cast %swap3A_344 : i32 to index
      %swap3A_346 = arith.index_cast %mul3A_343 : i32 to index
      %swap3A_347 = tpu.vector_load %arg7[%swap3A_345, %swap3A_346] {strides = array<i32>} : memref<64x1024xf32, #tpu.memory_space<vmem>>, vector<1x16xf32>,
      %swap3A_348 = vector.shape_cast %swap3A_347 : vector<1x16xf32> to vector<16xf32>
      %swap3A_349 = vector.shape_cast %add3A_341 : vector<16xf32> to vector<1x16xf32>
      tpu.vector_store %arg7[%swap3A_345, %swap3A_346], %swap3A_349 {strides = array<i32>} : memref<64x1024xf32, #tpu.memory_space<vmem>>, vector<1x16xf32>,
      %mul3A_350 = arith.constant 16 : i32
      %mul3A_351 = arith.muli %scan3A_199, %mul3A_350 : i32
      %get3A_352 = arith.constant 9 : i32
      %get3A_353 = arith.index_cast %get3A_352 : i32 to index
      %get3A_354 = arith.index_cast %mul3A_351 : i32 to index
      %get3A_355 = tpu.vector_load %arg6[%get3A_353, %get3A_354] {strides = array<i32>} : memref<32x1024xf32, #tpu.memory_space<vmem>>, vector<1x16xf32>,
      %get3A_356 = vector.shape_cast %get3A_355 : vector<1x16xf32> to vector<16xf32>
      %add3A_357 = arith.addf %get3A_206, %get3A_356 : vector<16xf32>
      %mul3A_358 = arith.constant 16 : i32
      %mul3A_359 = arith.muli %scan3A_199, %mul3A_358 : i32
      %swap3A_360 = arith.constant 41 : i32
      %swap3A_361 = arith.index_cast %swap3A_360 : i32 to index
      %swap3A_362 = arith.index_cast %mul3A_359 : i32 to index
      %swap3A_363 = tpu.vector_load %arg7[%swap3A_361, %swap3A_362] {strides = array<i32>} : memref<64x1024xf32, #tpu.memory_space<vmem>>, vector<1x16xf32>,
      %swap3A_364 = vector.shape_cast %swap3A_363 : vector<1x16xf32> to vector<16xf32>
      %swap3A_365 = vector.shape_cast %add3A_357 : vector<16xf32> to vector<1x16xf32>
      tpu.vector_store %arg7[%swap3A_361, %swap3A_362], %swap3A_365 {strides = array<i32>} : memref<64x1024xf32, #tpu.memory_space<vmem>>, vector<1x16xf32>,
      %mul3A_366 = arith.constant 16 : i32
      %mul3A_367 = arith.muli %scan3A_199, %mul3A_366 : i32
      %get3A_368 = arith.constant 10 : i32
      %get3A_369 = arith.index_cast %get3A_368 : i32 to index
      %get3A_370 = arith.index_cast %mul3A_367 : i32 to index
      %get3A_371 = tpu.vector_load %arg6[%get3A_369, %get3A_370] {strides = array<i32>} : memref<32x1024xf32, #tpu.memory_space<vmem>>, vector<1x16xf32>,
      %get3A_372 = vector.shape_cast %get3A_371 : vector<1x16xf32> to vector<16xf32>
      %add3A_373 = arith.addf %get3A_206, %get3A_372 : vector<16xf32>
      %mul3A_374 = arith.constant 16 : i32
      %mul3A_375 = arith.muli %scan3A_199, %mul3A_374 : i32
      %swap3A_376 = arith.constant 42 : i32
      %swap3A_377 = arith.index_cast %swap3A_376 : i32 to index
      %swap3A_378 = arith.index_cast %mul3A_375 : i32 to index
      %swap3A_379 = tpu.vector_load %arg7[%swap3A_377, %swap3A_378] {strides = array<i32>} : memref<64x1024xf32, #tpu.memory_space<vmem>>, vector<1x16xf32>,
      %swap3A_380 = vector.shape_cast %swap3A_379 : vector<1x16xf32> to vector<16xf32>
      %swap3A_381 = vector.shape_cast %add3A_373 : vector<16xf32> to vector<1x16xf32>
      tpu.vector_store %arg7[%swap3A_377, %swap3A_378], %swap3A_381 {strides = array<i32>} : memref<64x1024xf32, #tpu.memory_space<vmem>>, vector<1x16xf32>,
      %mul3A_382 = arith.constant 16 : i32
      %mul3A_383 = arith.muli %scan3A_199, %mul3A_382 : i32
      %get3A_384 = arith.constant 11 : i32
      %get3A_385 = arith.index_cast %get3A_384 : i32 to index
      %get3A_386 = arith.index_cast %mul3A_383 : i32 to index
      %get3A_387 = tpu.vector_load %arg6[%get3A_385, %get3A_386] {strides = array<i32>} : memref<32x1024xf32, #tpu.memory_space<vmem>>, vector<1x16xf32>,
      %get3A_388 = vector.shape_cast %get3A_387 : vector<1x16xf32> to vector<16xf32>
      %add3A_389 = arith.addf %get3A_206, %get3A_388 : vector<16xf32>
      %mul3A_390 = arith.constant 16 : i32
      %mul3A_391 = arith.muli %scan3A_199, %mul3A_390 : i32
      %swap3A_392 = arith.constant 43 : i32
      %swap3A_393 = arith.index_cast %swap3A_392 : i32 to index
      %swap3A_394 = arith.index_cast %mul3A_391 : i32 to index
      %swap3A_395 = tpu.vector_load %arg7[%swap3A_393, %swap3A_394] {strides = array<i32>} : memref<64x1024xf32, #tpu.memory_space<vmem>>, vector<1x16xf32>,
      %swap3A_396 = vector.shape_cast %swap3A_395 : vector<1x16xf32> to vector<16xf32>
      %swap3A_397 = vector.shape_cast %add3A_389 : vector<16xf32> to vector<1x16xf32>
      tpu.vector_store %arg7[%swap3A_393, %swap3A_394], %swap3A_397 {strides = array<i32>} : memref<64x1024xf32, #tpu.memory_space<vmem>>, vector<1x16xf32>,
      %mul3A_398 = arith.constant 16 : i32
      %mul3A_399 = arith.muli %scan3A_199, %mul3A_398 : i32
      %get3A_400 = arith.constant 12 : i32
      %get3A_401 = arith.index_cast %get3A_400 : i32 to index
      %get3A_402 = arith.index_cast %mul3A_399 : i32 to index
      %get3A_403 = tpu.vector_load %arg6[%get3A_401, %get3A_402] {strides = array<i32>} : memref<32x1024xf32, #tpu.memory_space<vmem>>, vector<1x16xf32>,
      %get3A_404 = vector.shape_cast %get3A_403 : vector<1x16xf32> to vector<16xf32>
      %add3A_405 = arith.addf %get3A_206, %get3A_404 : vector<16xf32>
      %mul3A_406 = arith.constant 16 : i32
      %mul3A_407 = arith.muli %scan3A_199, %mul3A_406 : i32
      %swap3A_408 = arith.constant 44 : i32
      %swap3A_409 = arith.index_cast %swap3A_408 : i32 to index
      %swap3A_410 = arith.index_cast %mul3A_407 : i32 to index
      %swap3A_411 = tpu.vector_load %arg7[%swap3A_409, %swap3A_410] {strides = array<i32>} : memref<64x1024xf32, #tpu.memory_space<vmem>>, vector<1x16xf32>,
      %swap3A_412 = vector.shape_cast %swap3A_411 : vector<1x16xf32> to vector<16xf32>
      %swap3A_413 = vector.shape_cast %add3A_405 : vector<16xf32> to vector<1x16xf32>
      tpu.vector_store %arg7[%swap3A_409, %swap3A_410], %swap3A_413 {strides = array<i32>} : memref<64x1024xf32, #tpu.memory_space<vmem>>, vector<1x16xf32>,
      %mul3A_414 = arith.constant 16 : i32
      %mul3A_415 = arith.muli %scan3A_199, %mul3A_414 : i32
      %get3A_416 = arith.constant 13 : i32
      %get3A_417 = arith.index_cast %get3A_416 : i32 to index
      %get3A_418 = arith.index_cast %mul3A_415 : i32 to index
      %get3A_419 = tpu.vector_load %arg6[%get3A_417, %get3A_418] {strides = array<i32>} : memref<32x1024xf32, #tpu.memory_space<vmem>>, vector<1x16xf32>,
      %get3A_420 = vector.shape_cast %get3A_419 : vector<1x16xf32> to vector<16xf32>
      %add3A_421 = arith.addf %get3A_206, %get3A_420 : vector<16xf32>
      %mul3A_422 = arith.constant 16 : i32
      %mul3A_423 = arith.muli %scan3A_199, %mul3A_422 : i32
      %swap3A_424 = arith.constant 45 : i32
      %swap3A_425 = arith.index_cast %swap3A_424 : i32 to index
      %swap3A_426 = arith.index_cast %mul3A_423 : i32 to index
      %swap3A_427 = tpu.vector_load %arg7[%swap3A_425, %swap3A_426] {strides = array<i32>} : memref<64x1024xf32, #tpu.memory_space<vmem>>, vector<1x16xf32>,
      %swap3A_428 = vector.shape_cast %swap3A_427 : vector<1x16xf32> to vector<16xf32>
      %swap3A_429 = vector.shape_cast %add3A_421 : vector<16xf32> to vector<1x16xf32>
      tpu.vector_store %arg7[%swap3A_425, %swap3A_426], %swap3A_429 {strides = array<i32>} : memref<64x1024xf32, #tpu.memory_space<vmem>>, vector<1x16xf32>,
      %mul3A_430 = arith.constant 16 : i32
      %mul3A_431 = arith.muli %scan3A_199, %mul3A_430 : i32
      %get3A_432 = arith.constant 14 : i32
      %get3A_433 = arith.index_cast %get3A_432 : i32 to index
      %get3A_434 = arith.index_cast %mul3A_431 : i32 to index
      %get3A_435 = tpu.vector_load %arg6[%get3A_433, %get3A_434] {strides = array<i32>} : memref<32x1024xf32, #tpu.memory_space<vmem>>, vector<1x16xf32>,
      %get3A_436 = vector.shape_cast %get3A_435 : vector<1x16xf32> to vector<16xf32>
      %add3A_437 = arith.addf %get3A_206, %get3A_436 : vector<16xf32>
      %mul3A_438 = arith.constant 16 : i32
      %mul3A_439 = arith.muli %scan3A_199, %mul3A_438 : i32
      %swap3A_440 = arith.constant 46 : i32
      %swap3A_441 = arith.index_cast %swap3A_440 : i32 to index
      %swap3A_442 = arith.index_cast %mul3A_439 : i32 to index
      %swap3A_443 = tpu.vector_load %arg7[%swap3A_441, %swap3A_442] {strides = array<i32>} : memref<64x1024xf32, #tpu.memory_space<vmem>>, vector<1x16xf32>,
      %swap3A_444 = vector.shape_cast %swap3A_443 : vector<1x16xf32> to vector<16xf32>
      %swap3A_445 = vector.shape_cast %add3A_437 : vector<16xf32> to vector<1x16xf32>
      tpu.vector_store %arg7[%swap3A_441, %swap3A_442], %swap3A_445 {strides = array<i32>} : memref<64x1024xf32, #tpu.memory_space<vmem>>, vector<1x16xf32>,
      %mul3A_446 = arith.constant 16 : i32
      %mul3A_447 = arith.muli %scan3A_199, %mul3A_446 : i32
      %get3A_448 = arith.constant 15 : i32
      %get3A_449 = arith.index_cast %get3A_448 : i32 to index
      %get3A_450 = arith.index_cast %mul3A_447 : i32 to index
      %get3A_451 = tpu.vector_load %arg6[%get3A_449, %get3A_450] {strides = array<i32>} : memref<32x1024xf32, #tpu.memory_space<vmem>>, vector<1x16xf32>,
      %get3A_452 = vector.shape_cast %get3A_451 : vector<1x16xf32> to vector<16xf32>
      %add3A_453 = arith.addf %get3A_206, %get3A_452 : vector<16xf32>
      %mul3A_454 = arith.constant 16 : i32
      %mul3A_455 = arith.muli %scan3A_199, %mul3A_454 : i32
      %swap3A_456 = arith.constant 47 : i32
      %swap3A_457 = arith.index_cast %swap3A_456 : i32 to index
      %swap3A_458 = arith.index_cast %mul3A_455 : i32 to index
      %swap3A_459 = tpu.vector_load %arg7[%swap3A_457, %swap3A_458] {strides = array<i32>} : memref<64x1024xf32, #tpu.memory_space<vmem>>, vector<1x16xf32>,
      %swap3A_460 = vector.shape_cast %swap3A_459 : vector<1x16xf32> to vector<16xf32>
      %swap3A_461 = vector.shape_cast %add3A_453 : vector<16xf32> to vector<1x16xf32>
      tpu.vector_store %arg7[%swap3A_457, %swap3A_458], %swap3A_461 {strides = array<i32>} : memref<64x1024xf32, #tpu.memory_space<vmem>>, vector<1x16xf32>,
      %mul3A_462 = arith.constant 16 : i32
      %mul3A_463 = arith.muli %scan3A_199, %mul3A_462 : i32
      %get3A_464 = arith.constant 16 : i32
      %get3A_465 = arith.index_cast %get3A_464 : i32 to index
      %get3A_466 = arith.index_cast %mul3A_463 : i32 to index
      %get3A_467 = tpu.vector_load %arg6[%get3A_465, %get3A_466] {strides = array<i32>} : memref<32x1024xf32, #tpu.memory_space<vmem>>, vector<1x16xf32>,
      %get3A_468 = vector.shape_cast %get3A_467 : vector<1x16xf32> to vector<16xf32>
      %add3A_469 = arith.addf %get3A_206, %get3A_468 : vector<16xf32>
      %mul3A_470 = arith.constant 16 : i32
      %mul3A_471 = arith.muli %scan3A_199, %mul3A_470 : i32
      %swap3A_472 = arith.constant 48 : i32
      %swap3A_473 = arith.index_cast %swap3A_472 : i32 to index
      %swap3A_474 = arith.index_cast %mul3A_471 : i32 to index
      %swap3A_475 = tpu.vector_load %arg7[%swap3A_473, %swap3A_474] {strides = array<i32>} : memref<64x1024xf32, #tpu.memory_space<vmem>>, vector<1x16xf32>,
      %swap3A_476 = vector.shape_cast %swap3A_475 : vector<1x16xf32> to vector<16xf32>
      %swap3A_477 = vector.shape_cast %add3A_469 : vector<16xf32> to vector<1x16xf32>
      tpu.vector_store %arg7[%swap3A_473, %swap3A_474], %swap3A_477 {strides = array<i32>} : memref<64x1024xf32, #tpu.memory_space<vmem>>, vector<1x16xf32>,
      %mul3A_478 = arith.constant 16 : i32
      %mul3A_479 = arith.muli %scan3A_199, %mul3A_478 : i32
      %get3A_480 = arith.constant 17 : i32
      %get3A_481 = arith.index_cast %get3A_480 : i32 to index
      %get3A_482 = arith.index_cast %mul3A_479 : i32 to index
      %get3A_483 = tpu.vector_load %arg6[%get3A_481, %get3A_482] {strides = array<i32>} : memref<32x1024xf32, #tpu.memory_space<vmem>>, vector<1x16xf32>,
      %get3A_484 = vector.shape_cast %get3A_483 : vector<1x16xf32> to vector<16xf32>
      %add3A_485 = arith.addf %get3A_206, %get3A_484 : vector<16xf32>
      %mul3A_486 = arith.constant 16 : i32
      %mul3A_487 = arith.muli %scan3A_199, %mul3A_486 : i32
      %swap3A_488 = arith.constant 49 : i32
      %swap3A_489 = arith.index_cast %swap3A_488 : i32 to index
      %swap3A_490 = arith.index_cast %mul3A_487 : i32 to index
      %swap3A_491 = tpu.vector_load %arg7[%swap3A_489, %swap3A_490] {strides = array<i32>} : memref<64x1024xf32, #tpu.memory_space<vmem>>, vector<1x16xf32>,
      %swap3A_492 = vector.shape_cast %swap3A_491 : vector<1x16xf32> to vector<16xf32>
      %swap3A_493 = vector.shape_cast %add3A_485 : vector<16xf32> to vector<1x16xf32>
      tpu.vector_store %arg7[%swap3A_489, %swap3A_490], %swap3A_493 {strides = array<i32>} : memref<64x1024xf32, #tpu.memory_space<vmem>>, vector<1x16xf32>,
      %mul3A_494 = arith.constant 16 : i32
      %mul3A_495 = arith.muli %scan3A_199, %mul3A_494 : i32
      %get3A_496 = arith.constant 18 : i32
      %get3A_497 = arith.index_cast %get3A_496 : i32 to index
      %get3A_498 = arith.index_cast %mul3A_495 : i32 to index
      %get3A_499 = tpu.vector_load %arg6[%get3A_497, %get3A_498] {strides = array<i32>} : memref<32x1024xf32, #tpu.memory_space<vmem>>, vector<1x16xf32>,
      %get3A_500 = vector.shape_cast %get3A_499 : vector<1x16xf32> to vector<16xf32>
      %add3A_501 = arith.addf %get3A_206, %get3A_500 : vector<16xf32>
      %mul3A_502 = arith.constant 16 : i32
      %mul3A_503 = arith.muli %scan3A_199, %mul3A_502 : i32
      %swap3A_504 = arith.constant 50 : i32
      %swap3A_505 = arith.index_cast %swap3A_504 : i32 to index
      %swap3A_506 = arith.index_cast %mul3A_503 : i32 to index
      %swap3A_507 = tpu.vector_load %arg7[%swap3A_505, %swap3A_506] {strides = array<i32>} : memref<64x1024xf32, #tpu.memory_space<vmem>>, vector<1x16xf32>,
      %swap3A_508 = vector.shape_cast %swap3A_507 : vector<1x16xf32> to vector<16xf32>
      %swap3A_509 = vector.shape_cast %add3A_501 : vector<16xf32> to vector<1x16xf32>
      tpu.vector_store %arg7[%swap3A_505, %swap3A_506], %swap3A_509 {strides = array<i32>} : memref<64x1024xf32, #tpu.memory_space<vmem>>, vector<1x16xf32>,
      %mul3A_510 = arith.constant 16 : i32
      %mul3A_511 = arith.muli %scan3A_199, %mul3A_510 : i32
      %get3A_512 = arith.constant 19 : i32
      %get3A_513 = arith.index_cast %get3A_512 : i32 to index
      %get3A_514 = arith.index_cast %mul3A_511 : i32 to index
      %get3A_515 = tpu.vector_load %arg6[%get3A_513, %get3A_514] {strides = array<i32>} : memref<32x1024xf32, #tpu.memory_space<vmem>>, vector<1x16xf32>,
      %get3A_516 = vector.shape_cast %get3A_515 : vector<1x16xf32> to vector<16xf32>
      %add3A_517 = arith.addf %get3A_206, %get3A_516 : vector<16xf32>
      %mul3A_518 = arith.constant 16 : i32
      %mul3A_519 = arith.muli %scan3A_199, %mul3A_518 : i32
      %swap3A_520 = arith.constant 51 : i32
      %swap3A_521 = arith.index_cast %swap3A_520 : i32 to index
      %swap3A_522 = arith.index_cast %mul3A_519 : i32 to index
      %swap3A_523 = tpu.vector_load %arg7[%swap3A_521, %swap3A_522] {strides = array<i32>} : memref<64x1024xf32, #tpu.memory_space<vmem>>, vector<1x16xf32>,
      %swap3A_524 = vector.shape_cast %swap3A_523 : vector<1x16xf32> to vector<16xf32>
      %swap3A_525 = vector.shape_cast %add3A_517 : vector<16xf32> to vector<1x16xf32>
      tpu.vector_store %arg7[%swap3A_521, %swap3A_522], %swap3A_525 {strides = array<i32>} : memref<64x1024xf32, #tpu.memory_space<vmem>>, vector<1x16xf32>,
      %mul3A_526 = arith.constant 16 : i32
      %mul3A_527 = arith.muli %scan3A_199, %mul3A_526 : i32
      %get3A_528 = arith.constant 20 : i32
      %get3A_529 = arith.index_cast %get3A_528 : i32 to index
      %get3A_530 = arith.index_cast %mul3A_527 : i32 to index
      %get3A_531 = tpu.vector_load %arg6[%get3A_529, %get3A_530] {strides = array<i32>} : memref<32x1024xf32, #tpu.memory_space<vmem>>, vector<1x16xf32>,
      %get3A_532 = vector.shape_cast %get3A_531 : vector<1x16xf32> to vector<16xf32>
      %add3A_533 = arith.addf %get3A_206, %get3A_532 : vector<16xf32>
      %mul3A_534 = arith.constant 16 : i32
      %mul3A_535 = arith.muli %scan3A_199, %mul3A_534 : i32
      %swap3A_536 = arith.constant 52 : i32
      %swap3A_537 = arith.index_cast %swap3A_536 : i32 to index
      %swap3A_538 = arith.index_cast %mul3A_535 : i32 to index
      %swap3A_539 = tpu.vector_load %arg7[%swap3A_537, %swap3A_538] {strides = array<i32>} : memref<64x1024xf32, #tpu.memory_space<vmem>>, vector<1x16xf32>,
      %swap3A_540 = vector.shape_cast %swap3A_539 : vector<1x16xf32> to vector<16xf32>
      %swap3A_541 = vector.shape_cast %add3A_533 : vector<16xf32> to vector<1x16xf32>
      tpu.vector_store %arg7[%swap3A_537, %swap3A_538], %swap3A_541 {strides = array<i32>} : memref<64x1024xf32, #tpu.memory_space<vmem>>, vector<1x16xf32>,
      %mul3A_542 = arith.constant 16 : i32
      %mul3A_543 = arith.muli %scan3A_199, %mul3A_542 : i32
      %get3A_544 = arith.constant 21 : i32
      %get3A_545 = arith.index_cast %get3A_544 : i32 to index
      %get3A_546 = arith.index_cast %mul3A_543 : i32 to index
      %get3A_547 = tpu.vector_load %arg6[%get3A_545, %get3A_546] {strides = array<i32>} : memref<32x1024xf32, #tpu.memory_space<vmem>>, vector<1x16xf32>,
      %get3A_548 = vector.shape_cast %get3A_547 : vector<1x16xf32> to vector<16xf32>
      %add3A_549 = arith.addf %get3A_206, %get3A_548 : vector<16xf32>
      %mul3A_550 = arith.constant 16 : i32
      %mul3A_551 = arith.muli %scan3A_199, %mul3A_550 : i32
      %swap3A_552 = arith.constant 53 : i32
      %swap3A_553 = arith.index_cast %swap3A_552 : i32 to index
      %swap3A_554 = arith.index_cast %mul3A_551 : i32 to index
      %swap3A_555 = tpu.vector_load %arg7[%swap3A_553, %swap3A_554] {strides = array<i32>} : memref<64x1024xf32, #tpu.memory_space<vmem>>, vector<1x16xf32>,
      %swap3A_556 = vector.shape_cast %swap3A_555 : vector<1x16xf32> to vector<16xf32>
      %swap3A_557 = vector.shape_cast %add3A_549 : vector<16xf32> to vector<1x16xf32>
      tpu.vector_store %arg7[%swap3A_553, %swap3A_554], %swap3A_557 {strides = array<i32>} : memref<64x1024xf32, #tpu.memory_space<vmem>>, vector<1x16xf32>,
      %mul3A_558 = arith.constant 16 : i32
      %mul3A_559 = arith.muli %scan3A_199, %mul3A_558 : i32
      %get3A_560 = arith.constant 22 : i32
      %get3A_561 = arith.index_cast %get3A_560 : i32 to index
      %get3A_562 = arith.index_cast %mul3A_559 : i32 to index
      %get3A_563 = tpu.vector_load %arg6[%get3A_561, %get3A_562] {strides = array<i32>} : memref<32x1024xf32, #tpu.memory_space<vmem>>, vector<1x16xf32>,
      %get3A_564 = vector.shape_cast %get3A_563 : vector<1x16xf32> to vector<16xf32>
      %add3A_565 = arith.addf %get3A_206, %get3A_564 : vector<16xf32>
      %mul3A_566 = arith.constant 16 : i32
      %mul3A_567 = arith.muli %scan3A_199, %mul3A_566 : i32
      %swap3A_568 = arith.constant 54 : i32
      %swap3A_569 = arith.index_cast %swap3A_568 : i32 to index
      %swap3A_570 = arith.index_cast %mul3A_567 : i32 to index
      %swap3A_571 = tpu.vector_load %arg7[%swap3A_569, %swap3A_570] {strides = array<i32>} : memref<64x1024xf32, #tpu.memory_space<vmem>>, vector<1x16xf32>,
      %swap3A_572 = vector.shape_cast %swap3A_571 : vector<1x16xf32> to vector<16xf32>
      %swap3A_573 = vector.shape_cast %add3A_565 : vector<16xf32> to vector<1x16xf32>
      tpu.vector_store %arg7[%swap3A_569, %swap3A_570], %swap3A_573 {strides = array<i32>} : memref<64x1024xf32, #tpu.memory_space<vmem>>, vector<1x16xf32>,
      %mul3A_574 = arith.constant 16 : i32
      %mul3A_575 = arith.muli %scan3A_199, %mul3A_574 : i32
      %get3A_576 = arith.constant 23 : i32
      %get3A_577 = arith.index_cast %get3A_576 : i32 to index
      %get3A_578 = arith.index_cast %mul3A_575 : i32 to index
      %get3A_579 = tpu.vector_load %arg6[%get3A_577, %get3A_578] {strides = array<i32>} : memref<32x1024xf32, #tpu.memory_space<vmem>>, vector<1x16xf32>,
      %get3A_580 = vector.shape_cast %get3A_579 : vector<1x16xf32> to vector<16xf32>
      %add3A_581 = arith.addf %get3A_206, %get3A_580 : vector<16xf32>
      %mul3A_582 = arith.constant 16 : i32
      %mul3A_583 = arith.muli %scan3A_199, %mul3A_582 : i32
      %swap3A_584 = arith.constant 55 : i32
      %swap3A_585 = arith.index_cast %swap3A_584 : i32 to index
      %swap3A_586 = arith.index_cast %mul3A_583 : i32 to index
      %swap3A_587 = tpu.vector_load %arg7[%swap3A_585, %swap3A_586] {strides = array<i32>} : memref<64x1024xf32, #tpu.memory_space<vmem>>, vector<1x16xf32>,
      %swap3A_588 = vector.shape_cast %swap3A_587 : vector<1x16xf32> to vector<16xf32>
      %swap3A_589 = vector.shape_cast %add3A_581 : vector<16xf32> to vector<1x16xf32>
      tpu.vector_store %arg7[%swap3A_585, %swap3A_586], %swap3A_589 {strides = array<i32>} : memref<64x1024xf32, #tpu.memory_space<vmem>>, vector<1x16xf32>,
      %mul3A_590 = arith.constant 16 : i32
      %mul3A_591 = arith.muli %scan3A_199, %mul3A_590 : i32
      %get3A_592 = arith.constant 24 : i32
      %get3A_593 = arith.index_cast %get3A_592 : i32 to index
      %get3A_594 = arith.index_cast %mul3A_591 : i32 to index
      %get3A_595 = tpu.vector_load %arg6[%get3A_593, %get3A_594] {strides = array<i32>} : memref<32x1024xf32, #tpu.memory_space<vmem>>, vector<1x16xf32>,
      %get3A_596 = vector.shape_cast %get3A_595 : vector<1x16xf32> to vector<16xf32>
      %add3A_597 = arith.addf %get3A_206, %get3A_596 : vector<16xf32>
      %mul3A_598 = arith.constant 16 : i32
      %mul3A_599 = arith.muli %scan3A_199, %mul3A_598 : i32
      %swap3A_600 = arith.constant 56 : i32
      %swap3A_601 = arith.index_cast %swap3A_600 : i32 to index
      %swap3A_602 = arith.index_cast %mul3A_599 : i32 to index
      %swap3A_603 = tpu.vector_load %arg7[%swap3A_601, %swap3A_602] {strides = array<i32>} : memref<64x1024xf32, #tpu.memory_space<vmem>>, vector<1x16xf32>,
      %swap3A_604 = vector.shape_cast %swap3A_603 : vector<1x16xf32> to vector<16xf32>
      %swap3A_605 = vector.shape_cast %add3A_597 : vector<16xf32> to vector<1x16xf32>
      tpu.vector_store %arg7[%swap3A_601, %swap3A_602], %swap3A_605 {strides = array<i32>} : memref<64x1024xf32, #tpu.memory_space<vmem>>, vector<1x16xf32>,
      %mul3A_606 = arith.constant 16 : i32
      %mul3A_607 = arith.muli %scan3A_199, %mul3A_606 : i32
      %get3A_608 = arith.constant 25 : i32
      %get3A_609 = arith.index_cast %get3A_608 : i32 to index
      %get3A_610 = arith.index_cast %mul3A_607 : i32 to index
      %get3A_611 = tpu.vector_load %arg6[%get3A_609, %get3A_610] {strides = array<i32>} : memref<32x1024xf32, #tpu.memory_space<vmem>>, vector<1x16xf32>,
      %get3A_612 = vector.shape_cast %get3A_611 : vector<1x16xf32> to vector<16xf32>
      %add3A_613 = arith.addf %get3A_206, %get3A_612 : vector<16xf32>
      %mul3A_614 = arith.constant 16 : i32
      %mul3A_615 = arith.muli %scan3A_199, %mul3A_614 : i32
      %swap3A_616 = arith.constant 57 : i32
      %swap3A_617 = arith.index_cast %swap3A_616 : i32 to index
      %swap3A_618 = arith.index_cast %mul3A_615 : i32 to index
      %swap3A_619 = tpu.vector_load %arg7[%swap3A_617, %swap3A_618] {strides = array<i32>} : memref<64x1024xf32, #tpu.memory_space<vmem>>, vector<1x16xf32>,
      %swap3A_620 = vector.shape_cast %swap3A_619 : vector<1x16xf32> to vector<16xf32>
      %swap3A_621 = vector.shape_cast %add3A_613 : vector<16xf32> to vector<1x16xf32>
      tpu.vector_store %arg7[%swap3A_617, %swap3A_618], %swap3A_621 {strides = array<i32>} : memref<64x1024xf32, #tpu.memory_space<vmem>>, vector<1x16xf32>,
      %mul3A_622 = arith.constant 16 : i32
      %mul3A_623 = arith.muli %scan3A_199, %mul3A_622 : i32
      %get3A_624 = arith.constant 26 : i32
      %get3A_625 = arith.index_cast %get3A_624 : i32 to index
      %get3A_626 = arith.index_cast %mul3A_623 : i32 to index
      %get3A_627 = tpu.vector_load %arg6[%get3A_625, %get3A_626] {strides = array<i32>} : memref<32x1024xf32, #tpu.memory_space<vmem>>, vector<1x16xf32>,
      %get3A_628 = vector.shape_cast %get3A_627 : vector<1x16xf32> to vector<16xf32>
      %add3A_629 = arith.addf %get3A_206, %get3A_628 : vector<16xf32>
      %mul3A_630 = arith.constant 16 : i32
      %mul3A_631 = arith.muli %scan3A_199, %mul3A_630 : i32
      %swap3A_632 = arith.constant 58 : i32
      %swap3A_633 = arith.index_cast %swap3A_632 : i32 to index
      %swap3A_634 = arith.index_cast %mul3A_631 : i32 to index
      %swap3A_635 = tpu.vector_load %arg7[%swap3A_633, %swap3A_634] {strides = array<i32>} : memref<64x1024xf32, #tpu.memory_space<vmem>>, vector<1x16xf32>,
      %swap3A_636 = vector.shape_cast %swap3A_635 : vector<1x16xf32> to vector<16xf32>
      %swap3A_637 = vector.shape_cast %add3A_629 : vector<16xf32> to vector<1x16xf32>
      tpu.vector_store %arg7[%swap3A_633, %swap3A_634], %swap3A_637 {strides = array<i32>} : memref<64x1024xf32, #tpu.memory_space<vmem>>, vector<1x16xf32>,
      %mul3A_638 = arith.constant 16 : i32
      %mul3A_639 = arith.muli %scan3A_199, %mul3A_638 : i32
      %get3A_640 = arith.constant 27 : i32
      %get3A_641 = arith.index_cast %get3A_640 : i32 to index
      %get3A_642 = arith.index_cast %mul3A_639 : i32 to index
      %get3A_643 = tpu.vector_load %arg6[%get3A_641, %get3A_642] {strides = array<i32>} : memref<32x1024xf32, #tpu.memory_space<vmem>>, vector<1x16xf32>,
      %get3A_644 = vector.shape_cast %get3A_643 : vector<1x16xf32> to vector<16xf32>
      %add3A_645 = arith.addf %get3A_206, %get3A_644 : vector<16xf32>
      %mul3A_646 = arith.constant 16 : i32
      %mul3A_647 = arith.muli %scan3A_199, %mul3A_646 : i32
      %swap3A_648 = arith.constant 59 : i32
      %swap3A_649 = arith.index_cast %swap3A_648 : i32 to index
      %swap3A_650 = arith.index_cast %mul3A_647 : i32 to index
      %swap3A_651 = tpu.vector_load %arg7[%swap3A_649, %swap3A_650] {strides = array<i32>} : memref<64x1024xf32, #tpu.memory_space<vmem>>, vector<1x16xf32>,
      %swap3A_652 = vector.shape_cast %swap3A_651 : vector<1x16xf32> to vector<16xf32>
      %swap3A_653 = vector.shape_cast %add3A_645 : vector<16xf32> to vector<1x16xf32>
      tpu.vector_store %arg7[%swap3A_649, %swap3A_650], %swap3A_653 {strides = array<i32>} : memref<64x1024xf32, #tpu.memory_space<vmem>>, vector<1x16xf32>,
      %mul3A_654 = arith.constant 16 : i32
      %mul3A_655 = arith.muli %scan3A_199, %mul3A_654 : i32
      %get3A_656 = arith.constant 28 : i32
      %get3A_657 = arith.index_cast %get3A_656 : i32 to index
      %get3A_658 = arith.index_cast %mul3A_655 : i32 to index
      %get3A_659 = tpu.vector_load %arg6[%get3A_657, %get3A_658] {strides = array<i32>} : memref<32x1024xf32, #tpu.memory_space<vmem>>, vector<1x16xf32>,
      %get3A_660 = vector.shape_cast %get3A_659 : vector<1x16xf32> to vector<16xf32>
      %add3A_661 = arith.addf %get3A_206, %get3A_660 : vector<16xf32>
      %mul3A_662 = arith.constant 16 : i32
      %mul3A_663 = arith.muli %scan3A_199, %mul3A_662 : i32
      %swap3A_664 = arith.constant 60 : i32
      %swap3A_665 = arith.index_cast %swap3A_664 : i32 to index
      %swap3A_666 = arith.index_cast %mul3A_663 : i32 to index
      %swap3A_667 = tpu.vector_load %arg7[%swap3A_665, %swap3A_666] {strides = array<i32>} : memref<64x1024xf32, #tpu.memory_space<vmem>>, vector<1x16xf32>,
      %swap3A_668 = vector.shape_cast %swap3A_667 : vector<1x16xf32> to vector<16xf32>
      %swap3A_669 = vector.shape_cast %add3A_661 : vector<16xf32> to vector<1x16xf32>
      tpu.vector_store %arg7[%swap3A_665, %swap3A_666], %swap3A_669 {strides = array<i32>} : memref<64x1024xf32, #tpu.memory_space<vmem>>, vector<1x16xf32>,
      %mul3A_670 = arith.constant 16 : i32
      %mul3A_671 = arith.muli %scan3A_199, %mul3A_670 : i32
      %get3A_672 = arith.constant 29 : i32
      %get3A_673 = arith.index_cast %get3A_672 : i32 to index
      %get3A_674 = arith.index_cast %mul3A_671 : i32 to index
      %get3A_675 = tpu.vector_load %arg6[%get3A_673, %get3A_674] {strides = array<i32>} : memref<32x1024xf32, #tpu.memory_space<vmem>>, vector<1x16xf32>,
      %get3A_676 = vector.shape_cast %get3A_675 : vector<1x16xf32> to vector<16xf32>
      %add3A_677 = arith.addf %get3A_206, %get3A_676 : vector<16xf32>
      %mul3A_678 = arith.constant 16 : i32
      %mul3A_679 = arith.muli %scan3A_199, %mul3A_678 : i32
      %swap3A_680 = arith.constant 61 : i32
      %swap3A_681 = arith.index_cast %swap3A_680 : i32 to index
      %swap3A_682 = arith.index_cast %mul3A_679 : i32 to index
      %swap3A_683 = tpu.vector_load %arg7[%swap3A_681, %swap3A_682] {strides = array<i32>} : memref<64x1024xf32, #tpu.memory_space<vmem>>, vector<1x16xf32>,
      %swap3A_684 = vector.shape_cast %swap3A_683 : vector<1x16xf32> to vector<16xf32>
      %swap3A_685 = vector.shape_cast %add3A_677 : vector<16xf32> to vector<1x16xf32>
      tpu.vector_store %arg7[%swap3A_681, %swap3A_682], %swap3A_685 {strides = array<i32>} : memref<64x1024xf32, #tpu.memory_space<vmem>>, vector<1x16xf32>,
      %mul3A_686 = arith.constant 16 : i32
      %mul3A_687 = arith.muli %scan3A_199, %mul3A_686 : i32
      %get3A_688 = arith.constant 30 : i32
      %get3A_689 = arith.index_cast %get3A_688 : i32 to index
      %get3A_690 = arith.index_cast %mul3A_687 : i32 to index
      %get3A_691 = tpu.vector_load %arg6[%get3A_689, %get3A_690] {strides = array<i32>} : memref<32x1024xf32, #tpu.memory_space<vmem>>, vector<1x16xf32>,
      %get3A_692 = vector.shape_cast %get3A_691 : vector<1x16xf32> to vector<16xf32>
      %add3A_693 = arith.addf %get3A_206, %get3A_692 : vector<16xf32>
      %mul3A_694 = arith.constant 16 : i32
      %mul3A_695 = arith.muli %scan3A_199, %mul3A_694 : i32
      %swap3A_696 = arith.constant 62 : i32
      %swap3A_697 = arith.index_cast %swap3A_696 : i32 to index
      %swap3A_698 = arith.index_cast %mul3A_695 : i32 to index
      %swap3A_699 = tpu.vector_load %arg7[%swap3A_697, %swap3A_698] {strides = array<i32>} : memref<64x1024xf32, #tpu.memory_space<vmem>>, vector<1x16xf32>,
      %swap3A_700 = vector.shape_cast %swap3A_699 : vector<1x16xf32> to vector<16xf32>
      %swap3A_701 = vector.shape_cast %add3A_693 : vector<16xf32> to vector<1x16xf32>
      tpu.vector_store %arg7[%swap3A_697, %swap3A_698], %swap3A_701 {strides = array<i32>} : memref<64x1024xf32, #tpu.memory_space<vmem>>, vector<1x16xf32>,
      %mul3A_702 = arith.constant 16 : i32
      %mul3A_703 = arith.muli %scan3A_199, %mul3A_702 : i32
      %get3A_704 = arith.constant 31 : i32
      %get3A_705 = arith.index_cast %get3A_704 : i32 to index
      %get3A_706 = arith.index_cast %mul3A_703 : i32 to index
      %get3A_707 = tpu.vector_load %arg6[%get3A_705, %get3A_706] {strides = array<i32>} : memref<32x1024xf32, #tpu.memory_space<vmem>>, vector<1x16xf32>,
      %get3A_708 = vector.shape_cast %get3A_707 : vector<1x16xf32> to vector<16xf32>
      %add3A_709 = arith.addf %get3A_206, %get3A_708 : vector<16xf32>
      %mul3A_710 = arith.constant 16 : i32
      %mul3A_711 = arith.muli %scan3A_199, %mul3A_710 : i32
      %swap3A_712 = arith.constant 63 : i32
      %swap3A_713 = arith.index_cast %swap3A_712 : i32 to index
      %swap3A_714 = arith.index_cast %mul3A_711 : i32 to index
      %swap3A_715 = tpu.vector_load %arg7[%swap3A_713, %swap3A_714] {strides = array<i32>} : memref<64x1024xf32, #tpu.memory_space<vmem>>, vector<1x16xf32>,
      %swap3A_716 = vector.shape_cast %swap3A_715 : vector<1x16xf32> to vector<16xf32>
      %swap3A_717 = vector.shape_cast %add3A_709 : vector<16xf32> to vector<1x16xf32>
      tpu.vector_store %arg7[%swap3A_713, %swap3A_714], %swap3A_717 {strides = array<i32>} : memref<64x1024xf32, #tpu.memory_space<vmem>>, vector<1x16xf32>,
      %scan3A_718 = arith.constant 0 : i32
      scf.yield %scan3A_718 : i32
    }
    %scan3A_15 = arith.constant 64 : i32
    %mul3A_16 = arith.constant 2 : i32
    %mul3A_17 = arith.muli %add3A, %mul3A_16 : i32
    %add3A_18 = arith.constant 0 : i32
    %add3A_19 = arith.addi %mul3A_17, %add3A_18 : i32
    %mul3A_20 = arith.constant 64 : i32
    %mul3A_21 = arith.muli %add3A_19, %mul3A_20 : i32
    %add3A_22 = arith.constant 0 : i32
    %add3A_23 = arith.addi %add3A_22, %mul3A_21 : i32
    %dma_start3A = arith.constant 0 : i32
    %dma_start3A_24 = arith.constant 0 : i32
    %dma_start3A_25 = tpu.memref_slice %arg4[%add3A_23, %dma_start3A_24] : memref<16384x1024xf32, #tpu.memory_space<hbm>> -> memref<64x1024xf32, #tpu.memory_space<hbm>>
    %dma_start3A_26 = tpu.memref_slice %arg8[%dma_start3A] : memref<4x!tpu.dma_semaphore, #tpu.memory_space<semaphore_mem>> -> memref<1x!tpu.dma_semaphore, #tpu.memory_space<semaphore_mem>>
    %dma_start3A_27 = tpu.memref_squeeze %dma_start3A_26 : memref<1x!tpu.dma_semaphore, #tpu.memory_space<semaphore_mem>> -> memref<!tpu.dma_semaphore, #tpu.memory_space<semaphore_mem>>
    %dma_start3A_28 = arith.constant 0 : i32
    %dma_start3A_29 = tpu.memref_slice %arg4[%add3A_23, %dma_start3A_28] : memref<16384x1024xf32, #tpu.memory_space<hbm>> -> memref<64x1024xf32, #tpu.memory_space<hbm>>
    tpu.enqueue_dma source(%arg7 : memref<64x1024xf32, #tpu.memory_space<vmem>>) target(%dma_start3A_29 : memref<64x1024xf32, #tpu.memory_space<hbm>>) target_semaphore(%dma_start3A_27 : memref<!tpu.dma_semaphore, #tpu.memory_space<semaphore_mem>>)
    %add3A_30 = arith.constant 4096 : i32
    %add3A_31 = arith.addi %add3A_30, %mul3A_21 : i32
    %dma_start3A_32 = arith.constant 1 : i32
    %dma_start3A_33 = arith.constant 0 : i32
    %dma_start3A_34 = tpu.memref_slice %arg4[%add3A_31, %dma_start3A_33] : memref<16384x1024xf32, #tpu.memory_space<hbm>> -> memref<64x1024xf32, #tpu.memory_space<hbm>>
    %dma_start3A_35 = tpu.memref_slice %arg8[%dma_start3A_32] : memref<4x!tpu.dma_semaphore, #tpu.memory_space<semaphore_mem>> -> memref<1x!tpu.dma_semaphore, #tpu.memory_space<semaphore_mem>>
    %dma_start3A_36 = tpu.memref_squeeze %dma_start3A_35 : memref<1x!tpu.dma_semaphore, #tpu.memory_space<semaphore_mem>> -> memref<!tpu.dma_semaphore, #tpu.memory_space<semaphore_mem>>
    %dma_start3A_37 = arith.constant 0 : i32
    %dma_start3A_38 = tpu.memref_slice %arg4[%add3A_31, %dma_start3A_37] : memref<16384x1024xf32, #tpu.memory_space<hbm>> -> memref<64x1024xf32, #tpu.memory_space<hbm>>
    tpu.enqueue_dma source(%arg7 : memref<64x1024xf32, #tpu.memory_space<vmem>>) target(%dma_start3A_38 : memref<64x1024xf32, #tpu.memory_space<hbm>>) target_semaphore(%dma_start3A_36 : memref<!tpu.dma_semaphore, #tpu.memory_space<semaphore_mem>>)
    %add3A_39 = arith.constant 8192 : i32
    %add3A_40 = arith.addi %add3A_39, %mul3A_21 : i32
    %dma_start3A_41 = arith.constant 2 : i32
    %dma_start3A_42 = arith.constant 0 : i32
    %dma_start3A_43 = tpu.memref_slice %arg4[%add3A_40, %dma_start3A_42] : memref<16384x1024xf32, #tpu.memory_space<hbm>> -> memref<64x1024xf32, #tpu.memory_space<hbm>>
    %dma_start3A_44 = tpu.memref_slice %arg8[%dma_start3A_41] : memref<4x!tpu.dma_semaphore, #tpu.memory_space<semaphore_mem>> -> memref<1x!tpu.dma_semaphore, #tpu.memory_space<semaphore_mem>>
    %dma_start3A_45 = tpu.memref_squeeze %dma_start3A_44 : memref<1x!tpu.dma_semaphore, #tpu.memory_space<semaphore_mem>> -> memref<!tpu.dma_semaphore, #tpu.memory_space<semaphore_mem>>
    %dma_start3A_46 = arith.constant 0 : i32
    %dma_start3A_47 = tpu.memref_slice %arg4[%add3A_40, %dma_start3A_46] : memref<16384x1024xf32, #tpu.memory_space<hbm>> -> memref<64x1024xf32, #tpu.memory_space<hbm>>
    tpu.enqueue_dma source(%arg7 : memref<64x1024xf32, #tpu.memory_space<vmem>>) target(%dma_start3A_47 : memref<64x1024xf32, #tpu.memory_space<hbm>>) target_semaphore(%dma_start3A_45 : memref<!tpu.dma_semaphore, #tpu.memory_space<semaphore_mem>>)
    %add3A_48 = arith.constant 12288 : i32
    %add3A_49 = arith.addi %add3A_48, %mul3A_21 : i32
    %dma_start3A_50 = arith.constant 3 : i32
    %dma_start3A_51 = arith.constant 0 : i32
    %dma_start3A_52 = tpu.memref_slice %arg4[%add3A_49, %dma_start3A_51] : memref<16384x1024xf32, #tpu.memory_space<hbm>> -> memref<64x1024xf32, #tpu.memory_space<hbm>>
    %dma_start3A_53 = tpu.memref_slice %arg8[%dma_start3A_50] : memref<4x!tpu.dma_semaphore, #tpu.memory_space<semaphore_mem>> -> memref<1x!tpu.dma_semaphore, #tpu.memory_space<semaphore_mem>>
    %dma_start3A_54 = tpu.memref_squeeze %dma_start3A_53 : memref<1x!tpu.dma_semaphore, #tpu.memory_space<semaphore_mem>> -> memref<!tpu.dma_semaphore, #tpu.memory_space<semaphore_mem>>
    %dma_start3A_55 = arith.constant 0 : i32
    %dma_start3A_56 = tpu.memref_slice %arg4[%add3A_49, %dma_start3A_55] : memref<16384x1024xf32, #tpu.memory_space<hbm>> -> memref<64x1024xf32, #tpu.memory_space<hbm>>
    tpu.enqueue_dma source(%arg7 : memref<64x1024xf32, #tpu.memory_space<vmem>>) target(%dma_start3A_56 : memref<64x1024xf32, #tpu.memory_space<hbm>>) target_semaphore(%dma_start3A_54 : memref<!tpu.dma_semaphore, #tpu.memory_space<semaphore_mem>>)
    %mul3A_57 = arith.constant 2 : i32
    %mul3A_58 = arith.muli %add3A, %mul3A_57 : i32
    %add3A_59 = arith.constant 1 : i32
    %add3A_60 = arith.addi %mul3A_58, %add3A_59 : i32
    %sub3A = arith.constant 1 : i32
    %sub3A_61 = arith.subi %add3A_60, %sub3A : i32
    %mul3A_62 = arith.constant 64 : i32
    %mul3A_63 = arith.muli %sub3A_61, %mul3A_62 : i32
    %add3A_64 = arith.constant 0 : i32
    %add3A_65 = arith.addi %add3A_64, %mul3A_63 : i32
    %dma_wait3A = arith.constant 0 : i32
    %dma_wait3A_66 = arith.constant 0 : i32
    %dma_wait3A_67 = tpu.memref_slice %arg4[%add3A_65, %dma_wait3A_66] : memref<16384x1024xf32, #tpu.memory_space<hbm>> -> memref<64x1024xf32, #tpu.memory_space<hbm>>
    %dma_wait3A_68 = tpu.memref_slice %arg8[%dma_wait3A] : memref<4x!tpu.dma_semaphore, #tpu.memory_space<semaphore_mem>> -> memref<1x!tpu.dma_semaphore, #tpu.memory_space<semaphore_mem>>
    %dma_wait3A_69 = tpu.memref_squeeze %dma_wait3A_68 : memref<1x!tpu.dma_semaphore, #tpu.memory_space<semaphore_mem>> -> memref<!tpu.dma_semaphore, #tpu.memory_space<semaphore_mem>>
    %dma_wait3A_70 = arith.constant 0 : i32
    %dma_wait3A_71 = tpu.memref_slice %arg4[%add3A_65, %dma_wait3A_70] : memref<16384x1024xf32, #tpu.memory_space<hbm>> -> memref<64x1024xf32, #tpu.memory_space<hbm>>
    tpu.wait_dma2 semaphore(%dma_wait3A_69 : memref<!tpu.dma_semaphore, #tpu.memory_space<semaphore_mem>>) src(%arg7 : memref<64x1024xf32, #tpu.memory_space<vmem>>) dst(%dma_wait3A_71 : memref<64x1024xf32, #tpu.memory_space<hbm>>)
    %add3A_72 = arith.constant 4096 : i32
    %add3A_73 = arith.addi %add3A_72, %mul3A_63 : i32
    %dma_wait3A_74 = arith.constant 1 : i32
    %dma_wait3A_75 = arith.constant 0 : i32
    %dma_wait3A_76 = tpu.memref_slice %arg4[%add3A_73, %dma_wait3A_75] : memref<16384x1024xf32, #tpu.memory_space<hbm>> -> memref<64x1024xf32, #tpu.memory_space<hbm>>
    %dma_wait3A_77 = tpu.memref_slice %arg8[%dma_wait3A_74] : memref<4x!tpu.dma_semaphore, #tpu.memory_space<semaphore_mem>> -> memref<1x!tpu.dma_semaphore, #tpu.memory_space<semaphore_mem>>
    %dma_wait3A_78 = tpu.memref_squeeze %dma_wait3A_77 : memref<1x!tpu.dma_semaphore, #tpu.memory_space<semaphore_mem>> -> memref<!tpu.dma_semaphore, #tpu.memory_space<semaphore_mem>>
    %dma_wait3A_79 = arith.constant 0 : i32
    %dma_wait3A_80 = tpu.memref_slice %arg4[%add3A_73, %dma_wait3A_79] : memref<16384x1024xf32, #tpu.memory_space<hbm>> -> memref<64x1024xf32, #tpu.memory_space<hbm>>
    tpu.wait_dma2 semaphore(%dma_wait3A_78 : memref<!tpu.dma_semaphore, #tpu.memory_space<semaphore_mem>>) src(%arg7 : memref<64x1024xf32, #tpu.memory_space<vmem>>) dst(%dma_wait3A_80 : memref<64x1024xf32, #tpu.memory_space<hbm>>)
    %add3A_81 = arith.constant 8192 : i32
    %add3A_82 = arith.addi %add3A_81, %mul3A_63 : i32
    %dma_wait3A_83 = arith.constant 2 : i32
    %dma_wait3A_84 = arith.constant 0 : i32
    %dma_wait3A_85 = tpu.memref_slice %arg4[%add3A_82, %dma_wait3A_84] : memref<16384x1024xf32, #tpu.memory_space<hbm>> -> memref<64x1024xf32, #tpu.memory_space<hbm>>
    %dma_wait3A_86 = tpu.memref_slice %arg8[%dma_wait3A_83] : memref<4x!tpu.dma_semaphore, #tpu.memory_space<semaphore_mem>> -> memref<1x!tpu.dma_semaphore, #tpu.memory_space<semaphore_mem>>
    %dma_wait3A_87 = tpu.memref_squeeze %dma_wait3A_86 : memref<1x!tpu.dma_semaphore, #tpu.memory_space<semaphore_mem>> -> memref<!tpu.dma_semaphore, #tpu.memory_space<semaphore_mem>>
    %dma_wait3A_88 = arith.constant 0 : i32
    %dma_wait3A_89 = tpu.memref_slice %arg4[%add3A_82, %dma_wait3A_88] : memref<16384x1024xf32, #tpu.memory_space<hbm>> -> memref<64x1024xf32, #tpu.memory_space<hbm>>
    tpu.wait_dma2 semaphore(%dma_wait3A_87 : memref<!tpu.dma_semaphore, #tpu.memory_space<semaphore_mem>>) src(%arg7 : memref<64x1024xf32, #tpu.memory_space<vmem>>) dst(%dma_wait3A_89 : memref<64x1024xf32, #tpu.memory_space<hbm>>)
    %add3A_90 = arith.constant 12288 : i32
    %add3A_91 = arith.addi %add3A_90, %mul3A_63 : i32
    %dma_wait3A_92 = arith.constant 3 : i32
    %dma_wait3A_93 = arith.constant 0 : i32
    %dma_wait3A_94 = tpu.memref_slice %arg4[%add3A_91, %dma_wait3A_93] : memref<16384x1024xf32, #tpu.memory_space<hbm>> -> memref<64x1024xf32, #tpu.memory_space<hbm>>
    %dma_wait3A_95 = tpu.memref_slice %arg8[%dma_wait3A_92] : memref<4x!tpu.dma_semaphore, #tpu.memory_space<semaphore_mem>> -> memref<1x!tpu.dma_semaphore, #tpu.memory_space<semaphore_mem>>
    %dma_wait3A_96 = tpu.memref_squeeze %dma_wait3A_95 : memref<1x!tpu.dma_semaphore, #tpu.memory_space<semaphore_mem>> -> memref<!tpu.dma_semaphore, #tpu.memory_space<semaphore_mem>>
    %dma_wait3A_97 = arith.constant 0 : i32
    %dma_wait3A_98 = tpu.memref_slice %arg4[%add3A_91, %dma_wait3A_97] : memref<16384x1024xf32, #tpu.memory_space<hbm>> -> memref<64x1024xf32, #tpu.memory_space<hbm>>
    tpu.wait_dma2 semaphore(%dma_wait3A_96 : memref<!tpu.dma_semaphore, #tpu.memory_space<semaphore_mem>>) src(%arg7 : memref<64x1024xf32, #tpu.memory_space<vmem>>) dst(%dma_wait3A_98 : memref<64x1024xf32, #tpu.memory_space<hbm>>)
    "tpu.region"() ({
      %run_scoped3A = tpu.sem_alloc : memref<!tpu.dma_semaphore, #tpu.memory_space<semaphore_mem>>
      %dma_start3A_199 = arith.constant 0 : i32
      %dma_start3A_200 = arith.constant 0 : i32
      %dma_start3A_201 = tpu.memref_slice %arg3[%dma_start3A_199, %dma_start3A_200] : memref<64x1024xf32, #tpu.memory_space<hbm>> -> memref<32x1024xf32, #tpu.memory_space<hbm>>
      %dma_start3A_202 = arith.constant 0 : i32
      %dma_start3A_203 = arith.constant 0 : i32
      %dma_start3A_204 = tpu.memref_slice %arg3[%dma_start3A_202, %dma_start3A_203] : memref<64x1024xf32, #tpu.memory_space<hbm>> -> memref<32x1024xf32, #tpu.memory_space<hbm>>
      tpu.enqueue_dma source(%dma_start3A_204 : memref<32x1024xf32, #tpu.memory_space<hbm>>) target(%arg6 : memref<32x1024xf32, #tpu.memory_space<vmem>>) target_semaphore(%run_scoped3A : memref<!tpu.dma_semaphore, #tpu.memory_space<semaphore_mem>>)
      %dma_wait3A_205 = arith.constant 0 : i32
      %dma_wait3A_206 = arith.constant 0 : i32
      %dma_wait3A_207 = tpu.memref_slice %arg3[%dma_wait3A_205, %dma_wait3A_206] : memref<64x1024xf32, #tpu.memory_space<hbm>> -> memref<32x1024xf32, #tpu.memory_space<hbm>>
      %dma_wait3A_208 = arith.constant 0 : i32
      %dma_wait3A_209 = arith.constant 0 : i32
      %dma_wait3A_210 = tpu.memref_slice %arg3[%dma_wait3A_208, %dma_wait3A_209] : memref<64x1024xf32, #tpu.memory_space<hbm>> -> memref<32x1024xf32, #tpu.memory_space<hbm>>
      tpu.wait_dma2 semaphore(%run_scoped3A : memref<!tpu.dma_semaphore, #tpu.memory_space<semaphore_mem>>) src(%dma_wait3A_210 : memref<32x1024xf32, #tpu.memory_space<hbm>>) dst(%arg6 : memref<32x1024xf32, #tpu.memory_space<vmem>>)
      tpu.yield
    }) : () -> ()
    %scan3A_99 = arith.constant 0 : i32
    %scan3A_100 = arith.constant 0 : i32
    %scan3A_101 = arith.constant 64 : i32
    %scan3A_102 = arith.addi %scan3A_100, %scan3A_101 : i32
    %scan3A_103 = arith.constant 1 : i32
    %scan3A_104 = scf.for %scan3A_199 = %scan3A_100 to %scan3A_102 step %scan3A_103 iter_args(%scan3A_200 = %scan3A_99) -> (i32)  : i32 {
      %mul3A_201 = arith.constant 16 : i32
      %mul3A_202 = arith.muli %scan3A_199, %mul3A_201 : i32
      %get3A = arith.constant 1 : i32
      %get3A_203 = arith.index_cast %get3A : i32 to index
      %get3A_204 = arith.index_cast %mul3A_202 : i32 to index
      %get3A_205 = tpu.vector_load %arg5[%get3A_203, %get3A_204] {strides = array<i32>} : memref<2x1024xf32, #tpu.memory_space<vmem>>, vector<1x16xf32>,
      %get3A_206 = vector.shape_cast %get3A_205 : vector<1x16xf32> to vector<16xf32>
      %mul3A_207 = arith.constant 16 : i32
      %mul3A_208 = arith.muli %scan3A_199, %mul3A_207 : i32
      %get3A_209 = arith.constant 0 : i32
      %get3A_210 = arith.index_cast %get3A_209 : i32 to index
      %get3A_211 = arith.index_cast %mul3A_208 : i32 to index
      %get3A_212 = tpu.vector_load %arg6[%get3A_210, %get3A_211] {strides = array<i32>} : memref<32x1024xf32, #tpu.memory_space<vmem>>, vector<1x16xf32>,
      %get3A_213 = vector.shape_cast %get3A_212 : vector<1x16xf32> to vector<16xf32>
      %add3A_214 = arith.addf %get3A_206, %get3A_213 : vector<16xf32>
      %mul3A_215 = arith.constant 16 : i32
      %mul3A_216 = arith.muli %scan3A_199, %mul3A_215 : i32
      %swap3A = arith.constant 0 : i32
      %swap3A_217 = arith.index_cast %swap3A : i32 to index
      %swap3A_218 = arith.index_cast %mul3A_216 : i32 to index
      %swap3A_219 = tpu.vector_load %arg7[%swap3A_217, %swap3A_218] {strides = array<i32>} : memref<64x1024xf32, #tpu.memory_space<vmem>>, vector<1x16xf32>,
      %swap3A_220 = vector.shape_cast %swap3A_219 : vector<1x16xf32> to vector<16xf32>
      %swap3A_221 = vector.shape_cast %add3A_214 : vector<16xf32> to vector<1x16xf32>
      tpu.vector_store %arg7[%swap3A_217, %swap3A_218], %swap3A_221 {strides = array<i32>} : memref<64x1024xf32, #tpu.memory_space<vmem>>, vector<1x16xf32>,
      %mul3A_222 = arith.constant 16 : i32
      %mul3A_223 = arith.muli %scan3A_199, %mul3A_222 : i32
      %get3A_224 = arith.constant 1 : i32
      %get3A_225 = arith.index_cast %get3A_224 : i32 to index
      %get3A_226 = arith.index_cast %mul3A_223 : i32 to index
      %get3A_227 = tpu.vector_load %arg6[%get3A_225, %get3A_226] {strides = array<i32>} : memref<32x1024xf32, #tpu.memory_space<vmem>>, vector<1x16xf32>,
      %get3A_228 = vector.shape_cast %get3A_227 : vector<1x16xf32> to vector<16xf32>
      %add3A_229 = arith.addf %get3A_206, %get3A_228 : vector<16xf32>
      %mul3A_230 = arith.constant 16 : i32
      %mul3A_231 = arith.muli %scan3A_199, %mul3A_230 : i32
      %swap3A_232 = arith.constant 1 : i32
      %swap3A_233 = arith.index_cast %swap3A_232 : i32 to index
      %swap3A_234 = arith.index_cast %mul3A_231 : i32 to index
      %swap3A_235 = tpu.vector_load %arg7[%swap3A_233, %swap3A_234] {strides = array<i32>} : memref<64x1024xf32, #tpu.memory_space<vmem>>, vector<1x16xf32>,
      %swap3A_236 = vector.shape_cast %swap3A_235 : vector<1x16xf32> to vector<16xf32>
      %swap3A_237 = vector.shape_cast %add3A_229 : vector<16xf32> to vector<1x16xf32>
      tpu.vector_store %arg7[%swap3A_233, %swap3A_234], %swap3A_237 {strides = array<i32>} : memref<64x1024xf32, #tpu.memory_space<vmem>>, vector<1x16xf32>,
      %mul3A_238 = arith.constant 16 : i32
      %mul3A_239 = arith.muli %scan3A_199, %mul3A_238 : i32
      %get3A_240 = arith.constant 2 : i32
      %get3A_241 = arith.index_cast %get3A_240 : i32 to index
      %get3A_242 = arith.index_cast %mul3A_239 : i32 to index
      %get3A_243 = tpu.vector_load %arg6[%get3A_241, %get3A_242] {strides = array<i32>} : memref<32x1024xf32, #tpu.memory_space<vmem>>, vector<1x16xf32>,
      %get3A_244 = vector.shape_cast %get3A_243 : vector<1x16xf32> to vector<16xf32>
      %add3A_245 = arith.addf %get3A_206, %get3A_244 : vector<16xf32>
      %mul3A_246 = arith.constant 16 : i32
      %mul3A_247 = arith.muli %scan3A_199, %mul3A_246 : i32
      %swap3A_248 = arith.constant 2 : i32
      %swap3A_249 = arith.index_cast %swap3A_248 : i32 to index
      %swap3A_250 = arith.index_cast %mul3A_247 : i32 to index
      %swap3A_251 = tpu.vector_load %arg7[%swap3A_249, %swap3A_250] {strides = array<i32>} : memref<64x1024xf32, #tpu.memory_space<vmem>>, vector<1x16xf32>,
      %swap3A_252 = vector.shape_cast %swap3A_251 : vector<1x16xf32> to vector<16xf32>
      %swap3A_253 = vector.shape_cast %add3A_245 : vector<16xf32> to vector<1x16xf32>
      tpu.vector_store %arg7[%swap3A_249, %swap3A_250], %swap3A_253 {strides = array<i32>} : memref<64x1024xf32, #tpu.memory_space<vmem>>, vector<1x16xf32>,
      %mul3A_254 = arith.constant 16 : i32
      %mul3A_255 = arith.muli %scan3A_199, %mul3A_254 : i32
      %get3A_256 = arith.constant 3 : i32
      %get3A_257 = arith.index_cast %get3A_256 : i32 to index
      %get3A_258 = arith.index_cast %mul3A_255 : i32 to index
      %get3A_259 = tpu.vector_load %arg6[%get3A_257, %get3A_258] {strides = array<i32>} : memref<32x1024xf32, #tpu.memory_space<vmem>>, vector<1x16xf32>,
      %get3A_260 = vector.shape_cast %get3A_259 : vector<1x16xf32> to vector<16xf32>
      %add3A_261 = arith.addf %get3A_206, %get3A_260 : vector<16xf32>
      %mul3A_262 = arith.constant 16 : i32
      %mul3A_263 = arith.muli %scan3A_199, %mul3A_262 : i32
      %swap3A_264 = arith.constant 3 : i32
      %swap3A_265 = arith.index_cast %swap3A_264 : i32 to index
      %swap3A_266 = arith.index_cast %mul3A_263 : i32 to index
      %swap3A_267 = tpu.vector_load %arg7[%swap3A_265, %swap3A_266] {strides = array<i32>} : memref<64x1024xf32, #tpu.memory_space<vmem>>, vector<1x16xf32>,
      %swap3A_268 = vector.shape_cast %swap3A_267 : vector<1x16xf32> to vector<16xf32>
      %swap3A_269 = vector.shape_cast %add3A_261 : vector<16xf32> to vector<1x16xf32>
      tpu.vector_store %arg7[%swap3A_265, %swap3A_266], %swap3A_269 {strides = array<i32>} : memref<64x1024xf32, #tpu.memory_space<vmem>>, vector<1x16xf32>,
      %mul3A_270 = arith.constant 16 : i32
      %mul3A_271 = arith.muli %scan3A_199, %mul3A_270 : i32
      %get3A_272 = arith.constant 4 : i32
      %get3A_273 = arith.index_cast %get3A_272 : i32 to index
      %get3A_274 = arith.index_cast %mul3A_271 : i32 to index
      %get3A_275 = tpu.vector_load %arg6[%get3A_273, %get3A_274] {strides = array<i32>} : memref<32x1024xf32, #tpu.memory_space<vmem>>, vector<1x16xf32>,
      %get3A_276 = vector.shape_cast %get3A_275 : vector<1x16xf32> to vector<16xf32>
      %add3A_277 = arith.addf %get3A_206, %get3A_276 : vector<16xf32>
      %mul3A_278 = arith.constant 16 : i32
      %mul3A_279 = arith.muli %scan3A_199, %mul3A_278 : i32
      %swap3A_280 = arith.constant 4 : i32
      %swap3A_281 = arith.index_cast %swap3A_280 : i32 to index
      %swap3A_282 = arith.index_cast %mul3A_279 : i32 to index
      %swap3A_283 = tpu.vector_load %arg7[%swap3A_281, %swap3A_282] {strides = array<i32>} : memref<64x1024xf32, #tpu.memory_space<vmem>>, vector<1x16xf32>,
      %swap3A_284 = vector.shape_cast %swap3A_283 : vector<1x16xf32> to vector<16xf32>
      %swap3A_285 = vector.shape_cast %add3A_277 : vector<16xf32> to vector<1x16xf32>
      tpu.vector_store %arg7[%swap3A_281, %swap3A_282], %swap3A_285 {strides = array<i32>} : memref<64x1024xf32, #tpu.memory_space<vmem>>, vector<1x16xf32>,
      %mul3A_286 = arith.constant 16 : i32
      %mul3A_287 = arith.muli %scan3A_199, %mul3A_286 : i32
      %get3A_288 = arith.constant 5 : i32
      %get3A_289 = arith.index_cast %get3A_288 : i32 to index
      %get3A_290 = arith.index_cast %mul3A_287 : i32 to index
      %get3A_291 = tpu.vector_load %arg6[%get3A_289, %get3A_290] {strides = array<i32>} : memref<32x1024xf32, #tpu.memory_space<vmem>>, vector<1x16xf32>,
      %get3A_292 = vector.shape_cast %get3A_291 : vector<1x16xf32> to vector<16xf32>
      %add3A_293 = arith.addf %get3A_206, %get3A_292 : vector<16xf32>
      %mul3A_294 = arith.constant 16 : i32
      %mul3A_295 = arith.muli %scan3A_199, %mul3A_294 : i32
      %swap3A_296 = arith.constant 5 : i32
      %swap3A_297 = arith.index_cast %swap3A_296 : i32 to index
      %swap3A_298 = arith.index_cast %mul3A_295 : i32 to index
      %swap3A_299 = tpu.vector_load %arg7[%swap3A_297, %swap3A_298] {strides = array<i32>} : memref<64x1024xf32, #tpu.memory_space<vmem>>, vector<1x16xf32>,
      %swap3A_300 = vector.shape_cast %swap3A_299 : vector<1x16xf32> to vector<16xf32>
      %swap3A_301 = vector.shape_cast %add3A_293 : vector<16xf32> to vector<1x16xf32>
      tpu.vector_store %arg7[%swap3A_297, %swap3A_298], %swap3A_301 {strides = array<i32>} : memref<64x1024xf32, #tpu.memory_space<vmem>>, vector<1x16xf32>,
      %mul3A_302 = arith.constant 16 : i32
      %mul3A_303 = arith.muli %scan3A_199, %mul3A_302 : i32
      %get3A_304 = arith.constant 6 : i32
      %get3A_305 = arith.index_cast %get3A_304 : i32 to index
      %get3A_306 = arith.index_cast %mul3A_303 : i32 to index
      %get3A_307 = tpu.vector_load %arg6[%get3A_305, %get3A_306] {strides = array<i32>} : memref<32x1024xf32, #tpu.memory_space<vmem>>, vector<1x16xf32>,
      %get3A_308 = vector.shape_cast %get3A_307 : vector<1x16xf32> to vector<16xf32>
      %add3A_309 = arith.addf %get3A_206, %get3A_308 : vector<16xf32>
      %mul3A_310 = arith.constant 16 : i32
      %mul3A_311 = arith.muli %scan3A_199, %mul3A_310 : i32
      %swap3A_312 = arith.constant 6 : i32
      %swap3A_313 = arith.index_cast %swap3A_312 : i32 to index
      %swap3A_314 = arith.index_cast %mul3A_311 : i32 to index
      %swap3A_315 = tpu.vector_load %arg7[%swap3A_313, %swap3A_314] {strides = array<i32>} : memref<64x1024xf32, #tpu.memory_space<vmem>>, vector<1x16xf32>,
      %swap3A_316 = vector.shape_cast %swap3A_315 : vector<1x16xf32> to vector<16xf32>
      %swap3A_317 = vector.shape_cast %add3A_309 : vector<16xf32> to vector<1x16xf32>
      tpu.vector_store %arg7[%swap3A_313, %swap3A_314], %swap3A_317 {strides = array<i32>} : memref<64x1024xf32, #tpu.memory_space<vmem>>, vector<1x16xf32>,
      %mul3A_318 = arith.constant 16 : i32
      %mul3A_319 = arith.muli %scan3A_199, %mul3A_318 : i32
      %get3A_320 = arith.constant 7 : i32
      %get3A_321 = arith.index_cast %get3A_320 : i32 to index
      %get3A_322 = arith.index_cast %mul3A_319 : i32 to index
      %get3A_323 = tpu.vector_load %arg6[%get3A_321, %get3A_322] {strides = array<i32>} : memref<32x1024xf32, #tpu.memory_space<vmem>>, vector<1x16xf32>,
      %get3A_324 = vector.shape_cast %get3A_323 : vector<1x16xf32> to vector<16xf32>
      %add3A_325 = arith.addf %get3A_206, %get3A_324 : vector<16xf32>
      %mul3A_326 = arith.constant 16 : i32
      %mul3A_327 = arith.muli %scan3A_199, %mul3A_326 : i32
      %swap3A_328 = arith.constant 7 : i32
      %swap3A_329 = arith.index_cast %swap3A_328 : i32 to index
      %swap3A_330 = arith.index_cast %mul3A_327 : i32 to index
      %swap3A_331 = tpu.vector_load %arg7[%swap3A_329, %swap3A_330] {strides = array<i32>} : memref<64x1024xf32, #tpu.memory_space<vmem>>, vector<1x16xf32>,
      %swap3A_332 = vector.shape_cast %swap3A_331 : vector<1x16xf32> to vector<16xf32>
      %swap3A_333 = vector.shape_cast %add3A_325 : vector<16xf32> to vector<1x16xf32>
      tpu.vector_store %arg7[%swap3A_329, %swap3A_330], %swap3A_333 {strides = array<i32>} : memref<64x1024xf32, #tpu.memory_space<vmem>>, vector<1x16xf32>,
      %mul3A_334 = arith.constant 16 : i32
      %mul3A_335 = arith.muli %scan3A_199, %mul3A_334 : i32
      %get3A_336 = arith.constant 8 : i32
      %get3A_337 = arith.index_cast %get3A_336 : i32 to index
      %get3A_338 = arith.index_cast %mul3A_335 : i32 to index
      %get3A_339 = tpu.vector_load %arg6[%get3A_337, %get3A_338] {strides = array<i32>} : memref<32x1024xf32, #tpu.memory_space<vmem>>, vector<1x16xf32>,
      %get3A_340 = vector.shape_cast %get3A_339 : vector<1x16xf32> to vector<16xf32>
      %add3A_341 = arith.addf %get3A_206, %get3A_340 : vector<16xf32>
      %mul3A_342 = arith.constant 16 : i32
      %mul3A_343 = arith.muli %scan3A_199, %mul3A_342 : i32
      %swap3A_344 = arith.constant 8 : i32
      %swap3A_345 = arith.index_cast %swap3A_344 : i32 to index
      %swap3A_346 = arith.index_cast %mul3A_343 : i32 to index
      %swap3A_347 = tpu.vector_load %arg7[%swap3A_345, %swap3A_346] {strides = array<i32>} : memref<64x1024xf32, #tpu.memory_space<vmem>>, vector<1x16xf32>,
      %swap3A_348 = vector.shape_cast %swap3A_347 : vector<1x16xf32> to vector<16xf32>
      %swap3A_349 = vector.shape_cast %add3A_341 : vector<16xf32> to vector<1x16xf32>
      tpu.vector_store %arg7[%swap3A_345, %swap3A_346], %swap3A_349 {strides = array<i32>} : memref<64x1024xf32, #tpu.memory_space<vmem>>, vector<1x16xf32>,
      %mul3A_350 = arith.constant 16 : i32
      %mul3A_351 = arith.muli %scan3A_199, %mul3A_350 : i32
      %get3A_352 = arith.constant 9 : i32
      %get3A_353 = arith.index_cast %get3A_352 : i32 to index
      %get3A_354 = arith.index_cast %mul3A_351 : i32 to index
      %get3A_355 = tpu.vector_load %arg6[%get3A_353, %get3A_354] {strides = array<i32>} : memref<32x1024xf32, #tpu.memory_space<vmem>>, vector<1x16xf32>,
      %get3A_356 = vector.shape_cast %get3A_355 : vector<1x16xf32> to vector<16xf32>
      %add3A_357 = arith.addf %get3A_206, %get3A_356 : vector<16xf32>
      %mul3A_358 = arith.constant 16 : i32
      %mul3A_359 = arith.muli %scan3A_199, %mul3A_358 : i32
      %swap3A_360 = arith.constant 9 : i32
      %swap3A_361 = arith.index_cast %swap3A_360 : i32 to index
      %swap3A_362 = arith.index_cast %mul3A_359 : i32 to index
      %swap3A_363 = tpu.vector_load %arg7[%swap3A_361, %swap3A_362] {strides = array<i32>} : memref<64x1024xf32, #tpu.memory_space<vmem>>, vector<1x16xf32>,
      %swap3A_364 = vector.shape_cast %swap3A_363 : vector<1x16xf32> to vector<16xf32>
      %swap3A_365 = vector.shape_cast %add3A_357 : vector<16xf32> to vector<1x16xf32>
      tpu.vector_store %arg7[%swap3A_361, %swap3A_362], %swap3A_365 {strides = array<i32>} : memref<64x1024xf32, #tpu.memory_space<vmem>>, vector<1x16xf32>,
      %mul3A_366 = arith.constant 16 : i32
      %mul3A_367 = arith.muli %scan3A_199, %mul3A_366 : i32
      %get3A_368 = arith.constant 10 : i32
      %get3A_369 = arith.index_cast %get3A_368 : i32 to index
      %get3A_370 = arith.index_cast %mul3A_367 : i32 to index
      %get3A_371 = tpu.vector_load %arg6[%get3A_369, %get3A_370] {strides = array<i32>} : memref<32x1024xf32, #tpu.memory_space<vmem>>, vector<1x16xf32>,
      %get3A_372 = vector.shape_cast %get3A_371 : vector<1x16xf32> to vector<16xf32>
      %add3A_373 = arith.addf %get3A_206, %get3A_372 : vector<16xf32>
      %mul3A_374 = arith.constant 16 : i32
      %mul3A_375 = arith.muli %scan3A_199, %mul3A_374 : i32
      %swap3A_376 = arith.constant 10 : i32
      %swap3A_377 = arith.index_cast %swap3A_376 : i32 to index
      %swap3A_378 = arith.index_cast %mul3A_375 : i32 to index
      %swap3A_379 = tpu.vector_load %arg7[%swap3A_377, %swap3A_378] {strides = array<i32>} : memref<64x1024xf32, #tpu.memory_space<vmem>>, vector<1x16xf32>,
      %swap3A_380 = vector.shape_cast %swap3A_379 : vector<1x16xf32> to vector<16xf32>
      %swap3A_381 = vector.shape_cast %add3A_373 : vector<16xf32> to vector<1x16xf32>
      tpu.vector_store %arg7[%swap3A_377, %swap3A_378], %swap3A_381 {strides = array<i32>} : memref<64x1024xf32, #tpu.memory_space<vmem>>, vector<1x16xf32>,
      %mul3A_382 = arith.constant 16 : i32
      %mul3A_383 = arith.muli %scan3A_199, %mul3A_382 : i32
      %get3A_384 = arith.constant 11 : i32
      %get3A_385 = arith.index_cast %get3A_384 : i32 to index
      %get3A_386 = arith.index_cast %mul3A_383 : i32 to index
      %get3A_387 = tpu.vector_load %arg6[%get3A_385, %get3A_386] {strides = array<i32>} : memref<32x1024xf32, #tpu.memory_space<vmem>>, vector<1x16xf32>,
      %get3A_388 = vector.shape_cast %get3A_387 : vector<1x16xf32> to vector<16xf32>
      %add3A_389 = arith.addf %get3A_206, %get3A_388 : vector<16xf32>
      %mul3A_390 = arith.constant 16 : i32
      %mul3A_391 = arith.muli %scan3A_199, %mul3A_390 : i32
      %swap3A_392 = arith.constant 11 : i32
      %swap3A_393 = arith.index_cast %swap3A_392 : i32 to index
      %swap3A_394 = arith.index_cast %mul3A_391 : i32 to index
      %swap3A_395 = tpu.vector_load %arg7[%swap3A_393, %swap3A_394] {strides = array<i32>} : memref<64x1024xf32, #tpu.memory_space<vmem>>, vector<1x16xf32>,
      %swap3A_396 = vector.shape_cast %swap3A_395 : vector<1x16xf32> to vector<16xf32>
      %swap3A_397 = vector.shape_cast %add3A_389 : vector<16xf32> to vector<1x16xf32>
      tpu.vector_store %arg7[%swap3A_393, %swap3A_394], %swap3A_397 {strides = array<i32>} : memref<64x1024xf32, #tpu.memory_space<vmem>>, vector<1x16xf32>,
      %mul3A_398 = arith.constant 16 : i32
      %mul3A_399 = arith.muli %scan3A_199, %mul3A_398 : i32
      %get3A_400 = arith.constant 12 : i32
      %get3A_401 = arith.index_cast %get3A_400 : i32 to index
      %get3A_402 = arith.index_cast %mul3A_399 : i32 to index
      %get3A_403 = tpu.vector_load %arg6[%get3A_401, %get3A_402] {strides = array<i32>} : memref<32x1024xf32, #tpu.memory_space<vmem>>, vector<1x16xf32>,
      %get3A_404 = vector.shape_cast %get3A_403 : vector<1x16xf32> to vector<16xf32>
      %add3A_405 = arith.addf %get3A_206, %get3A_404 : vector<16xf32>
      %mul3A_406 = arith.constant 16 : i32
      %mul3A_407 = arith.muli %scan3A_199, %mul3A_406 : i32
      %swap3A_408 = arith.constant 12 : i32
      %swap3A_409 = arith.index_cast %swap3A_408 : i32 to index
      %swap3A_410 = arith.index_cast %mul3A_407 : i32 to index
      %swap3A_411 = tpu.vector_load %arg7[%swap3A_409, %swap3A_410] {strides = array<i32>} : memref<64x1024xf32, #tpu.memory_space<vmem>>, vector<1x16xf32>,
      %swap3A_412 = vector.shape_cast %swap3A_411 : vector<1x16xf32> to vector<16xf32>
      %swap3A_413 = vector.shape_cast %add3A_405 : vector<16xf32> to vector<1x16xf32>
      tpu.vector_store %arg7[%swap3A_409, %swap3A_410], %swap3A_413 {strides = array<i32>} : memref<64x1024xf32, #tpu.memory_space<vmem>>, vector<1x16xf32>,
      %mul3A_414 = arith.constant 16 : i32
      %mul3A_415 = arith.muli %scan3A_199, %mul3A_414 : i32
      %get3A_416 = arith.constant 13 : i32
      %get3A_417 = arith.index_cast %get3A_416 : i32 to index
      %get3A_418 = arith.index_cast %mul3A_415 : i32 to index
      %get3A_419 = tpu.vector_load %arg6[%get3A_417, %get3A_418] {strides = array<i32>} : memref<32x1024xf32, #tpu.memory_space<vmem>>, vector<1x16xf32>,
      %get3A_420 = vector.shape_cast %get3A_419 : vector<1x16xf32> to vector<16xf32>
      %add3A_421 = arith.addf %get3A_206, %get3A_420 : vector<16xf32>
      %mul3A_422 = arith.constant 16 : i32
      %mul3A_423 = arith.muli %scan3A_199, %mul3A_422 : i32
      %swap3A_424 = arith.constant 13 : i32
      %swap3A_425 = arith.index_cast %swap3A_424 : i32 to index
      %swap3A_426 = arith.index_cast %mul3A_423 : i32 to index
      %swap3A_427 = tpu.vector_load %arg7[%swap3A_425, %swap3A_426] {strides = array<i32>} : memref<64x1024xf32, #tpu.memory_space<vmem>>, vector<1x16xf32>,
      %swap3A_428 = vector.shape_cast %swap3A_427 : vector<1x16xf32> to vector<16xf32>
      %swap3A_429 = vector.shape_cast %add3A_421 : vector<16xf32> to vector<1x16xf32>
      tpu.vector_store %arg7[%swap3A_425, %swap3A_426], %swap3A_429 {strides = array<i32>} : memref<64x1024xf32, #tpu.memory_space<vmem>>, vector<1x16xf32>,
      %mul3A_430 = arith.constant 16 : i32
      %mul3A_431 = arith.muli %scan3A_199, %mul3A_430 : i32
      %get3A_432 = arith.constant 14 : i32
      %get3A_433 = arith.index_cast %get3A_432 : i32 to index
      %get3A_434 = arith.index_cast %mul3A_431 : i32 to index
      %get3A_435 = tpu.vector_load %arg6[%get3A_433, %get3A_434] {strides = array<i32>} : memref<32x1024xf32, #tpu.memory_space<vmem>>, vector<1x16xf32>,
      %get3A_436 = vector.shape_cast %get3A_435 : vector<1x16xf32> to vector<16xf32>
      %add3A_437 = arith.addf %get3A_206, %get3A_436 : vector<16xf32>
      %mul3A_438 = arith.constant 16 : i32
      %mul3A_439 = arith.muli %scan3A_199, %mul3A_438 : i32
      %swap3A_440 = arith.constant 14 : i32
      %swap3A_441 = arith.index_cast %swap3A_440 : i32 to index
      %swap3A_442 = arith.index_cast %mul3A_439 : i32 to index
      %swap3A_443 = tpu.vector_load %arg7[%swap3A_441, %swap3A_442] {strides = array<i32>} : memref<64x1024xf32, #tpu.memory_space<vmem>>, vector<1x16xf32>,
      %swap3A_444 = vector.shape_cast %swap3A_443 : vector<1x16xf32> to vector<16xf32>
      %swap3A_445 = vector.shape_cast %add3A_437 : vector<16xf32> to vector<1x16xf32>
      tpu.vector_store %arg7[%swap3A_441, %swap3A_442], %swap3A_445 {strides = array<i32>} : memref<64x1024xf32, #tpu.memory_space<vmem>>, vector<1x16xf32>,
      %mul3A_446 = arith.constant 16 : i32
      %mul3A_447 = arith.muli %scan3A_199, %mul3A_446 : i32
      %get3A_448 = arith.constant 15 : i32
      %get3A_449 = arith.index_cast %get3A_448 : i32 to index
      %get3A_450 = arith.index_cast %mul3A_447 : i32 to index
      %get3A_451 = tpu.vector_load %arg6[%get3A_449, %get3A_450] {strides = array<i32>} : memref<32x1024xf32, #tpu.memory_space<vmem>>, vector<1x16xf32>,
      %get3A_452 = vector.shape_cast %get3A_451 : vector<1x16xf32> to vector<16xf32>
      %add3A_453 = arith.addf %get3A_206, %get3A_452 : vector<16xf32>
      %mul3A_454 = arith.constant 16 : i32
      %mul3A_455 = arith.muli %scan3A_199, %mul3A_454 : i32
      %swap3A_456 = arith.constant 15 : i32
      %swap3A_457 = arith.index_cast %swap3A_456 : i32 to index
      %swap3A_458 = arith.index_cast %mul3A_455 : i32 to index
      %swap3A_459 = tpu.vector_load %arg7[%swap3A_457, %swap3A_458] {strides = array<i32>} : memref<64x1024xf32, #tpu.memory_space<vmem>>, vector<1x16xf32>,
      %swap3A_460 = vector.shape_cast %swap3A_459 : vector<1x16xf32> to vector<16xf32>
      %swap3A_461 = vector.shape_cast %add3A_453 : vector<16xf32> to vector<1x16xf32>
      tpu.vector_store %arg7[%swap3A_457, %swap3A_458], %swap3A_461 {strides = array<i32>} : memref<64x1024xf32, #tpu.memory_space<vmem>>, vector<1x16xf32>,
      %mul3A_462 = arith.constant 16 : i32
      %mul3A_463 = arith.muli %scan3A_199, %mul3A_462 : i32
      %get3A_464 = arith.constant 16 : i32
      %get3A_465 = arith.index_cast %get3A_464 : i32 to index
      %get3A_466 = arith.index_cast %mul3A_463 : i32 to index
      %get3A_467 = tpu.vector_load %arg6[%get3A_465, %get3A_466] {strides = array<i32>} : memref<32x1024xf32, #tpu.memory_space<vmem>>, vector<1x16xf32>,
      %get3A_468 = vector.shape_cast %get3A_467 : vector<1x16xf32> to vector<16xf32>
      %add3A_469 = arith.addf %get3A_206, %get3A_468 : vector<16xf32>
      %mul3A_470 = arith.constant 16 : i32
      %mul3A_471 = arith.muli %scan3A_199, %mul3A_470 : i32
      %swap3A_472 = arith.constant 16 : i32
      %swap3A_473 = arith.index_cast %swap3A_472 : i32 to index
      %swap3A_474 = arith.index_cast %mul3A_471 : i32 to index
      %swap3A_475 = tpu.vector_load %arg7[%swap3A_473, %swap3A_474] {strides = array<i32>} : memref<64x1024xf32, #tpu.memory_space<vmem>>, vector<1x16xf32>,
      %swap3A_476 = vector.shape_cast %swap3A_475 : vector<1x16xf32> to vector<16xf32>
      %swap3A_477 = vector.shape_cast %add3A_469 : vector<16xf32> to vector<1x16xf32>
      tpu.vector_store %arg7[%swap3A_473, %swap3A_474], %swap3A_477 {strides = array<i32>} : memref<64x1024xf32, #tpu.memory_space<vmem>>, vector<1x16xf32>,
      %mul3A_478 = arith.constant 16 : i32
      %mul3A_479 = arith.muli %scan3A_199, %mul3A_478 : i32
      %get3A_480 = arith.constant 17 : i32
      %get3A_481 = arith.index_cast %get3A_480 : i32 to index
      %get3A_482 = arith.index_cast %mul3A_479 : i32 to index
      %get3A_483 = tpu.vector_load %arg6[%get3A_481, %get3A_482] {strides = array<i32>} : memref<32x1024xf32, #tpu.memory_space<vmem>>, vector<1x16xf32>,
      %get3A_484 = vector.shape_cast %get3A_483 : vector<1x16xf32> to vector<16xf32>
      %add3A_485 = arith.addf %get3A_206, %get3A_484 : vector<16xf32>
      %mul3A_486 = arith.constant 16 : i32
      %mul3A_487 = arith.muli %scan3A_199, %mul3A_486 : i32
      %swap3A_488 = arith.constant 17 : i32
      %swap3A_489 = arith.index_cast %swap3A_488 : i32 to index
      %swap3A_490 = arith.index_cast %mul3A_487 : i32 to index
      %swap3A_491 = tpu.vector_load %arg7[%swap3A_489, %swap3A_490] {strides = array<i32>} : memref<64x1024xf32, #tpu.memory_space<vmem>>, vector<1x16xf32>,
      %swap3A_492 = vector.shape_cast %swap3A_491 : vector<1x16xf32> to vector<16xf32>
      %swap3A_493 = vector.shape_cast %add3A_485 : vector<16xf32> to vector<1x16xf32>
      tpu.vector_store %arg7[%swap3A_489, %swap3A_490], %swap3A_493 {strides = array<i32>} : memref<64x1024xf32, #tpu.memory_space<vmem>>, vector<1x16xf32>,
      %mul3A_494 = arith.constant 16 : i32
      %mul3A_495 = arith.muli %scan3A_199, %mul3A_494 : i32
      %get3A_496 = arith.constant 18 : i32
      %get3A_497 = arith.index_cast %get3A_496 : i32 to index
      %get3A_498 = arith.index_cast %mul3A_495 : i32 to index
      %get3A_499 = tpu.vector_load %arg6[%get3A_497, %get3A_498] {strides = array<i32>} : memref<32x1024xf32, #tpu.memory_space<vmem>>, vector<1x16xf32>,
      %get3A_500 = vector.shape_cast %get3A_499 : vector<1x16xf32> to vector<16xf32>
      %add3A_501 = arith.addf %get3A_206, %get3A_500 : vector<16xf32>
      %mul3A_502 = arith.constant 16 : i32
      %mul3A_503 = arith.muli %scan3A_199, %mul3A_502 : i32
      %swap3A_504 = arith.constant 18 : i32
      %swap3A_505 = arith.index_cast %swap3A_504 : i32 to index
      %swap3A_506 = arith.index_cast %mul3A_503 : i32 to index
      %swap3A_507 = tpu.vector_load %arg7[%swap3A_505, %swap3A_506] {strides = array<i32>} : memref<64x1024xf32, #tpu.memory_space<vmem>>, vector<1x16xf32>,
      %swap3A_508 = vector.shape_cast %swap3A_507 : vector<1x16xf32> to vector<16xf32>
      %swap3A_509 = vector.shape_cast %add3A_501 : vector<16xf32> to vector<1x16xf32>
      tpu.vector_store %arg7[%swap3A_505, %swap3A_506], %swap3A_509 {strides = array<i32>} : memref<64x1024xf32, #tpu.memory_space<vmem>>, vector<1x16xf32>,
      %mul3A_510 = arith.constant 16 : i32
      %mul3A_511 = arith.muli %scan3A_199, %mul3A_510 : i32
      %get3A_512 = arith.constant 19 : i32
      %get3A_513 = arith.index_cast %get3A_512 : i32 to index
      %get3A_514 = arith.index_cast %mul3A_511 : i32 to index
      %get3A_515 = tpu.vector_load %arg6[%get3A_513, %get3A_514] {strides = array<i32>} : memref<32x1024xf32, #tpu.memory_space<vmem>>, vector<1x16xf32>,
      %get3A_516 = vector.shape_cast %get3A_515 : vector<1x16xf32> to vector<16xf32>
      %add3A_517 = arith.addf %get3A_206, %get3A_516 : vector<16xf32>
      %mul3A_518 = arith.constant 16 : i32
      %mul3A_519 = arith.muli %scan3A_199, %mul3A_518 : i32
      %swap3A_520 = arith.constant 19 : i32
      %swap3A_521 = arith.index_cast %swap3A_520 : i32 to index
      %swap3A_522 = arith.index_cast %mul3A_519 : i32 to index
      %swap3A_523 = tpu.vector_load %arg7[%swap3A_521, %swap3A_522] {strides = array<i32>} : memref<64x1024xf32, #tpu.memory_space<vmem>>, vector<1x16xf32>,
      %swap3A_524 = vector.shape_cast %swap3A_523 : vector<1x16xf32> to vector<16xf32>
      %swap3A_525 = vector.shape_cast %add3A_517 : vector<16xf32> to vector<1x16xf32>
      tpu.vector_store %arg7[%swap3A_521, %swap3A_522], %swap3A_525 {strides = array<i32>} : memref<64x1024xf32, #tpu.memory_space<vmem>>, vector<1x16xf32>,
      %mul3A_526 = arith.constant 16 : i32
      %mul3A_527 = arith.muli %scan3A_199, %mul3A_526 : i32
      %get3A_528 = arith.constant 20 : i32
      %get3A_529 = arith.index_cast %get3A_528 : i32 to index
      %get3A_530 = arith.index_cast %mul3A_527 : i32 to index
      %get3A_531 = tpu.vector_load %arg6[%get3A_529, %get3A_530] {strides = array<i32>} : memref<32x1024xf32, #tpu.memory_space<vmem>>, vector<1x16xf32>,
      %get3A_532 = vector.shape_cast %get3A_531 : vector<1x16xf32> to vector<16xf32>
      %add3A_533 = arith.addf %get3A_206, %get3A_532 : vector<16xf32>
      %mul3A_534 = arith.constant 16 : i32
      %mul3A_535 = arith.muli %scan3A_199, %mul3A_534 : i32
      %swap3A_536 = arith.constant 20 : i32
      %swap3A_537 = arith.index_cast %swap3A_536 : i32 to index
      %swap3A_538 = arith.index_cast %mul3A_535 : i32 to index
      %swap3A_539 = tpu.vector_load %arg7[%swap3A_537, %swap3A_538] {strides = array<i32>} : memref<64x1024xf32, #tpu.memory_space<vmem>>, vector<1x16xf32>,
      %swap3A_540 = vector.shape_cast %swap3A_539 : vector<1x16xf32> to vector<16xf32>
      %swap3A_541 = vector.shape_cast %add3A_533 : vector<16xf32> to vector<1x16xf32>
      tpu.vector_store %arg7[%swap3A_537, %swap3A_538], %swap3A_541 {strides = array<i32>} : memref<64x1024xf32, #tpu.memory_space<vmem>>, vector<1x16xf32>,
      %mul3A_542 = arith.constant 16 : i32
      %mul3A_543 = arith.muli %scan3A_199, %mul3A_542 : i32
      %get3A_544 = arith.constant 21 : i32
      %get3A_545 = arith.index_cast %get3A_544 : i32 to index
      %get3A_546 = arith.index_cast %mul3A_543 : i32 to index
      %get3A_547 = tpu.vector_load %arg6[%get3A_545, %get3A_546] {strides = array<i32>} : memref<32x1024xf32, #tpu.memory_space<vmem>>, vector<1x16xf32>,
      %get3A_548 = vector.shape_cast %get3A_547 : vector<1x16xf32> to vector<16xf32>
      %add3A_549 = arith.addf %get3A_206, %get3A_548 : vector<16xf32>
      %mul3A_550 = arith.constant 16 : i32
      %mul3A_551 = arith.muli %scan3A_199, %mul3A_550 : i32
      %swap3A_552 = arith.constant 21 : i32
      %swap3A_553 = arith.index_cast %swap3A_552 : i32 to index
      %swap3A_554 = arith.index_cast %mul3A_551 : i32 to index
      %swap3A_555 = tpu.vector_load %arg7[%swap3A_553, %swap3A_554] {strides = array<i32>} : memref<64x1024xf32, #tpu.memory_space<vmem>>, vector<1x16xf32>,
      %swap3A_556 = vector.shape_cast %swap3A_555 : vector<1x16xf32> to vector<16xf32>
      %swap3A_557 = vector.shape_cast %add3A_549 : vector<16xf32> to vector<1x16xf32>
      tpu.vector_store %arg7[%swap3A_553, %swap3A_554], %swap3A_557 {strides = array<i32>} : memref<64x1024xf32, #tpu.memory_space<vmem>>, vector<1x16xf32>,
      %mul3A_558 = arith.constant 16 : i32
      %mul3A_559 = arith.muli %scan3A_199, %mul3A_558 : i32
      %get3A_560 = arith.constant 22 : i32
      %get3A_561 = arith.index_cast %get3A_560 : i32 to index
      %get3A_562 = arith.index_cast %mul3A_559 : i32 to index
      %get3A_563 = tpu.vector_load %arg6[%get3A_561, %get3A_562] {strides = array<i32>} : memref<32x1024xf32, #tpu.memory_space<vmem>>, vector<1x16xf32>,
      %get3A_564 = vector.shape_cast %get3A_563 : vector<1x16xf32> to vector<16xf32>
      %add3A_565 = arith.addf %get3A_206, %get3A_564 : vector<16xf32>
      %mul3A_566 = arith.constant 16 : i32
      %mul3A_567 = arith.muli %scan3A_199, %mul3A_566 : i32
      %swap3A_568 = arith.constant 22 : i32
      %swap3A_569 = arith.index_cast %swap3A_568 : i32 to index
      %swap3A_570 = arith.index_cast %mul3A_567 : i32 to index
      %swap3A_571 = tpu.vector_load %arg7[%swap3A_569, %swap3A_570] {strides = array<i32>} : memref<64x1024xf32, #tpu.memory_space<vmem>>, vector<1x16xf32>,
      %swap3A_572 = vector.shape_cast %swap3A_571 : vector<1x16xf32> to vector<16xf32>
      %swap3A_573 = vector.shape_cast %add3A_565 : vector<16xf32> to vector<1x16xf32>
      tpu.vector_store %arg7[%swap3A_569, %swap3A_570], %swap3A_573 {strides = array<i32>} : memref<64x1024xf32, #tpu.memory_space<vmem>>, vector<1x16xf32>,
      %mul3A_574 = arith.constant 16 : i32
      %mul3A_575 = arith.muli %scan3A_199, %mul3A_574 : i32
      %get3A_576 = arith.constant 23 : i32
      %get3A_577 = arith.index_cast %get3A_576 : i32 to index
      %get3A_578 = arith.index_cast %mul3A_575 : i32 to index
      %get3A_579 = tpu.vector_load %arg6[%get3A_577, %get3A_578] {strides = array<i32>} : memref<32x1024xf32, #tpu.memory_space<vmem>>, vector<1x16xf32>,
      %get3A_580 = vector.shape_cast %get3A_579 : vector<1x16xf32> to vector<16xf32>
      %add3A_581 = arith.addf %get3A_206, %get3A_580 : vector<16xf32>
      %mul3A_582 = arith.constant 16 : i32
      %mul3A_583 = arith.muli %scan3A_199, %mul3A_582 : i32
      %swap3A_584 = arith.constant 23 : i32
      %swap3A_585 = arith.index_cast %swap3A_584 : i32 to index
      %swap3A_586 = arith.index_cast %mul3A_583 : i32 to index
      %swap3A_587 = tpu.vector_load %arg7[%swap3A_585, %swap3A_586] {strides = array<i32>} : memref<64x1024xf32, #tpu.memory_space<vmem>>, vector<1x16xf32>,
      %swap3A_588 = vector.shape_cast %swap3A_587 : vector<1x16xf32> to vector<16xf32>
      %swap3A_589 = vector.shape_cast %add3A_581 : vector<16xf32> to vector<1x16xf32>
      tpu.vector_store %arg7[%swap3A_585, %swap3A_586], %swap3A_589 {strides = array<i32>} : memref<64x1024xf32, #tpu.memory_space<vmem>>, vector<1x16xf32>,
      %mul3A_590 = arith.constant 16 : i32
      %mul3A_591 = arith.muli %scan3A_199, %mul3A_590 : i32
      %get3A_592 = arith.constant 24 : i32
      %get3A_593 = arith.index_cast %get3A_592 : i32 to index
      %get3A_594 = arith.index_cast %mul3A_591 : i32 to index
      %get3A_595 = tpu.vector_load %arg6[%get3A_593, %get3A_594] {strides = array<i32>} : memref<32x1024xf32, #tpu.memory_space<vmem>>, vector<1x16xf32>,
      %get3A_596 = vector.shape_cast %get3A_595 : vector<1x16xf32> to vector<16xf32>
      %add3A_597 = arith.addf %get3A_206, %get3A_596 : vector<16xf32>
      %mul3A_598 = arith.constant 16 : i32
      %mul3A_599 = arith.muli %scan3A_199, %mul3A_598 : i32
      %swap3A_600 = arith.constant 24 : i32
      %swap3A_601 = arith.index_cast %swap3A_600 : i32 to index
      %swap3A_602 = arith.index_cast %mul3A_599 : i32 to index
      %swap3A_603 = tpu.vector_load %arg7[%swap3A_601, %swap3A_602] {strides = array<i32>} : memref<64x1024xf32, #tpu.memory_space<vmem>>, vector<1x16xf32>,
      %swap3A_604 = vector.shape_cast %swap3A_603 : vector<1x16xf32> to vector<16xf32>
      %swap3A_605 = vector.shape_cast %add3A_597 : vector<16xf32> to vector<1x16xf32>
      tpu.vector_store %arg7[%swap3A_601, %swap3A_602], %swap3A_605 {strides = array<i32>} : memref<64x1024xf32, #tpu.memory_space<vmem>>, vector<1x16xf32>,
      %mul3A_606 = arith.constant 16 : i32
      %mul3A_607 = arith.muli %scan3A_199, %mul3A_606 : i32
      %get3A_608 = arith.constant 25 : i32
      %get3A_609 = arith.index_cast %get3A_608 : i32 to index
      %get3A_610 = arith.index_cast %mul3A_607 : i32 to index
      %get3A_611 = tpu.vector_load %arg6[%get3A_609, %get3A_610] {strides = array<i32>} : memref<32x1024xf32, #tpu.memory_space<vmem>>, vector<1x16xf32>,
      %get3A_612 = vector.shape_cast %get3A_611 : vector<1x16xf32> to vector<16xf32>
      %add3A_613 = arith.addf %get3A_206, %get3A_612 : vector<16xf32>
      %mul3A_614 = arith.constant 16 : i32
      %mul3A_615 = arith.muli %scan3A_199, %mul3A_614 : i32
      %swap3A_616 = arith.constant 25 : i32
      %swap3A_617 = arith.index_cast %swap3A_616 : i32 to index
      %swap3A_618 = arith.index_cast %mul3A_615 : i32 to index
      %swap3A_619 = tpu.vector_load %arg7[%swap3A_617, %swap3A_618] {strides = array<i32>} : memref<64x1024xf32, #tpu.memory_space<vmem>>, vector<1x16xf32>,
      %swap3A_620 = vector.shape_cast %swap3A_619 : vector<1x16xf32> to vector<16xf32>
      %swap3A_621 = vector.shape_cast %add3A_613 : vector<16xf32> to vector<1x16xf32>
      tpu.vector_store %arg7[%swap3A_617, %swap3A_618], %swap3A_621 {strides = array<i32>} : memref<64x1024xf32, #tpu.memory_space<vmem>>, vector<1x16xf32>,
      %mul3A_622 = arith.constant 16 : i32
      %mul3A_623 = arith.muli %scan3A_199, %mul3A_622 : i32
      %get3A_624 = arith.constant 26 : i32
      %get3A_625 = arith.index_cast %get3A_624 : i32 to index
      %get3A_626 = arith.index_cast %mul3A_623 : i32 to index
      %get3A_627 = tpu.vector_load %arg6[%get3A_625, %get3A_626] {strides = array<i32>} : memref<32x1024xf32, #tpu.memory_space<vmem>>, vector<1x16xf32>,
      %get3A_628 = vector.shape_cast %get3A_627 : vector<1x16xf32> to vector<16xf32>
      %add3A_629 = arith.addf %get3A_206, %get3A_628 : vector<16xf32>
      %mul3A_630 = arith.constant 16 : i32
      %mul3A_631 = arith.muli %scan3A_199, %mul3A_630 : i32
      %swap3A_632 = arith.constant 26 : i32
      %swap3A_633 = arith.index_cast %swap3A_632 : i32 to index
      %swap3A_634 = arith.index_cast %mul3A_631 : i32 to index
      %swap3A_635 = tpu.vector_load %arg7[%swap3A_633, %swap3A_634] {strides = array<i32>} : memref<64x1024xf32, #tpu.memory_space<vmem>>, vector<1x16xf32>,
      %swap3A_636 = vector.shape_cast %swap3A_635 : vector<1x16xf32> to vector<16xf32>
      %swap3A_637 = vector.shape_cast %add3A_629 : vector<16xf32> to vector<1x16xf32>
      tpu.vector_store %arg7[%swap3A_633, %swap3A_634], %swap3A_637 {strides = array<i32>} : memref<64x1024xf32, #tpu.memory_space<vmem>>, vector<1x16xf32>,
      %mul3A_638 = arith.constant 16 : i32
      %mul3A_639 = arith.muli %scan3A_199, %mul3A_638 : i32
      %get3A_640 = arith.constant 27 : i32
      %get3A_641 = arith.index_cast %get3A_640 : i32 to index
      %get3A_642 = arith.index_cast %mul3A_639 : i32 to index
      %get3A_643 = tpu.vector_load %arg6[%get3A_641, %get3A_642] {strides = array<i32>} : memref<32x1024xf32, #tpu.memory_space<vmem>>, vector<1x16xf32>,
      %get3A_644 = vector.shape_cast %get3A_643 : vector<1x16xf32> to vector<16xf32>
      %add3A_645 = arith.addf %get3A_206, %get3A_644 : vector<16xf32>
      %mul3A_646 = arith.constant 16 : i32
      %mul3A_647 = arith.muli %scan3A_199, %mul3A_646 : i32
      %swap3A_648 = arith.constant 27 : i32
      %swap3A_649 = arith.index_cast %swap3A_648 : i32 to index
      %swap3A_650 = arith.index_cast %mul3A_647 : i32 to index
      %swap3A_651 = tpu.vector_load %arg7[%swap3A_649, %swap3A_650] {strides = array<i32>} : memref<64x1024xf32, #tpu.memory_space<vmem>>, vector<1x16xf32>,
      %swap3A_652 = vector.shape_cast %swap3A_651 : vector<1x16xf32> to vector<16xf32>
      %swap3A_653 = vector.shape_cast %add3A_645 : vector<16xf32> to vector<1x16xf32>
      tpu.vector_store %arg7[%swap3A_649, %swap3A_650], %swap3A_653 {strides = array<i32>} : memref<64x1024xf32, #tpu.memory_space<vmem>>, vector<1x16xf32>,
      %mul3A_654 = arith.constant 16 : i32
      %mul3A_655 = arith.muli %scan3A_199, %mul3A_654 : i32
      %get3A_656 = arith.constant 28 : i32
      %get3A_657 = arith.index_cast %get3A_656 : i32 to index
      %get3A_658 = arith.index_cast %mul3A_655 : i32 to index
      %get3A_659 = tpu.vector_load %arg6[%get3A_657, %get3A_658] {strides = array<i32>} : memref<32x1024xf32, #tpu.memory_space<vmem>>, vector<1x16xf32>,
      %get3A_660 = vector.shape_cast %get3A_659 : vector<1x16xf32> to vector<16xf32>
      %add3A_661 = arith.addf %get3A_206, %get3A_660 : vector<16xf32>
      %mul3A_662 = arith.constant 16 : i32
      %mul3A_663 = arith.muli %scan3A_199, %mul3A_662 : i32
      %swap3A_664 = arith.constant 28 : i32
      %swap3A_665 = arith.index_cast %swap3A_664 : i32 to index
      %swap3A_666 = arith.index_cast %mul3A_663 : i32 to index
      %swap3A_667 = tpu.vector_load %arg7[%swap3A_665, %swap3A_666] {strides = array<i32>} : memref<64x1024xf32, #tpu.memory_space<vmem>>, vector<1x16xf32>,
      %swap3A_668 = vector.shape_cast %swap3A_667 : vector<1x16xf32> to vector<16xf32>
      %swap3A_669 = vector.shape_cast %add3A_661 : vector<16xf32> to vector<1x16xf32>
      tpu.vector_store %arg7[%swap3A_665, %swap3A_666], %swap3A_669 {strides = array<i32>} : memref<64x1024xf32, #tpu.memory_space<vmem>>, vector<1x16xf32>,
      %mul3A_670 = arith.constant 16 : i32
      %mul3A_671 = arith.muli %scan3A_199, %mul3A_670 : i32
      %get3A_672 = arith.constant 29 : i32
      %get3A_673 = arith.index_cast %get3A_672 : i32 to index
      %get3A_674 = arith.index_cast %mul3A_671 : i32 to index
      %get3A_675 = tpu.vector_load %arg6[%get3A_673, %get3A_674] {strides = array<i32>} : memref<32x1024xf32, #tpu.memory_space<vmem>>, vector<1x16xf32>,
      %get3A_676 = vector.shape_cast %get3A_675 : vector<1x16xf32> to vector<16xf32>
      %add3A_677 = arith.addf %get3A_206, %get3A_676 : vector<16xf32>
      %mul3A_678 = arith.constant 16 : i32
      %mul3A_679 = arith.muli %scan3A_199, %mul3A_678 : i32
      %swap3A_680 = arith.constant 29 : i32
      %swap3A_681 = arith.index_cast %swap3A_680 : i32 to index
      %swap3A_682 = arith.index_cast %mul3A_679 : i32 to index
      %swap3A_683 = tpu.vector_load %arg7[%swap3A_681, %swap3A_682] {strides = array<i32>} : memref<64x1024xf32, #tpu.memory_space<vmem>>, vector<1x16xf32>,
      %swap3A_684 = vector.shape_cast %swap3A_683 : vector<1x16xf32> to vector<16xf32>
      %swap3A_685 = vector.shape_cast %add3A_677 : vector<16xf32> to vector<1x16xf32>
      tpu.vector_store %arg7[%swap3A_681, %swap3A_682], %swap3A_685 {strides = array<i32>} : memref<64x1024xf32, #tpu.memory_space<vmem>>, vector<1x16xf32>,
      %mul3A_686 = arith.constant 16 : i32
      %mul3A_687 = arith.muli %scan3A_199, %mul3A_686 : i32
      %get3A_688 = arith.constant 30 : i32
      %get3A_689 = arith.index_cast %get3A_688 : i32 to index
      %get3A_690 = arith.index_cast %mul3A_687 : i32 to index
      %get3A_691 = tpu.vector_load %arg6[%get3A_689, %get3A_690] {strides = array<i32>} : memref<32x1024xf32, #tpu.memory_space<vmem>>, vector<1x16xf32>,
      %get3A_692 = vector.shape_cast %get3A_691 : vector<1x16xf32> to vector<16xf32>
      %add3A_693 = arith.addf %get3A_206, %get3A_692 : vector<16xf32>
      %mul3A_694 = arith.constant 16 : i32
      %mul3A_695 = arith.muli %scan3A_199, %mul3A_694 : i32
      %swap3A_696 = arith.constant 30 : i32
      %swap3A_697 = arith.index_cast %swap3A_696 : i32 to index
      %swap3A_698 = arith.index_cast %mul3A_695 : i32 to index
      %swap3A_699 = tpu.vector_load %arg7[%swap3A_697, %swap3A_698] {strides = array<i32>} : memref<64x1024xf32, #tpu.memory_space<vmem>>, vector<1x16xf32>,
      %swap3A_700 = vector.shape_cast %swap3A_699 : vector<1x16xf32> to vector<16xf32>
      %swap3A_701 = vector.shape_cast %add3A_693 : vector<16xf32> to vector<1x16xf32>
      tpu.vector_store %arg7[%swap3A_697, %swap3A_698], %swap3A_701 {strides = array<i32>} : memref<64x1024xf32, #tpu.memory_space<vmem>>, vector<1x16xf32>,
      %mul3A_702 = arith.constant 16 : i32
      %mul3A_703 = arith.muli %scan3A_199, %mul3A_702 : i32
      %get3A_704 = arith.constant 31 : i32
      %get3A_705 = arith.index_cast %get3A_704 : i32 to index
      %get3A_706 = arith.index_cast %mul3A_703 : i32 to index
      %get3A_707 = tpu.vector_load %arg6[%get3A_705, %get3A_706] {strides = array<i32>} : memref<32x1024xf32, #tpu.memory_space<vmem>>, vector<1x16xf32>,
      %get3A_708 = vector.shape_cast %get3A_707 : vector<1x16xf32> to vector<16xf32>
      %add3A_709 = arith.addf %get3A_206, %get3A_708 : vector<16xf32>
      %mul3A_710 = arith.constant 16 : i32
      %mul3A_711 = arith.muli %scan3A_199, %mul3A_710 : i32
      %swap3A_712 = arith.constant 31 : i32
      %swap3A_713 = arith.index_cast %swap3A_712 : i32 to index
      %swap3A_714 = arith.index_cast %mul3A_711 : i32 to index
      %swap3A_715 = tpu.vector_load %arg7[%swap3A_713, %swap3A_714] {strides = array<i32>} : memref<64x1024xf32, #tpu.memory_space<vmem>>, vector<1x16xf32>,
      %swap3A_716 = vector.shape_cast %swap3A_715 : vector<1x16xf32> to vector<16xf32>
      %swap3A_717 = vector.shape_cast %add3A_709 : vector<16xf32> to vector<1x16xf32>
      tpu.vector_store %arg7[%swap3A_713, %swap3A_714], %swap3A_717 {strides = array<i32>} : memref<64x1024xf32, #tpu.memory_space<vmem>>, vector<1x16xf32>,
      %scan3A_718 = arith.constant 0 : i32
      scf.yield %scan3A_718 : i32
    }
    %scan3A_105 = arith.constant 64 : i32
    "tpu.region"() ({
      %run_scoped3A = tpu.sem_alloc : memref<!tpu.dma_semaphore, #tpu.memory_space<semaphore_mem>>
      %dma_start3A_199 = arith.constant 32 : i32
      %dma_start3A_200 = arith.constant 0 : i32
      %dma_start3A_201 = tpu.memref_slice %arg3[%dma_start3A_199, %dma_start3A_200] : memref<64x1024xf32, #tpu.memory_space<hbm>> -> memref<32x1024xf32, #tpu.memory_space<hbm>>
      %dma_start3A_202 = arith.constant 32 : i32
      %dma_start3A_203 = arith.constant 0 : i32
      %dma_start3A_204 = tpu.memref_slice %arg3[%dma_start3A_202, %dma_start3A_203] : memref<64x1024xf32, #tpu.memory_space<hbm>> -> memref<32x1024xf32, #tpu.memory_space<hbm>>
      tpu.enqueue_dma source(%dma_start3A_204 : memref<32x1024xf32, #tpu.memory_space<hbm>>) target(%arg6 : memref<32x1024xf32, #tpu.memory_space<vmem>>) target_semaphore(%run_scoped3A : memref<!tpu.dma_semaphore, #tpu.memory_space<semaphore_mem>>)
      %dma_wait3A_205 = arith.constant 32 : i32
      %dma_wait3A_206 = arith.constant 0 : i32
      %dma_wait3A_207 = tpu.memref_slice %arg3[%dma_wait3A_205, %dma_wait3A_206] : memref<64x1024xf32, #tpu.memory_space<hbm>> -> memref<32x1024xf32, #tpu.memory_space<hbm>>
      %dma_wait3A_208 = arith.constant 32 : i32
      %dma_wait3A_209 = arith.constant 0 : i32
      %dma_wait3A_210 = tpu.memref_slice %arg3[%dma_wait3A_208, %dma_wait3A_209] : memref<64x1024xf32, #tpu.memory_space<hbm>> -> memref<32x1024xf32, #tpu.memory_space<hbm>>
      tpu.wait_dma2 semaphore(%run_scoped3A : memref<!tpu.dma_semaphore, #tpu.memory_space<semaphore_mem>>) src(%dma_wait3A_210 : memref<32x1024xf32, #tpu.memory_space<hbm>>) dst(%arg6 : memref<32x1024xf32, #tpu.memory_space<vmem>>)
      tpu.yield
    }) : () -> ()
    %scan3A_106 = arith.constant 0 : i32
    %scan3A_107 = arith.constant 0 : i32
    %scan3A_108 = arith.constant 64 : i32
    %scan3A_109 = arith.addi %scan3A_107, %scan3A_108 : i32
    %scan3A_110 = arith.constant 1 : i32
    %scan3A_111 = scf.for %scan3A_199 = %scan3A_107 to %scan3A_109 step %scan3A_110 iter_args(%scan3A_200 = %scan3A_106) -> (i32)  : i32 {
      %mul3A_201 = arith.constant 16 : i32
      %mul3A_202 = arith.muli %scan3A_199, %mul3A_201 : i32
      %get3A = arith.constant 1 : i32
      %get3A_203 = arith.index_cast %get3A : i32 to index
      %get3A_204 = arith.index_cast %mul3A_202 : i32 to index
      %get3A_205 = tpu.vector_load %arg5[%get3A_203, %get3A_204] {strides = array<i32>} : memref<2x1024xf32, #tpu.memory_space<vmem>>, vector<1x16xf32>,
      %get3A_206 = vector.shape_cast %get3A_205 : vector<1x16xf32> to vector<16xf32>
      %mul3A_207 = arith.constant 16 : i32
      %mul3A_208 = arith.muli %scan3A_199, %mul3A_207 : i32
      %get3A_209 = arith.constant 0 : i32
      %get3A_210 = arith.index_cast %get3A_209 : i32 to index
      %get3A_211 = arith.index_cast %mul3A_208 : i32 to index
      %get3A_212 = tpu.vector_load %arg6[%get3A_210, %get3A_211] {strides = array<i32>} : memref<32x1024xf32, #tpu.memory_space<vmem>>, vector<1x16xf32>,
      %get3A_213 = vector.shape_cast %get3A_212 : vector<1x16xf32> to vector<16xf32>
      %add3A_214 = arith.addf %get3A_206, %get3A_213 : vector<16xf32>
      %mul3A_215 = arith.constant 16 : i32
      %mul3A_216 = arith.muli %scan3A_199, %mul3A_215 : i32
      %swap3A = arith.constant 32 : i32
      %swap3A_217 = arith.index_cast %swap3A : i32 to index
      %swap3A_218 = arith.index_cast %mul3A_216 : i32 to index
      %swap3A_219 = tpu.vector_load %arg7[%swap3A_217, %swap3A_218] {strides = array<i32>} : memref<64x1024xf32, #tpu.memory_space<vmem>>, vector<1x16xf32>,
      %swap3A_220 = vector.shape_cast %swap3A_219 : vector<1x16xf32> to vector<16xf32>
      %swap3A_221 = vector.shape_cast %add3A_214 : vector<16xf32> to vector<1x16xf32>
      tpu.vector_store %arg7[%swap3A_217, %swap3A_218], %swap3A_221 {strides = array<i32>} : memref<64x1024xf32, #tpu.memory_space<vmem>>, vector<1x16xf32>,
      %mul3A_222 = arith.constant 16 : i32
      %mul3A_223 = arith.muli %scan3A_199, %mul3A_222 : i32
      %get3A_224 = arith.constant 1 : i32
      %get3A_225 = arith.index_cast %get3A_224 : i32 to index
      %get3A_226 = arith.index_cast %mul3A_223 : i32 to index
      %get3A_227 = tpu.vector_load %arg6[%get3A_225, %get3A_226] {strides = array<i32>} : memref<32x1024xf32, #tpu.memory_space<vmem>>, vector<1x16xf32>,
      %get3A_228 = vector.shape_cast %get3A_227 : vector<1x16xf32> to vector<16xf32>
      %add3A_229 = arith.addf %get3A_206, %get3A_228 : vector<16xf32>
      %mul3A_230 = arith.constant 16 : i32
      %mul3A_231 = arith.muli %scan3A_199, %mul3A_230 : i32
      %swap3A_232 = arith.constant 33 : i32
      %swap3A_233 = arith.index_cast %swap3A_232 : i32 to index
      %swap3A_234 = arith.index_cast %mul3A_231 : i32 to index
      %swap3A_235 = tpu.vector_load %arg7[%swap3A_233, %swap3A_234] {strides = array<i32>} : memref<64x1024xf32, #tpu.memory_space<vmem>>, vector<1x16xf32>,
      %swap3A_236 = vector.shape_cast %swap3A_235 : vector<1x16xf32> to vector<16xf32>
      %swap3A_237 = vector.shape_cast %add3A_229 : vector<16xf32> to vector<1x16xf32>
      tpu.vector_store %arg7[%swap3A_233, %swap3A_234], %swap3A_237 {strides = array<i32>} : memref<64x1024xf32, #tpu.memory_space<vmem>>, vector<1x16xf32>,
      %mul3A_238 = arith.constant 16 : i32
      %mul3A_239 = arith.muli %scan3A_199, %mul3A_238 : i32
      %get3A_240 = arith.constant 2 : i32
      %get3A_241 = arith.index_cast %get3A_240 : i32 to index
      %get3A_242 = arith.index_cast %mul3A_239 : i32 to index
      %get3A_243 = tpu.vector_load %arg6[%get3A_241, %get3A_242] {strides = array<i32>} : memref<32x1024xf32, #tpu.memory_space<vmem>>, vector<1x16xf32>,
      %get3A_244 = vector.shape_cast %get3A_243 : vector<1x16xf32> to vector<16xf32>
      %add3A_245 = arith.addf %get3A_206, %get3A_244 : vector<16xf32>
      %mul3A_246 = arith.constant 16 : i32
      %mul3A_247 = arith.muli %scan3A_199, %mul3A_246 : i32
      %swap3A_248 = arith.constant 34 : i32
      %swap3A_249 = arith.index_cast %swap3A_248 : i32 to index
      %swap3A_250 = arith.index_cast %mul3A_247 : i32 to index
      %swap3A_251 = tpu.vector_load %arg7[%swap3A_249, %swap3A_250] {strides = array<i32>} : memref<64x1024xf32, #tpu.memory_space<vmem>>, vector<1x16xf32>,
      %swap3A_252 = vector.shape_cast %swap3A_251 : vector<1x16xf32> to vector<16xf32>
      %swap3A_253 = vector.shape_cast %add3A_245 : vector<16xf32> to vector<1x16xf32>
      tpu.vector_store %arg7[%swap3A_249, %swap3A_250], %swap3A_253 {strides = array<i32>} : memref<64x1024xf32, #tpu.memory_space<vmem>>, vector<1x16xf32>,
      %mul3A_254 = arith.constant 16 : i32
      %mul3A_255 = arith.muli %scan3A_199, %mul3A_254 : i32
      %get3A_256 = arith.constant 3 : i32
      %get3A_257 = arith.index_cast %get3A_256 : i32 to index
      %get3A_258 = arith.index_cast %mul3A_255 : i32 to index
      %get3A_259 = tpu.vector_load %arg6[%get3A_257, %get3A_258] {strides = array<i32>} : memref<32x1024xf32, #tpu.memory_space<vmem>>, vector<1x16xf32>,
      %get3A_260 = vector.shape_cast %get3A_259 : vector<1x16xf32> to vector<16xf32>
      %add3A_261 = arith.addf %get3A_206, %get3A_260 : vector<16xf32>
      %mul3A_262 = arith.constant 16 : i32
      %mul3A_263 = arith.muli %scan3A_199, %mul3A_262 : i32
      %swap3A_264 = arith.constant 35 : i32
      %swap3A_265 = arith.index_cast %swap3A_264 : i32 to index
      %swap3A_266 = arith.index_cast %mul3A_263 : i32 to index
      %swap3A_267 = tpu.vector_load %arg7[%swap3A_265, %swap3A_266] {strides = array<i32>} : memref<64x1024xf32, #tpu.memory_space<vmem>>, vector<1x16xf32>,
      %swap3A_268 = vector.shape_cast %swap3A_267 : vector<1x16xf32> to vector<16xf32>
      %swap3A_269 = vector.shape_cast %add3A_261 : vector<16xf32> to vector<1x16xf32>
      tpu.vector_store %arg7[%swap3A_265, %swap3A_266], %swap3A_269 {strides = array<i32>} : memref<64x1024xf32, #tpu.memory_space<vmem>>, vector<1x16xf32>,
      %mul3A_270 = arith.constant 16 : i32
      %mul3A_271 = arith.muli %scan3A_199, %mul3A_270 : i32
      %get3A_272 = arith.constant 4 : i32
      %get3A_273 = arith.index_cast %get3A_272 : i32 to index
      %get3A_274 = arith.index_cast %mul3A_271 : i32 to index
      %get3A_275 = tpu.vector_load %arg6[%get3A_273, %get3A_274] {strides = array<i32>} : memref<32x1024xf32, #tpu.memory_space<vmem>>, vector<1x16xf32>,
      %get3A_276 = vector.shape_cast %get3A_275 : vector<1x16xf32> to vector<16xf32>
      %add3A_277 = arith.addf %get3A_206, %get3A_276 : vector<16xf32>
      %mul3A_278 = arith.constant 16 : i32
      %mul3A_279 = arith.muli %scan3A_199, %mul3A_278 : i32
      %swap3A_280 = arith.constant 36 : i32
      %swap3A_281 = arith.index_cast %swap3A_280 : i32 to index
      %swap3A_282 = arith.index_cast %mul3A_279 : i32 to index
      %swap3A_283 = tpu.vector_load %arg7[%swap3A_281, %swap3A_282] {strides = array<i32>} : memref<64x1024xf32, #tpu.memory_space<vmem>>, vector<1x16xf32>,
      %swap3A_284 = vector.shape_cast %swap3A_283 : vector<1x16xf32> to vector<16xf32>
      %swap3A_285 = vector.shape_cast %add3A_277 : vector<16xf32> to vector<1x16xf32>
      tpu.vector_store %arg7[%swap3A_281, %swap3A_282], %swap3A_285 {strides = array<i32>} : memref<64x1024xf32, #tpu.memory_space<vmem>>, vector<1x16xf32>,
      %mul3A_286 = arith.constant 16 : i32
      %mul3A_287 = arith.muli %scan3A_199, %mul3A_286 : i32
      %get3A_288 = arith.constant 5 : i32
      %get3A_289 = arith.index_cast %get3A_288 : i32 to index
      %get3A_290 = arith.index_cast %mul3A_287 : i32 to index
      %get3A_291 = tpu.vector_load %arg6[%get3A_289, %get3A_290] {strides = array<i32>} : memref<32x1024xf32, #tpu.memory_space<vmem>>, vector<1x16xf32>,
      %get3A_292 = vector.shape_cast %get3A_291 : vector<1x16xf32> to vector<16xf32>
      %add3A_293 = arith.addf %get3A_206, %get3A_292 : vector<16xf32>
      %mul3A_294 = arith.constant 16 : i32
      %mul3A_295 = arith.muli %scan3A_199, %mul3A_294 : i32
      %swap3A_296 = arith.constant 37 : i32
      %swap3A_297 = arith.index_cast %swap3A_296 : i32 to index
      %swap3A_298 = arith.index_cast %mul3A_295 : i32 to index
      %swap3A_299 = tpu.vector_load %arg7[%swap3A_297, %swap3A_298] {strides = array<i32>} : memref<64x1024xf32, #tpu.memory_space<vmem>>, vector<1x16xf32>,
      %swap3A_300 = vector.shape_cast %swap3A_299 : vector<1x16xf32> to vector<16xf32>
      %swap3A_301 = vector.shape_cast %add3A_293 : vector<16xf32> to vector<1x16xf32>
      tpu.vector_store %arg7[%swap3A_297, %swap3A_298], %swap3A_301 {strides = array<i32>} : memref<64x1024xf32, #tpu.memory_space<vmem>>, vector<1x16xf32>,
      %mul3A_302 = arith.constant 16 : i32
      %mul3A_303 = arith.muli %scan3A_199, %mul3A_302 : i32
      %get3A_304 = arith.constant 6 : i32
      %get3A_305 = arith.index_cast %get3A_304 : i32 to index
      %get3A_306 = arith.index_cast %mul3A_303 : i32 to index
      %get3A_307 = tpu.vector_load %arg6[%get3A_305, %get3A_306] {strides = array<i32>} : memref<32x1024xf32, #tpu.memory_space<vmem>>, vector<1x16xf32>,
      %get3A_308 = vector.shape_cast %get3A_307 : vector<1x16xf32> to vector<16xf32>
      %add3A_309 = arith.addf %get3A_206, %get3A_308 : vector<16xf32>
      %mul3A_310 = arith.constant 16 : i32
      %mul3A_311 = arith.muli %scan3A_199, %mul3A_310 : i32
      %swap3A_312 = arith.constant 38 : i32
      %swap3A_313 = arith.index_cast %swap3A_312 : i32 to index
      %swap3A_314 = arith.index_cast %mul3A_311 : i32 to index
      %swap3A_315 = tpu.vector_load %arg7[%swap3A_313, %swap3A_314] {strides = array<i32>} : memref<64x1024xf32, #tpu.memory_space<vmem>>, vector<1x16xf32>,
      %swap3A_316 = vector.shape_cast %swap3A_315 : vector<1x16xf32> to vector<16xf32>
      %swap3A_317 = vector.shape_cast %add3A_309 : vector<16xf32> to vector<1x16xf32>
      tpu.vector_store %arg7[%swap3A_313, %swap3A_314], %swap3A_317 {strides = array<i32>} : memref<64x1024xf32, #tpu.memory_space<vmem>>, vector<1x16xf32>,
      %mul3A_318 = arith.constant 16 : i32
      %mul3A_319 = arith.muli %scan3A_199, %mul3A_318 : i32
      %get3A_320 = arith.constant 7 : i32
      %get3A_321 = arith.index_cast %get3A_320 : i32 to index
      %get3A_322 = arith.index_cast %mul3A_319 : i32 to index
      %get3A_323 = tpu.vector_load %arg6[%get3A_321, %get3A_322] {strides = array<i32>} : memref<32x1024xf32, #tpu.memory_space<vmem>>, vector<1x16xf32>,
      %get3A_324 = vector.shape_cast %get3A_323 : vector<1x16xf32> to vector<16xf32>
      %add3A_325 = arith.addf %get3A_206, %get3A_324 : vector<16xf32>
      %mul3A_326 = arith.constant 16 : i32
      %mul3A_327 = arith.muli %scan3A_199, %mul3A_326 : i32
      %swap3A_328 = arith.constant 39 : i32
      %swap3A_329 = arith.index_cast %swap3A_328 : i32 to index
      %swap3A_330 = arith.index_cast %mul3A_327 : i32 to index
      %swap3A_331 = tpu.vector_load %arg7[%swap3A_329, %swap3A_330] {strides = array<i32>} : memref<64x1024xf32, #tpu.memory_space<vmem>>, vector<1x16xf32>,
      %swap3A_332 = vector.shape_cast %swap3A_331 : vector<1x16xf32> to vector<16xf32>
      %swap3A_333 = vector.shape_cast %add3A_325 : vector<16xf32> to vector<1x16xf32>
      tpu.vector_store %arg7[%swap3A_329, %swap3A_330], %swap3A_333 {strides = array<i32>} : memref<64x1024xf32, #tpu.memory_space<vmem>>, vector<1x16xf32>,
      %mul3A_334 = arith.constant 16 : i32
      %mul3A_335 = arith.muli %scan3A_199, %mul3A_334 : i32
      %get3A_336 = arith.constant 8 : i32
      %get3A_337 = arith.index_cast %get3A_336 : i32 to index
      %get3A_338 = arith.index_cast %mul3A_335 : i32 to index
      %get3A_339 = tpu.vector_load %arg6[%get3A_337, %get3A_338] {strides = array<i32>} : memref<32x1024xf32, #tpu.memory_space<vmem>>, vector<1x16xf32>,
      %get3A_340 = vector.shape_cast %get3A_339 : vector<1x16xf32> to vector<16xf32>
      %add3A_341 = arith.addf %get3A_206, %get3A_340 : vector<16xf32>
      %mul3A_342 = arith.constant 16 : i32
      %mul3A_343 = arith.muli %scan3A_199, %mul3A_342 : i32
      %swap3A_344 = arith.constant 40 : i32
      %swap3A_345 = arith.index_cast %swap3A_344 : i32 to index
      %swap3A_346 = arith.index_cast %mul3A_343 : i32 to index
      %swap3A_347 = tpu.vector_load %arg7[%swap3A_345, %swap3A_346] {strides = array<i32>} : memref<64x1024xf32, #tpu.memory_space<vmem>>, vector<1x16xf32>,
      %swap3A_348 = vector.shape_cast %swap3A_347 : vector<1x16xf32> to vector<16xf32>
      %swap3A_349 = vector.shape_cast %add3A_341 : vector<16xf32> to vector<1x16xf32>
      tpu.vector_store %arg7[%swap3A_345, %swap3A_346], %swap3A_349 {strides = array<i32>} : memref<64x1024xf32, #tpu.memory_space<vmem>>, vector<1x16xf32>,
      %mul3A_350 = arith.constant 16 : i32
      %mul3A_351 = arith.muli %scan3A_199, %mul3A_350 : i32
      %get3A_352 = arith.constant 9 : i32
      %get3A_353 = arith.index_cast %get3A_352 : i32 to index
      %get3A_354 = arith.index_cast %mul3A_351 : i32 to index
      %get3A_355 = tpu.vector_load %arg6[%get3A_353, %get3A_354] {strides = array<i32>} : memref<32x1024xf32, #tpu.memory_space<vmem>>, vector<1x16xf32>,
      %get3A_356 = vector.shape_cast %get3A_355 : vector<1x16xf32> to vector<16xf32>
      %add3A_357 = arith.addf %get3A_206, %get3A_356 : vector<16xf32>
      %mul3A_358 = arith.constant 16 : i32
      %mul3A_359 = arith.muli %scan3A_199, %mul3A_358 : i32
      %swap3A_360 = arith.constant 41 : i32
      %swap3A_361 = arith.index_cast %swap3A_360 : i32 to index
      %swap3A_362 = arith.index_cast %mul3A_359 : i32 to index
      %swap3A_363 = tpu.vector_load %arg7[%swap3A_361, %swap3A_362] {strides = array<i32>} : memref<64x1024xf32, #tpu.memory_space<vmem>>, vector<1x16xf32>,
      %swap3A_364 = vector.shape_cast %swap3A_363 : vector<1x16xf32> to vector<16xf32>
      %swap3A_365 = vector.shape_cast %add3A_357 : vector<16xf32> to vector<1x16xf32>
      tpu.vector_store %arg7[%swap3A_361, %swap3A_362], %swap3A_365 {strides = array<i32>} : memref<64x1024xf32, #tpu.memory_space<vmem>>, vector<1x16xf32>,
      %mul3A_366 = arith.constant 16 : i32
      %mul3A_367 = arith.muli %scan3A_199, %mul3A_366 : i32
      %get3A_368 = arith.constant 10 : i32
      %get3A_369 = arith.index_cast %get3A_368 : i32 to index
      %get3A_370 = arith.index_cast %mul3A_367 : i32 to index
      %get3A_371 = tpu.vector_load %arg6[%get3A_369, %get3A_370] {strides = array<i32>} : memref<32x1024xf32, #tpu.memory_space<vmem>>, vector<1x16xf32>,
      %get3A_372 = vector.shape_cast %get3A_371 : vector<1x16xf32> to vector<16xf32>
      %add3A_373 = arith.addf %get3A_206, %get3A_372 : vector<16xf32>
      %mul3A_374 = arith.constant 16 : i32
      %mul3A_375 = arith.muli %scan3A_199, %mul3A_374 : i32
      %swap3A_376 = arith.constant 42 : i32
      %swap3A_377 = arith.index_cast %swap3A_376 : i32 to index
      %swap3A_378 = arith.index_cast %mul3A_375 : i32 to index
      %swap3A_379 = tpu.vector_load %arg7[%swap3A_377, %swap3A_378] {strides = array<i32>} : memref<64x1024xf32, #tpu.memory_space<vmem>>, vector<1x16xf32>,
      %swap3A_380 = vector.shape_cast %swap3A_379 : vector<1x16xf32> to vector<16xf32>
      %swap3A_381 = vector.shape_cast %add3A_373 : vector<16xf32> to vector<1x16xf32>
      tpu.vector_store %arg7[%swap3A_377, %swap3A_378], %swap3A_381 {strides = array<i32>} : memref<64x1024xf32, #tpu.memory_space<vmem>>, vector<1x16xf32>,
      %mul3A_382 = arith.constant 16 : i32
      %mul3A_383 = arith.muli %scan3A_199, %mul3A_382 : i32
      %get3A_384 = arith.constant 11 : i32
      %get3A_385 = arith.index_cast %get3A_384 : i32 to index
      %get3A_386 = arith.index_cast %mul3A_383 : i32 to index
      %get3A_387 = tpu.vector_load %arg6[%get3A_385, %get3A_386] {strides = array<i32>} : memref<32x1024xf32, #tpu.memory_space<vmem>>, vector<1x16xf32>,
      %get3A_388 = vector.shape_cast %get3A_387 : vector<1x16xf32> to vector<16xf32>
      %add3A_389 = arith.addf %get3A_206, %get3A_388 : vector<16xf32>
      %mul3A_390 = arith.constant 16 : i32
      %mul3A_391 = arith.muli %scan3A_199, %mul3A_390 : i32
      %swap3A_392 = arith.constant 43 : i32
      %swap3A_393 = arith.index_cast %swap3A_392 : i32 to index
      %swap3A_394 = arith.index_cast %mul3A_391 : i32 to index
      %swap3A_395 = tpu.vector_load %arg7[%swap3A_393, %swap3A_394] {strides = array<i32>} : memref<64x1024xf32, #tpu.memory_space<vmem>>, vector<1x16xf32>,
      %swap3A_396 = vector.shape_cast %swap3A_395 : vector<1x16xf32> to vector<16xf32>
      %swap3A_397 = vector.shape_cast %add3A_389 : vector<16xf32> to vector<1x16xf32>
      tpu.vector_store %arg7[%swap3A_393, %swap3A_394], %swap3A_397 {strides = array<i32>} : memref<64x1024xf32, #tpu.memory_space<vmem>>, vector<1x16xf32>,
      %mul3A_398 = arith.constant 16 : i32
      %mul3A_399 = arith.muli %scan3A_199, %mul3A_398 : i32
      %get3A_400 = arith.constant 12 : i32
      %get3A_401 = arith.index_cast %get3A_400 : i32 to index
      %get3A_402 = arith.index_cast %mul3A_399 : i32 to index
      %get3A_403 = tpu.vector_load %arg6[%get3A_401, %get3A_402] {strides = array<i32>} : memref<32x1024xf32, #tpu.memory_space<vmem>>, vector<1x16xf32>,
      %get3A_404 = vector.shape_cast %get3A_403 : vector<1x16xf32> to vector<16xf32>
      %add3A_405 = arith.addf %get3A_206, %get3A_404 : vector<16xf32>
      %mul3A_406 = arith.constant 16 : i32
      %mul3A_407 = arith.muli %scan3A_199, %mul3A_406 : i32
      %swap3A_408 = arith.constant 44 : i32
      %swap3A_409 = arith.index_cast %swap3A_408 : i32 to index
      %swap3A_410 = arith.index_cast %mul3A_407 : i32 to index
      %swap3A_411 = tpu.vector_load %arg7[%swap3A_409, %swap3A_410] {strides = array<i32>} : memref<64x1024xf32, #tpu.memory_space<vmem>>, vector<1x16xf32>,
      %swap3A_412 = vector.shape_cast %swap3A_411 : vector<1x16xf32> to vector<16xf32>
      %swap3A_413 = vector.shape_cast %add3A_405 : vector<16xf32> to vector<1x16xf32>
      tpu.vector_store %arg7[%swap3A_409, %swap3A_410], %swap3A_413 {strides = array<i32>} : memref<64x1024xf32, #tpu.memory_space<vmem>>, vector<1x16xf32>,
      %mul3A_414 = arith.constant 16 : i32
      %mul3A_415 = arith.muli %scan3A_199, %mul3A_414 : i32
      %get3A_416 = arith.constant 13 : i32
      %get3A_417 = arith.index_cast %get3A_416 : i32 to index
      %get3A_418 = arith.index_cast %mul3A_415 : i32 to index
      %get3A_419 = tpu.vector_load %arg6[%get3A_417, %get3A_418] {strides = array<i32>} : memref<32x1024xf32, #tpu.memory_space<vmem>>, vector<1x16xf32>,
      %get3A_420 = vector.shape_cast %get3A_419 : vector<1x16xf32> to vector<16xf32>
      %add3A_421 = arith.addf %get3A_206, %get3A_420 : vector<16xf32>
      %mul3A_422 = arith.constant 16 : i32
      %mul3A_423 = arith.muli %scan3A_199, %mul3A_422 : i32
      %swap3A_424 = arith.constant 45 : i32
      %swap3A_425 = arith.index_cast %swap3A_424 : i32 to index
      %swap3A_426 = arith.index_cast %mul3A_423 : i32 to index
      %swap3A_427 = tpu.vector_load %arg7[%swap3A_425, %swap3A_426] {strides = array<i32>} : memref<64x1024xf32, #tpu.memory_space<vmem>>, vector<1x16xf32>,
      %swap3A_428 = vector.shape_cast %swap3A_427 : vector<1x16xf32> to vector<16xf32>
      %swap3A_429 = vector.shape_cast %add3A_421 : vector<16xf32> to vector<1x16xf32>
      tpu.vector_store %arg7[%swap3A_425, %swap3A_426], %swap3A_429 {strides = array<i32>} : memref<64x1024xf32, #tpu.memory_space<vmem>>, vector<1x16xf32>,
      %mul3A_430 = arith.constant 16 : i32
      %mul3A_431 = arith.muli %scan3A_199, %mul3A_430 : i32
      %get3A_432 = arith.constant 14 : i32
      %get3A_433 = arith.index_cast %get3A_432 : i32 to index
      %get3A_434 = arith.index_cast %mul3A_431 : i32 to index
      %get3A_435 = tpu.vector_load %arg6[%get3A_433, %get3A_434] {strides = array<i32>} : memref<32x1024xf32, #tpu.memory_space<vmem>>, vector<1x16xf32>,
      %get3A_436 = vector.shape_cast %get3A_435 : vector<1x16xf32> to vector<16xf32>
      %add3A_437 = arith.addf %get3A_206, %get3A_436 : vector<16xf32>
      %mul3A_438 = arith.constant 16 : i32
      %mul3A_439 = arith.muli %scan3A_199, %mul3A_438 : i32
      %swap3A_440 = arith.constant 46 : i32
      %swap3A_441 = arith.index_cast %swap3A_440 : i32 to index
      %swap3A_442 = arith.index_cast %mul3A_439 : i32 to index
      %swap3A_443 = tpu.vector_load %arg7[%swap3A_441, %swap3A_442] {strides = array<i32>} : memref<64x1024xf32, #tpu.memory_space<vmem>>, vector<1x16xf32>,
      %swap3A_444 = vector.shape_cast %swap3A_443 : vector<1x16xf32> to vector<16xf32>
      %swap3A_445 = vector.shape_cast %add3A_437 : vector<16xf32> to vector<1x16xf32>
      tpu.vector_store %arg7[%swap3A_441, %swap3A_442], %swap3A_445 {strides = array<i32>} : memref<64x1024xf32, #tpu.memory_space<vmem>>, vector<1x16xf32>,
      %mul3A_446 = arith.constant 16 : i32
      %mul3A_447 = arith.muli %scan3A_199, %mul3A_446 : i32
      %get3A_448 = arith.constant 15 : i32
      %get3A_449 = arith.index_cast %get3A_448 : i32 to index
      %get3A_450 = arith.index_cast %mul3A_447 : i32 to index
      %get3A_451 = tpu.vector_load %arg6[%get3A_449, %get3A_450] {strides = array<i32>} : memref<32x1024xf32, #tpu.memory_space<vmem>>, vector<1x16xf32>,
      %get3A_452 = vector.shape_cast %get3A_451 : vector<1x16xf32> to vector<16xf32>
      %add3A_453 = arith.addf %get3A_206, %get3A_452 : vector<16xf32>
      %mul3A_454 = arith.constant 16 : i32
      %mul3A_455 = arith.muli %scan3A_199, %mul3A_454 : i32
      %swap3A_456 = arith.constant 47 : i32
      %swap3A_457 = arith.index_cast %swap3A_456 : i32 to index
      %swap3A_458 = arith.index_cast %mul3A_455 : i32 to index
      %swap3A_459 = tpu.vector_load %arg7[%swap3A_457, %swap3A_458] {strides = array<i32>} : memref<64x1024xf32, #tpu.memory_space<vmem>>, vector<1x16xf32>,
      %swap3A_460 = vector.shape_cast %swap3A_459 : vector<1x16xf32> to vector<16xf32>
      %swap3A_461 = vector.shape_cast %add3A_453 : vector<16xf32> to vector<1x16xf32>
      tpu.vector_store %arg7[%swap3A_457, %swap3A_458], %swap3A_461 {strides = array<i32>} : memref<64x1024xf32, #tpu.memory_space<vmem>>, vector<1x16xf32>,
      %mul3A_462 = arith.constant 16 : i32
      %mul3A_463 = arith.muli %scan3A_199, %mul3A_462 : i32
      %get3A_464 = arith.constant 16 : i32
      %get3A_465 = arith.index_cast %get3A_464 : i32 to index
      %get3A_466 = arith.index_cast %mul3A_463 : i32 to index
      %get3A_467 = tpu.vector_load %arg6[%get3A_465, %get3A_466] {strides = array<i32>} : memref<32x1024xf32, #tpu.memory_space<vmem>>, vector<1x16xf32>,
      %get3A_468 = vector.shape_cast %get3A_467 : vector<1x16xf32> to vector<16xf32>
      %add3A_469 = arith.addf %get3A_206, %get3A_468 : vector<16xf32>
      %mul3A_470 = arith.constant 16 : i32
      %mul3A_471 = arith.muli %scan3A_199, %mul3A_470 : i32
      %swap3A_472 = arith.constant 48 : i32
      %swap3A_473 = arith.index_cast %swap3A_472 : i32 to index
      %swap3A_474 = arith.index_cast %mul3A_471 : i32 to index
      %swap3A_475 = tpu.vector_load %arg7[%swap3A_473, %swap3A_474] {strides = array<i32>} : memref<64x1024xf32, #tpu.memory_space<vmem>>, vector<1x16xf32>,
      %swap3A_476 = vector.shape_cast %swap3A_475 : vector<1x16xf32> to vector<16xf32>
      %swap3A_477 = vector.shape_cast %add3A_469 : vector<16xf32> to vector<1x16xf32>
      tpu.vector_store %arg7[%swap3A_473, %swap3A_474], %swap3A_477 {strides = array<i32>} : memref<64x1024xf32, #tpu.memory_space<vmem>>, vector<1x16xf32>,
      %mul3A_478 = arith.constant 16 : i32
      %mul3A_479 = arith.muli %scan3A_199, %mul3A_478 : i32
      %get3A_480 = arith.constant 17 : i32
      %get3A_481 = arith.index_cast %get3A_480 : i32 to index
      %get3A_482 = arith.index_cast %mul3A_479 : i32 to index
      %get3A_483 = tpu.vector_load %arg6[%get3A_481, %get3A_482] {strides = array<i32>} : memref<32x1024xf32, #tpu.memory_space<vmem>>, vector<1x16xf32>,
      %get3A_484 = vector.shape_cast %get3A_483 : vector<1x16xf32> to vector<16xf32>
      %add3A_485 = arith.addf %get3A_206, %get3A_484 : vector<16xf32>
      %mul3A_486 = arith.constant 16 : i32
      %mul3A_487 = arith.muli %scan3A_199, %mul3A_486 : i32
      %swap3A_488 = arith.constant 49 : i32
      %swap3A_489 = arith.index_cast %swap3A_488 : i32 to index
      %swap3A_490 = arith.index_cast %mul3A_487 : i32 to index
      %swap3A_491 = tpu.vector_load %arg7[%swap3A_489, %swap3A_490] {strides = array<i32>} : memref<64x1024xf32, #tpu.memory_space<vmem>>, vector<1x16xf32>,
      %swap3A_492 = vector.shape_cast %swap3A_491 : vector<1x16xf32> to vector<16xf32>
      %swap3A_493 = vector.shape_cast %add3A_485 : vector<16xf32> to vector<1x16xf32>
      tpu.vector_store %arg7[%swap3A_489, %swap3A_490], %swap3A_493 {strides = array<i32>} : memref<64x1024xf32, #tpu.memory_space<vmem>>, vector<1x16xf32>,
      %mul3A_494 = arith.constant 16 : i32
      %mul3A_495 = arith.muli %scan3A_199, %mul3A_494 : i32
      %get3A_496 = arith.constant 18 : i32
      %get3A_497 = arith.index_cast %get3A_496 : i32 to index
      %get3A_498 = arith.index_cast %mul3A_495 : i32 to index
      %get3A_499 = tpu.vector_load %arg6[%get3A_497, %get3A_498] {strides = array<i32>} : memref<32x1024xf32, #tpu.memory_space<vmem>>, vector<1x16xf32>,
      %get3A_500 = vector.shape_cast %get3A_499 : vector<1x16xf32> to vector<16xf32>
      %add3A_501 = arith.addf %get3A_206, %get3A_500 : vector<16xf32>
      %mul3A_502 = arith.constant 16 : i32
      %mul3A_503 = arith.muli %scan3A_199, %mul3A_502 : i32
      %swap3A_504 = arith.constant 50 : i32
      %swap3A_505 = arith.index_cast %swap3A_504 : i32 to index
      %swap3A_506 = arith.index_cast %mul3A_503 : i32 to index
      %swap3A_507 = tpu.vector_load %arg7[%swap3A_505, %swap3A_506] {strides = array<i32>} : memref<64x1024xf32, #tpu.memory_space<vmem>>, vector<1x16xf32>,
      %swap3A_508 = vector.shape_cast %swap3A_507 : vector<1x16xf32> to vector<16xf32>
      %swap3A_509 = vector.shape_cast %add3A_501 : vector<16xf32> to vector<1x16xf32>
      tpu.vector_store %arg7[%swap3A_505, %swap3A_506], %swap3A_509 {strides = array<i32>} : memref<64x1024xf32, #tpu.memory_space<vmem>>, vector<1x16xf32>,
      %mul3A_510 = arith.constant 16 : i32
      %mul3A_511 = arith.muli %scan3A_199, %mul3A_510 : i32
      %get3A_512 = arith.constant 19 : i32
      %get3A_513 = arith.index_cast %get3A_512 : i32 to index
      %get3A_514 = arith.index_cast %mul3A_511 : i32 to index
      %get3A_515 = tpu.vector_load %arg6[%get3A_513, %get3A_514] {strides = array<i32>} : memref<32x1024xf32, #tpu.memory_space<vmem>>, vector<1x16xf32>,
      %get3A_516 = vector.shape_cast %get3A_515 : vector<1x16xf32> to vector<16xf32>
      %add3A_517 = arith.addf %get3A_206, %get3A_516 : vector<16xf32>
      %mul3A_518 = arith.constant 16 : i32
      %mul3A_519 = arith.muli %scan3A_199, %mul3A_518 : i32
      %swap3A_520 = arith.constant 51 : i32
      %swap3A_521 = arith.index_cast %swap3A_520 : i32 to index
      %swap3A_522 = arith.index_cast %mul3A_519 : i32 to index
      %swap3A_523 = tpu.vector_load %arg7[%swap3A_521, %swap3A_522] {strides = array<i32>} : memref<64x1024xf32, #tpu.memory_space<vmem>>, vector<1x16xf32>,
      %swap3A_524 = vector.shape_cast %swap3A_523 : vector<1x16xf32> to vector<16xf32>
      %swap3A_525 = vector.shape_cast %add3A_517 : vector<16xf32> to vector<1x16xf32>
      tpu.vector_store %arg7[%swap3A_521, %swap3A_522], %swap3A_525 {strides = array<i32>} : memref<64x1024xf32, #tpu.memory_space<vmem>>, vector<1x16xf32>,
      %mul3A_526 = arith.constant 16 : i32
      %mul3A_527 = arith.muli %scan3A_199, %mul3A_526 : i32
      %get3A_528 = arith.constant 20 : i32
      %get3A_529 = arith.index_cast %get3A_528 : i32 to index
      %get3A_530 = arith.index_cast %mul3A_527 : i32 to index
      %get3A_531 = tpu.vector_load %arg6[%get3A_529, %get3A_530] {strides = array<i32>} : memref<32x1024xf32, #tpu.memory_space<vmem>>, vector<1x16xf32>,
      %get3A_532 = vector.shape_cast %get3A_531 : vector<1x16xf32> to vector<16xf32>
      %add3A_533 = arith.addf %get3A_206, %get3A_532 : vector<16xf32>
      %mul3A_534 = arith.constant 16 : i32
      %mul3A_535 = arith.muli %scan3A_199, %mul3A_534 : i32
      %swap3A_536 = arith.constant 52 : i32
      %swap3A_537 = arith.index_cast %swap3A_536 : i32 to index
      %swap3A_538 = arith.index_cast %mul3A_535 : i32 to index
      %swap3A_539 = tpu.vector_load %arg7[%swap3A_537, %swap3A_538] {strides = array<i32>} : memref<64x1024xf32, #tpu.memory_space<vmem>>, vector<1x16xf32>,
      %swap3A_540 = vector.shape_cast %swap3A_539 : vector<1x16xf32> to vector<16xf32>
      %swap3A_541 = vector.shape_cast %add3A_533 : vector<16xf32> to vector<1x16xf32>
      tpu.vector_store %arg7[%swap3A_537, %swap3A_538], %swap3A_541 {strides = array<i32>} : memref<64x1024xf32, #tpu.memory_space<vmem>>, vector<1x16xf32>,
      %mul3A_542 = arith.constant 16 : i32
      %mul3A_543 = arith.muli %scan3A_199, %mul3A_542 : i32
      %get3A_544 = arith.constant 21 : i32
      %get3A_545 = arith.index_cast %get3A_544 : i32 to index
      %get3A_546 = arith.index_cast %mul3A_543 : i32 to index
      %get3A_547 = tpu.vector_load %arg6[%get3A_545, %get3A_546] {strides = array<i32>} : memref<32x1024xf32, #tpu.memory_space<vmem>>, vector<1x16xf32>,
      %get3A_548 = vector.shape_cast %get3A_547 : vector<1x16xf32> to vector<16xf32>
      %add3A_549 = arith.addf %get3A_206, %get3A_548 : vector<16xf32>
      %mul3A_550 = arith.constant 16 : i32
      %mul3A_551 = arith.muli %scan3A_199, %mul3A_550 : i32
      %swap3A_552 = arith.constant 53 : i32
      %swap3A_553 = arith.index_cast %swap3A_552 : i32 to index
      %swap3A_554 = arith.index_cast %mul3A_551 : i32 to index
      %swap3A_555 = tpu.vector_load %arg7[%swap3A_553, %swap3A_554] {strides = array<i32>} : memref<64x1024xf32, #tpu.memory_space<vmem>>, vector<1x16xf32>,
      %swap3A_556 = vector.shape_cast %swap3A_555 : vector<1x16xf32> to vector<16xf32>
      %swap3A_557 = vector.shape_cast %add3A_549 : vector<16xf32> to vector<1x16xf32>
      tpu.vector_store %arg7[%swap3A_553, %swap3A_554], %swap3A_557 {strides = array<i32>} : memref<64x1024xf32, #tpu.memory_space<vmem>>, vector<1x16xf32>,
      %mul3A_558 = arith.constant 16 : i32
      %mul3A_559 = arith.muli %scan3A_199, %mul3A_558 : i32
      %get3A_560 = arith.constant 22 : i32
      %get3A_561 = arith.index_cast %get3A_560 : i32 to index
      %get3A_562 = arith.index_cast %mul3A_559 : i32 to index
      %get3A_563 = tpu.vector_load %arg6[%get3A_561, %get3A_562] {strides = array<i32>} : memref<32x1024xf32, #tpu.memory_space<vmem>>, vector<1x16xf32>,
      %get3A_564 = vector.shape_cast %get3A_563 : vector<1x16xf32> to vector<16xf32>
      %add3A_565 = arith.addf %get3A_206, %get3A_564 : vector<16xf32>
      %mul3A_566 = arith.constant 16 : i32
      %mul3A_567 = arith.muli %scan3A_199, %mul3A_566 : i32
      %swap3A_568 = arith.constant 54 : i32
      %swap3A_569 = arith.index_cast %swap3A_568 : i32 to index
      %swap3A_570 = arith.index_cast %mul3A_567 : i32 to index
      %swap3A_571 = tpu.vector_load %arg7[%swap3A_569, %swap3A_570] {strides = array<i32>} : memref<64x1024xf32, #tpu.memory_space<vmem>>, vector<1x16xf32>,
      %swap3A_572 = vector.shape_cast %swap3A_571 : vector<1x16xf32> to vector<16xf32>
      %swap3A_573 = vector.shape_cast %add3A_565 : vector<16xf32> to vector<1x16xf32>
      tpu.vector_store %arg7[%swap3A_569, %swap3A_570], %swap3A_573 {strides = array<i32>} : memref<64x1024xf32, #tpu.memory_space<vmem>>, vector<1x16xf32>,
      %mul3A_574 = arith.constant 16 : i32
      %mul3A_575 = arith.muli %scan3A_199, %mul3A_574 : i32
      %get3A_576 = arith.constant 23 : i32
      %get3A_577 = arith.index_cast %get3A_576 : i32 to index
      %get3A_578 = arith.index_cast %mul3A_575 : i32 to index
      %get3A_579 = tpu.vector_load %arg6[%get3A_577, %get3A_578] {strides = array<i32>} : memref<32x1024xf32, #tpu.memory_space<vmem>>, vector<1x16xf32>,
      %get3A_580 = vector.shape_cast %get3A_579 : vector<1x16xf32> to vector<16xf32>
      %add3A_581 = arith.addf %get3A_206, %get3A_580 : vector<16xf32>
      %mul3A_582 = arith.constant 16 : i32
      %mul3A_583 = arith.muli %scan3A_199, %mul3A_582 : i32
      %swap3A_584 = arith.constant 55 : i32
      %swap3A_585 = arith.index_cast %swap3A_584 : i32 to index
      %swap3A_586 = arith.index_cast %mul3A_583 : i32 to index
      %swap3A_587 = tpu.vector_load %arg7[%swap3A_585, %swap3A_586] {strides = array<i32>} : memref<64x1024xf32, #tpu.memory_space<vmem>>, vector<1x16xf32>,
      %swap3A_588 = vector.shape_cast %swap3A_587 : vector<1x16xf32> to vector<16xf32>
      %swap3A_589 = vector.shape_cast %add3A_581 : vector<16xf32> to vector<1x16xf32>
      tpu.vector_store %arg7[%swap3A_585, %swap3A_586], %swap3A_589 {strides = array<i32>} : memref<64x1024xf32, #tpu.memory_space<vmem>>, vector<1x16xf32>,
      %mul3A_590 = arith.constant 16 : i32
      %mul3A_591 = arith.muli %scan3A_199, %mul3A_590 : i32
      %get3A_592 = arith.constant 24 : i32
      %get3A_593 = arith.index_cast %get3A_592 : i32 to index
      %get3A_594 = arith.index_cast %mul3A_591 : i32 to index
      %get3A_595 = tpu.vector_load %arg6[%get3A_593, %get3A_594] {strides = array<i32>} : memref<32x1024xf32, #tpu.memory_space<vmem>>, vector<1x16xf32>,
      %get3A_596 = vector.shape_cast %get3A_595 : vector<1x16xf32> to vector<16xf32>
      %add3A_597 = arith.addf %get3A_206, %get3A_596 : vector<16xf32>
      %mul3A_598 = arith.constant 16 : i32
      %mul3A_599 = arith.muli %scan3A_199, %mul3A_598 : i32
      %swap3A_600 = arith.constant 56 : i32
      %swap3A_601 = arith.index_cast %swap3A_600 : i32 to index
      %swap3A_602 = arith.index_cast %mul3A_599 : i32 to index
      %swap3A_603 = tpu.vector_load %arg7[%swap3A_601, %swap3A_602] {strides = array<i32>} : memref<64x1024xf32, #tpu.memory_space<vmem>>, vector<1x16xf32>,
      %swap3A_604 = vector.shape_cast %swap3A_603 : vector<1x16xf32> to vector<16xf32>
      %swap3A_605 = vector.shape_cast %add3A_597 : vector<16xf32> to vector<1x16xf32>
      tpu.vector_store %arg7[%swap3A_601, %swap3A_602], %swap3A_605 {strides = array<i32>} : memref<64x1024xf32, #tpu.memory_space<vmem>>, vector<1x16xf32>,
      %mul3A_606 = arith.constant 16 : i32
      %mul3A_607 = arith.muli %scan3A_199, %mul3A_606 : i32
      %get3A_608 = arith.constant 25 : i32
      %get3A_609 = arith.index_cast %get3A_608 : i32 to index
      %get3A_610 = arith.index_cast %mul3A_607 : i32 to index
      %get3A_611 = tpu.vector_load %arg6[%get3A_609, %get3A_610] {strides = array<i32>} : memref<32x1024xf32, #tpu.memory_space<vmem>>, vector<1x16xf32>,
      %get3A_612 = vector.shape_cast %get3A_611 : vector<1x16xf32> to vector<16xf32>
      %add3A_613 = arith.addf %get3A_206, %get3A_612 : vector<16xf32>
      %mul3A_614 = arith.constant 16 : i32
      %mul3A_615 = arith.muli %scan3A_199, %mul3A_614 : i32
      %swap3A_616 = arith.constant 57 : i32
      %swap3A_617 = arith.index_cast %swap3A_616 : i32 to index
      %swap3A_618 = arith.index_cast %mul3A_615 : i32 to index
      %swap3A_619 = tpu.vector_load %arg7[%swap3A_617, %swap3A_618] {strides = array<i32>} : memref<64x1024xf32, #tpu.memory_space<vmem>>, vector<1x16xf32>,
      %swap3A_620 = vector.shape_cast %swap3A_619 : vector<1x16xf32> to vector<16xf32>
      %swap3A_621 = vector.shape_cast %add3A_613 : vector<16xf32> to vector<1x16xf32>
      tpu.vector_store %arg7[%swap3A_617, %swap3A_618], %swap3A_621 {strides = array<i32>} : memref<64x1024xf32, #tpu.memory_space<vmem>>, vector<1x16xf32>,
      %mul3A_622 = arith.constant 16 : i32
      %mul3A_623 = arith.muli %scan3A_199, %mul3A_622 : i32
      %get3A_624 = arith.constant 26 : i32
      %get3A_625 = arith.index_cast %get3A_624 : i32 to index
      %get3A_626 = arith.index_cast %mul3A_623 : i32 to index
      %get3A_627 = tpu.vector_load %arg6[%get3A_625, %get3A_626] {strides = array<i32>} : memref<32x1024xf32, #tpu.memory_space<vmem>>, vector<1x16xf32>,
      %get3A_628 = vector.shape_cast %get3A_627 : vector<1x16xf32> to vector<16xf32>
      %add3A_629 = arith.addf %get3A_206, %get3A_628 : vector<16xf32>
      %mul3A_630 = arith.constant 16 : i32
      %mul3A_631 = arith.muli %scan3A_199, %mul3A_630 : i32
      %swap3A_632 = arith.constant 58 : i32
      %swap3A_633 = arith.index_cast %swap3A_632 : i32 to index
      %swap3A_634 = arith.index_cast %mul3A_631 : i32 to index
      %swap3A_635 = tpu.vector_load %arg7[%swap3A_633, %swap3A_634] {strides = array<i32>} : memref<64x1024xf32, #tpu.memory_space<vmem>>, vector<1x16xf32>,
      %swap3A_636 = vector.shape_cast %swap3A_635 : vector<1x16xf32> to vector<16xf32>
      %swap3A_637 = vector.shape_cast %add3A_629 : vector<16xf32> to vector<1x16xf32>
      tpu.vector_store %arg7[%swap3A_633, %swap3A_634], %swap3A_637 {strides = array<i32>} : memref<64x1024xf32, #tpu.memory_space<vmem>>, vector<1x16xf32>,
      %mul3A_638 = arith.constant 16 : i32
      %mul3A_639 = arith.muli %scan3A_199, %mul3A_638 : i32
      %get3A_640 = arith.constant 27 : i32
      %get3A_641 = arith.index_cast %get3A_640 : i32 to index
      %get3A_642 = arith.index_cast %mul3A_639 : i32 to index
      %get3A_643 = tpu.vector_load %arg6[%get3A_641, %get3A_642] {strides = array<i32>} : memref<32x1024xf32, #tpu.memory_space<vmem>>, vector<1x16xf32>,
      %get3A_644 = vector.shape_cast %get3A_643 : vector<1x16xf32> to vector<16xf32>
      %add3A_645 = arith.addf %get3A_206, %get3A_644 : vector<16xf32>
      %mul3A_646 = arith.constant 16 : i32
      %mul3A_647 = arith.muli %scan3A_199, %mul3A_646 : i32
      %swap3A_648 = arith.constant 59 : i32
      %swap3A_649 = arith.index_cast %swap3A_648 : i32 to index
      %swap3A_650 = arith.index_cast %mul3A_647 : i32 to index
      %swap3A_651 = tpu.vector_load %arg7[%swap3A_649, %swap3A_650] {strides = array<i32>} : memref<64x1024xf32, #tpu.memory_space<vmem>>, vector<1x16xf32>,
      %swap3A_652 = vector.shape_cast %swap3A_651 : vector<1x16xf32> to vector<16xf32>
      %swap3A_653 = vector.shape_cast %add3A_645 : vector<16xf32> to vector<1x16xf32>
      tpu.vector_store %arg7[%swap3A_649, %swap3A_650], %swap3A_653 {strides = array<i32>} : memref<64x1024xf32, #tpu.memory_space<vmem>>, vector<1x16xf32>,
      %mul3A_654 = arith.constant 16 : i32
      %mul3A_655 = arith.muli %scan3A_199, %mul3A_654 : i32
      %get3A_656 = arith.constant 28 : i32
      %get3A_657 = arith.index_cast %get3A_656 : i32 to index
      %get3A_658 = arith.index_cast %mul3A_655 : i32 to index
      %get3A_659 = tpu.vector_load %arg6[%get3A_657, %get3A_658] {strides = array<i32>} : memref<32x1024xf32, #tpu.memory_space<vmem>>, vector<1x16xf32>,
      %get3A_660 = vector.shape_cast %get3A_659 : vector<1x16xf32> to vector<16xf32>
      %add3A_661 = arith.addf %get3A_206, %get3A_660 : vector<16xf32>
      %mul3A_662 = arith.constant 16 : i32
      %mul3A_663 = arith.muli %scan3A_199, %mul3A_662 : i32
      %swap3A_664 = arith.constant 60 : i32
      %swap3A_665 = arith.index_cast %swap3A_664 : i32 to index
      %swap3A_666 = arith.index_cast %mul3A_663 : i32 to index
      %swap3A_667 = tpu.vector_load %arg7[%swap3A_665, %swap3A_666] {strides = array<i32>} : memref<64x1024xf32, #tpu.memory_space<vmem>>, vector<1x16xf32>,
      %swap3A_668 = vector.shape_cast %swap3A_667 : vector<1x16xf32> to vector<16xf32>
      %swap3A_669 = vector.shape_cast %add3A_661 : vector<16xf32> to vector<1x16xf32>
      tpu.vector_store %arg7[%swap3A_665, %swap3A_666], %swap3A_669 {strides = array<i32>} : memref<64x1024xf32, #tpu.memory_space<vmem>>, vector<1x16xf32>,
      %mul3A_670 = arith.constant 16 : i32
      %mul3A_671 = arith.muli %scan3A_199, %mul3A_670 : i32
      %get3A_672 = arith.constant 29 : i32
      %get3A_673 = arith.index_cast %get3A_672 : i32 to index
      %get3A_674 = arith.index_cast %mul3A_671 : i32 to index
      %get3A_675 = tpu.vector_load %arg6[%get3A_673, %get3A_674] {strides = array<i32>} : memref<32x1024xf32, #tpu.memory_space<vmem>>, vector<1x16xf32>,
      %get3A_676 = vector.shape_cast %get3A_675 : vector<1x16xf32> to vector<16xf32>
      %add3A_677 = arith.addf %get3A_206, %get3A_676 : vector<16xf32>
      %mul3A_678 = arith.constant 16 : i32
      %mul3A_679 = arith.muli %scan3A_199, %mul3A_678 : i32
      %swap3A_680 = arith.constant 61 : i32
      %swap3A_681 = arith.index_cast %swap3A_680 : i32 to index
      %swap3A_682 = arith.index_cast %mul3A_679 : i32 to index
      %swap3A_683 = tpu.vector_load %arg7[%swap3A_681, %swap3A_682] {strides = array<i32>} : memref<64x1024xf32, #tpu.memory_space<vmem>>, vector<1x16xf32>,
      %swap3A_684 = vector.shape_cast %swap3A_683 : vector<1x16xf32> to vector<16xf32>
      %swap3A_685 = vector.shape_cast %add3A_677 : vector<16xf32> to vector<1x16xf32>
      tpu.vector_store %arg7[%swap3A_681, %swap3A_682], %swap3A_685 {strides = array<i32>} : memref<64x1024xf32, #tpu.memory_space<vmem>>, vector<1x16xf32>,
      %mul3A_686 = arith.constant 16 : i32
      %mul3A_687 = arith.muli %scan3A_199, %mul3A_686 : i32
      %get3A_688 = arith.constant 30 : i32
      %get3A_689 = arith.index_cast %get3A_688 : i32 to index
      %get3A_690 = arith.index_cast %mul3A_687 : i32 to index
      %get3A_691 = tpu.vector_load %arg6[%get3A_689, %get3A_690] {strides = array<i32>} : memref<32x1024xf32, #tpu.memory_space<vmem>>, vector<1x16xf32>,
      %get3A_692 = vector.shape_cast %get3A_691 : vector<1x16xf32> to vector<16xf32>
      %add3A_693 = arith.addf %get3A_206, %get3A_692 : vector<16xf32>
      %mul3A_694 = arith.constant 16 : i32
      %mul3A_695 = arith.muli %scan3A_199, %mul3A_694 : i32
      %swap3A_696 = arith.constant 62 : i32
      %swap3A_697 = arith.index_cast %swap3A_696 : i32 to index
      %swap3A_698 = arith.index_cast %mul3A_695 : i32 to index
      %swap3A_699 = tpu.vector_load %arg7[%swap3A_697, %swap3A_698] {strides = array<i32>} : memref<64x1024xf32, #tpu.memory_space<vmem>>, vector<1x16xf32>,
      %swap3A_700 = vector.shape_cast %swap3A_699 : vector<1x16xf32> to vector<16xf32>
      %swap3A_701 = vector.shape_cast %add3A_693 : vector<16xf32> to vector<1x16xf32>
      tpu.vector_store %arg7[%swap3A_697, %swap3A_698], %swap3A_701 {strides = array<i32>} : memref<64x1024xf32, #tpu.memory_space<vmem>>, vector<1x16xf32>,
      %mul3A_702 = arith.constant 16 : i32
      %mul3A_703 = arith.muli %scan3A_199, %mul3A_702 : i32
      %get3A_704 = arith.constant 31 : i32
      %get3A_705 = arith.index_cast %get3A_704 : i32 to index
      %get3A_706 = arith.index_cast %mul3A_703 : i32 to index
      %get3A_707 = tpu.vector_load %arg6[%get3A_705, %get3A_706] {strides = array<i32>} : memref<32x1024xf32, #tpu.memory_space<vmem>>, vector<1x16xf32>,
      %get3A_708 = vector.shape_cast %get3A_707 : vector<1x16xf32> to vector<16xf32>
      %add3A_709 = arith.addf %get3A_206, %get3A_708 : vector<16xf32>
      %mul3A_710 = arith.constant 16 : i32
      %mul3A_711 = arith.muli %scan3A_199, %mul3A_710 : i32
      %swap3A_712 = arith.constant 63 : i32
      %swap3A_713 = arith.index_cast %swap3A_712 : i32 to index
      %swap3A_714 = arith.index_cast %mul3A_711 : i32 to index
      %swap3A_715 = tpu.vector_load %arg7[%swap3A_713, %swap3A_714] {strides = array<i32>} : memref<64x1024xf32, #tpu.memory_space<vmem>>, vector<1x16xf32>,
      %swap3A_716 = vector.shape_cast %swap3A_715 : vector<1x16xf32> to vector<16xf32>
      %swap3A_717 = vector.shape_cast %add3A_709 : vector<16xf32> to vector<1x16xf32>
      tpu.vector_store %arg7[%swap3A_713, %swap3A_714], %swap3A_717 {strides = array<i32>} : memref<64x1024xf32, #tpu.memory_space<vmem>>, vector<1x16xf32>,
      %scan3A_718 = arith.constant 0 : i32
      scf.yield %scan3A_718 : i32
    }
    %scan3A_112 = arith.constant 64 : i32
    %mul3A_113 = arith.constant 2 : i32
    %mul3A_114 = arith.muli %add3A, %mul3A_113 : i32
    %add3A_115 = arith.constant 1 : i32
    %add3A_116 = arith.addi %mul3A_114, %add3A_115 : i32
    %mul3A_117 = arith.constant 64 : i32
    %mul3A_118 = arith.muli %add3A_116, %mul3A_117 : i32
    %add3A_119 = arith.constant 0 : i32
    %add3A_120 = arith.addi %add3A_119, %mul3A_118 : i32
    %dma_start3A_121 = arith.constant 0 : i32
    %dma_start3A_122 = arith.constant 0 : i32
    %dma_start3A_123 = tpu.memref_slice %arg4[%add3A_120, %dma_start3A_122] : memref<16384x1024xf32, #tpu.memory_space<hbm>> -> memref<64x1024xf32, #tpu.memory_space<hbm>>
    %dma_start3A_124 = tpu.memref_slice %arg8[%dma_start3A_121] : memref<4x!tpu.dma_semaphore, #tpu.memory_space<semaphore_mem>> -> memref<1x!tpu.dma_semaphore, #tpu.memory_space<semaphore_mem>>
    %dma_start3A_125 = tpu.memref_squeeze %dma_start3A_124 : memref<1x!tpu.dma_semaphore, #tpu.memory_space<semaphore_mem>> -> memref<!tpu.dma_semaphore, #tpu.memory_space<semaphore_mem>>
    %dma_start3A_126 = arith.constant 0 : i32
    %dma_start3A_127 = tpu.memref_slice %arg4[%add3A_120, %dma_start3A_126] : memref<16384x1024xf32, #tpu.memory_space<hbm>> -> memref<64x1024xf32, #tpu.memory_space<hbm>>
    tpu.enqueue_dma source(%arg7 : memref<64x1024xf32, #tpu.memory_space<vmem>>) target(%dma_start3A_127 : memref<64x1024xf32, #tpu.memory_space<hbm>>) target_semaphore(%dma_start3A_125 : memref<!tpu.dma_semaphore, #tpu.memory_space<semaphore_mem>>)
    %add3A_128 = arith.constant 4096 : i32
    %add3A_129 = arith.addi %add3A_128, %mul3A_118 : i32
    %dma_start3A_130 = arith.constant 1 : i32
    %dma_start3A_131 = arith.constant 0 : i32
    %dma_start3A_132 = tpu.memref_slice %arg4[%add3A_129, %dma_start3A_131] : memref<16384x1024xf32, #tpu.memory_space<hbm>> -> memref<64x1024xf32, #tpu.memory_space<hbm>>
    %dma_start3A_133 = tpu.memref_slice %arg8[%dma_start3A_130] : memref<4x!tpu.dma_semaphore, #tpu.memory_space<semaphore_mem>> -> memref<1x!tpu.dma_semaphore, #tpu.memory_space<semaphore_mem>>
    %dma_start3A_134 = tpu.memref_squeeze %dma_start3A_133 : memref<1x!tpu.dma_semaphore, #tpu.memory_space<semaphore_mem>> -> memref<!tpu.dma_semaphore, #tpu.memory_space<semaphore_mem>>
    %dma_start3A_135 = arith.constant 0 : i32
    %dma_start3A_136 = tpu.memref_slice %arg4[%add3A_129, %dma_start3A_135] : memref<16384x1024xf32, #tpu.memory_space<hbm>> -> memref<64x1024xf32, #tpu.memory_space<hbm>>
    tpu.enqueue_dma source(%arg7 : memref<64x1024xf32, #tpu.memory_space<vmem>>) target(%dma_start3A_136 : memref<64x1024xf32, #tpu.memory_space<hbm>>) target_semaphore(%dma_start3A_134 : memref<!tpu.dma_semaphore, #tpu.memory_space<semaphore_mem>>)
    %add3A_137 = arith.constant 8192 : i32
    %add3A_138 = arith.addi %add3A_137, %mul3A_118 : i32
    %dma_start3A_139 = arith.constant 2 : i32
    %dma_start3A_140 = arith.constant 0 : i32
    %dma_start3A_141 = tpu.memref_slice %arg4[%add3A_138, %dma_start3A_140] : memref<16384x1024xf32, #tpu.memory_space<hbm>> -> memref<64x1024xf32, #tpu.memory_space<hbm>>
    %dma_start3A_142 = tpu.memref_slice %arg8[%dma_start3A_139] : memref<4x!tpu.dma_semaphore, #tpu.memory_space<semaphore_mem>> -> memref<1x!tpu.dma_semaphore, #tpu.memory_space<semaphore_mem>>
    %dma_start3A_143 = tpu.memref_squeeze %dma_start3A_142 : memref<1x!tpu.dma_semaphore, #tpu.memory_space<semaphore_mem>> -> memref<!tpu.dma_semaphore, #tpu.memory_space<semaphore_mem>>
    %dma_start3A_144 = arith.constant 0 : i32
    %dma_start3A_145 = tpu.memref_slice %arg4[%add3A_138, %dma_start3A_144] : memref<16384x1024xf32, #tpu.memory_space<hbm>> -> memref<64x1024xf32, #tpu.memory_space<hbm>>
    tpu.enqueue_dma source(%arg7 : memref<64x1024xf32, #tpu.memory_space<vmem>>) target(%dma_start3A_145 : memref<64x1024xf32, #tpu.memory_space<hbm>>) target_semaphore(%dma_start3A_143 : memref<!tpu.dma_semaphore, #tpu.memory_space<semaphore_mem>>)
    %add3A_146 = arith.constant 12288 : i32
    %add3A_147 = arith.addi %add3A_146, %mul3A_118 : i32
    %dma_start3A_148 = arith.constant 3 : i32
    %dma_start3A_149 = arith.constant 0 : i32
    %dma_start3A_150 = tpu.memref_slice %arg4[%add3A_147, %dma_start3A_149] : memref<16384x1024xf32, #tpu.memory_space<hbm>> -> memref<64x1024xf32, #tpu.memory_space<hbm>>
    %dma_start3A_151 = tpu.memref_slice %arg8[%dma_start3A_148] : memref<4x!tpu.dma_semaphore, #tpu.memory_space<semaphore_mem>> -> memref<1x!tpu.dma_semaphore, #tpu.memory_space<semaphore_mem>>
    %dma_start3A_152 = tpu.memref_squeeze %dma_start3A_151 : memref<1x!tpu.dma_semaphore, #tpu.memory_space<semaphore_mem>> -> memref<!tpu.dma_semaphore, #tpu.memory_space<semaphore_mem>>
    %dma_start3A_153 = arith.constant 0 : i32
    %dma_start3A_154 = tpu.memref_slice %arg4[%add3A_147, %dma_start3A_153] : memref<16384x1024xf32, #tpu.memory_space<hbm>> -> memref<64x1024xf32, #tpu.memory_space<hbm>>
    tpu.enqueue_dma source(%arg7 : memref<64x1024xf32, #tpu.memory_space<vmem>>) target(%dma_start3A_154 : memref<64x1024xf32, #tpu.memory_space<hbm>>) target_semaphore(%dma_start3A_152 : memref<!tpu.dma_semaphore, #tpu.memory_space<semaphore_mem>>)
    %mul3A_155 = arith.constant 2 : i32
    %mul3A_156 = arith.muli %add3A, %mul3A_155 : i32
    %add3A_157 = arith.constant 2 : i32
    %add3A_158 = arith.addi %mul3A_156, %add3A_157 : i32
    %sub3A_159 = arith.constant 1 : i32
    %sub3A_160 = arith.subi %add3A_158, %sub3A_159 : i32
    %mul3A_161 = arith.constant 64 : i32
    %mul3A_162 = arith.muli %sub3A_160, %mul3A_161 : i32
    %add3A_163 = arith.constant 0 : i32
    %add3A_164 = arith.addi %add3A_163, %mul3A_162 : i32
    %dma_wait3A_165 = arith.constant 0 : i32
    %dma_wait3A_166 = arith.constant 0 : i32
    %dma_wait3A_167 = tpu.memref_slice %arg4[%add3A_164, %dma_wait3A_166] : memref<16384x1024xf32, #tpu.memory_space<hbm>> -> memref<64x1024xf32, #tpu.memory_space<hbm>>
    %dma_wait3A_168 = tpu.memref_slice %arg8[%dma_wait3A_165] : memref<4x!tpu.dma_semaphore, #tpu.memory_space<semaphore_mem>> -> memref<1x!tpu.dma_semaphore, #tpu.memory_space<semaphore_mem>>
    %dma_wait3A_169 = tpu.memref_squeeze %dma_wait3A_168 : memref<1x!tpu.dma_semaphore, #tpu.memory_space<semaphore_mem>> -> memref<!tpu.dma_semaphore, #tpu.memory_space<semaphore_mem>>
    %dma_wait3A_170 = arith.constant 0 : i32
    %dma_wait3A_171 = tpu.memref_slice %arg4[%add3A_164, %dma_wait3A_170] : memref<16384x1024xf32, #tpu.memory_space<hbm>> -> memref<64x1024xf32, #tpu.memory_space<hbm>>
    tpu.wait_dma2 semaphore(%dma_wait3A_169 : memref<!tpu.dma_semaphore, #tpu.memory_space<semaphore_mem>>) src(%arg7 : memref<64x1024xf32, #tpu.memory_space<vmem>>) dst(%dma_wait3A_171 : memref<64x1024xf32, #tpu.memory_space<hbm>>)
    %add3A_172 = arith.constant 4096 : i32
    %add3A_173 = arith.addi %add3A_172, %mul3A_162 : i32
    %dma_wait3A_174 = arith.constant 1 : i32
    %dma_wait3A_175 = arith.constant 0 : i32
    %dma_wait3A_176 = tpu.memref_slice %arg4[%add3A_173, %dma_wait3A_175] : memref<16384x1024xf32, #tpu.memory_space<hbm>> -> memref<64x1024xf32, #tpu.memory_space<hbm>>
    %dma_wait3A_177 = tpu.memref_slice %arg8[%dma_wait3A_174] : memref<4x!tpu.dma_semaphore, #tpu.memory_space<semaphore_mem>> -> memref<1x!tpu.dma_semaphore, #tpu.memory_space<semaphore_mem>>
    %dma_wait3A_178 = tpu.memref_squeeze %dma_wait3A_177 : memref<1x!tpu.dma_semaphore, #tpu.memory_space<semaphore_mem>> -> memref<!tpu.dma_semaphore, #tpu.memory_space<semaphore_mem>>
    %dma_wait3A_179 = arith.constant 0 : i32
    %dma_wait3A_180 = tpu.memref_slice %arg4[%add3A_173, %dma_wait3A_179] : memref<16384x1024xf32, #tpu.memory_space<hbm>> -> memref<64x1024xf32, #tpu.memory_space<hbm>>
    tpu.wait_dma2 semaphore(%dma_wait3A_178 : memref<!tpu.dma_semaphore, #tpu.memory_space<semaphore_mem>>) src(%arg7 : memref<64x1024xf32, #tpu.memory_space<vmem>>) dst(%dma_wait3A_180 : memref<64x1024xf32, #tpu.memory_space<hbm>>)
    %add3A_181 = arith.constant 8192 : i32
    %add3A_182 = arith.addi %add3A_181, %mul3A_162 : i32
    %dma_wait3A_183 = arith.constant 2 : i32
    %dma_wait3A_184 = arith.constant 0 : i32
    %dma_wait3A_185 = tpu.memref_slice %arg4[%add3A_182, %dma_wait3A_184] : memref<16384x1024xf32, #tpu.memory_space<hbm>> -> memref<64x1024xf32, #tpu.memory_space<hbm>>
    %dma_wait3A_186 = tpu.memref_slice %arg8[%dma_wait3A_183] : memref<4x!tpu.dma_semaphore, #tpu.memory_space<semaphore_mem>> -> memref<1x!tpu.dma_semaphore, #tpu.memory_space<semaphore_mem>>
    %dma_wait3A_187 = tpu.memref_squeeze %dma_wait3A_186 : memref<1x!tpu.dma_semaphore, #tpu.memory_space<semaphore_mem>> -> memref<!tpu.dma_semaphore, #tpu.memory_space<semaphore_mem>>
    %dma_wait3A_188 = arith.constant 0 : i32
    %dma_wait3A_189 = tpu.memref_slice %arg4[%add3A_182, %dma_wait3A_188] : memref<16384x1024xf32, #tpu.memory_space<hbm>> -> memref<64x1024xf32, #tpu.memory_space<hbm>>
    tpu.wait_dma2 semaphore(%dma_wait3A_187 : memref<!tpu.dma_semaphore, #tpu.memory_space<semaphore_mem>>) src(%arg7 : memref<64x1024xf32, #tpu.memory_space<vmem>>) dst(%dma_wait3A_189 : memref<64x1024xf32, #tpu.memory_space<hbm>>)
    %add3A_190 = arith.constant 12288 : i32
    %add3A_191 = arith.addi %add3A_190, %mul3A_162 : i32
    %dma_wait3A_192 = arith.constant 3 : i32
    %dma_wait3A_193 = arith.constant 0 : i32
    %dma_wait3A_194 = tpu.memref_slice %arg4[%add3A_191, %dma_wait3A_193] : memref<16384x1024xf32, #tpu.memory_space<hbm>> -> memref<64x1024xf32, #tpu.memory_space<hbm>>
    %dma_wait3A_195 = tpu.memref_slice %arg8[%dma_wait3A_192] : memref<4x!tpu.dma_semaphore, #tpu.memory_space<semaphore_mem>> -> memref<1x!tpu.dma_semaphore, #tpu.memory_space<semaphore_mem>>
    %dma_wait3A_196 = tpu.memref_squeeze %dma_wait3A_195 : memref<1x!tpu.dma_semaphore, #tpu.memory_space<semaphore_mem>> -> memref<!tpu.dma_semaphore, #tpu.memory_space<semaphore_mem>>
    %dma_wait3A_197 = arith.constant 0 : i32
    %dma_wait3A_198 = tpu.memref_slice %arg4[%add3A_191, %dma_wait3A_197] : memref<16384x1024xf32, #tpu.memory_space<hbm>> -> memref<64x1024xf32, #tpu.memory_space<hbm>>
    tpu.wait_dma2 semaphore(%dma_wait3A_196 : memref<!tpu.dma_semaphore, #tpu.memory_space<semaphore_mem>>) src(%arg7 : memref<64x1024xf32, #tpu.memory_space<vmem>>) dst(%dma_wait3A_198 : memref<64x1024xf32, #tpu.memory_space<hbm>>)
    return
  }
}

</mosaic_0001>

<sc_bundles>
// kernel: kernel.3.cloned.1.call-start
scs
__scs_entry_jumppad:
0x0: {  	(pc) =	sbr.rel $0x88, $3  }
0x1: {  	(tag) =	ssettag $0x0;
	lr =	simm.s32 $0x1  }
0x2: {  	[smem:$0x3F9F] =	sst lr;
	_ =	strace $0xD0000000  }
0x3: {  	_ = 	snop  }
0x4: {  	_ = 	snop  }
0x5: {  	_ = 	snop  }
0x6: {  	_ = 	snop  }
0x7: {  	_ = 	snop  }
__scs_overlays_trampoline_lowered:
0x8: {  	[smem:$0x3FAE] =	sst s0  }
0x9: {  	[smem:$0x3FAF] =	sst s1  }
0xa: {  	[smem:$0x3FB0] =	sst s2  }
0xb: {  	[smem:$0x3FB1] =	sst s3  }
0xc: {  	[smem:$0x3FB2] =	sst s4  }
0xd: {  	[smem:$0x3FB3] =	sst s5  }
0xe: {  	[smem:$0x3FB4] =	sst s6  }
0xf: {  	[smem:$0x3FB5] =	sst s7  }
0x10: {  	[smem:$0x3FB6] =	sst s8  }
0x11: {  	[smem:$0x3FB7] =	sst s9;
	s0 =	simm.s32 @!p0 $0x0  }
0x12: {  	s1 =	sld [smem:$0x3F9D];
	s0 =	simm.s32 @p0 $0x1  }
0x13: {  	[smem:$0x3FB8] =	sst s0;
	s0 =	simm.s32 @!p1 $0x0  }
0x14: {  	s2 =	sld [smem:$0x3F9C];
	s0 =	simm.s32 @p1 $0x1  }
0x15: {  	[smem:$0x3FB9] =	sst s0;
	s0 =	simm.s32 @!p2 $0x0  }
0x16: {  	s3 =	sld [smem:$0x3FDB];
	s0 =	simm.s32 @p2 $0x1  }
0x17: {  	s4 =	simm.s32 $0x1BF5;
	[smem:$0x3FBB] =	sst s0  }
0x18: {  	s0 =	sld [smem:$0x3F9E];
	_ =	swait.ge [sflag:s4], $0x0  }
0x19: {  	s7 =	sld [smem:$0x3F9F]  }
0x1a: {  	s8 =	sadd.s32 $0xFFFFE003, lr  }
0x1b: {  	s9 =	sadd.s32 $0xFFFFFEF7, lr;
	s5 =	simm.s32 $0xFFFFFFFF;
	p2 =	slt.u32 s8, $0xFFFFF086  }
0x1c: {  	p1 =	slt.u32 s9, $0xF7A;
	s5 =	simm.s32 @!p2 $0x0  }
0x1d: {  	s5 =	simm.s32 @p1 $0x1;
	p0 =	seq.s32 s7, s2  }
0x1e: {  	s7 =	smul.u32 @!p0 $0xF7A, s2;
	p2 =	seq.s32 @!p0 s5, $0x0  }
0x1f: {  	s9 =	smul.u32 $0xF7A, s1;
	s8 =	simm.s32 @!p0 $0x1BF5;
	p2 =	por !p2, p0  }
0x20: {  	[sflag:s8] =	ssyncset.s32 @!p0 $0xFFFFF086;
	s6 =	sadd.s32 @!p0 s3, s7;
	s7 =	simm.s32 @!p0 $0x108  }
0x21: {  	s3 =	sadd.s32 s3, s9;
	s6 =	sadd.s32 @!p0 $0x88, s6;
	s7 =	simm.s32 @p2 $0x1082  }
0x22: {  	[simem:s7], [sflag:s8] =	dma.local @!p0 [hbm:s6], $0xF7A  }
0x23: {  	s9 =	sor.u32 $0xD0000000, s2;
	s6 =	simm.s32 $0x108;
	_ =	swait.ge @!p0 [sflag:s8], $0x0  }
0x24: {  	s3 =	sadd.s32 $0x88, s3;
	s6 =	simm.s32 @!p1 $0x1082;
	[sflag:s4] =	ssyncset.s32 $0xFFFFF086  }
0x25: {  	[simem:s6], [sflag:s4] =	dma.local [hbm:s3], $0xF7A  }
0x26: {  	[smem:$0x3F9F] =	sst s1;
	(tag) =	ssettag s2;
	_ =	strace s9  }
0x27: {  	s1 =	sld [smem:$0x3FAF]  }
0x28: {  	s2 =	sld [smem:$0x3FB0]  }
0x29: {  	s4 =	sld [smem:$0x3FB2]  }
0x2a: {  	p0 =	seq.s32 s5, $0x0;
	s5 =	sld [smem:$0x3FB3]  }
0x2b: {  	s6 =	sld [smem:$0x3FB4]  }
0x2c: {  	s7 =	sld [smem:$0x3FB5]  }
0x2d: {  	s3 =	simm.s32 $0x108;
	s8 =	sld [smem:$0x3FB6]  }
0x2e: {  	s3 =	simm.s32 @!p0 $0x1082;
	s9 =	sld [smem:$0x3FB7]  }
0x2f: {  	lr =	sadd.s32 s0, s3;
	s0 =	sld [smem:$0x3FAE]  }
0x30: {  	s3 =	sld [smem:$0x3FB1]  }
0x31: {  	[smem:$0x3FBA] =	sst s10  }
0x32: {  	s10 =	sld [smem:$0x3FB8];
	_ =	sdelay $0x3  }
0x33: {  	p0 =	seq.s32 s10, $0x1;
	s10 =	sld [smem:$0x3FBA];
	_ =	sdelay $0x3  }
0x34: {  	[smem:$0x3FBA] =	sst s10  }
0x35: {  	s10 =	sld [smem:$0x3FB9];
	_ =	sdelay $0x3  }
0x36: {  	p1 =	seq.s32 s10, $0x1;
	s10 =	sld [smem:$0x3FBA];
	_ =	sdelay $0x3  }
0x37: {  	[smem:$0x3FBA] =	sst s10  }
0x38: {  	s10 =	sld [smem:$0x3FBB]  }
0x39: {  	_ = 	snop;
	(pc) =	sbr.ind lr, $3  }
0x3a: {  	_ = 	snop  }
0x3b: {  	_ = 	snop  }
0x3c: {  	p2 =	seq.s32 s10, $0x1;
	s10 =	sld [smem:$0x3FBA]  }
0x3d: {  	_ =	shalt  }
0x3e: {  	_ =	shalt  }
0x3f: {  	_ =	shalt  }
0x40: {  	_ =	shalt  }
0x41: {  	_ =	shalt  }
0x42: {  	_ =	shalt  }
0x43: {  	_ =	shalt  }
0x44: {  	_ =	shalt  }
0x45: {  	_ =	shalt  }
0x46: {  	_ =	shalt  }
0x47: {  	_ =	shalt  }
0x48: {  	_ =	shalt  }
0x49: {  	_ =	shalt  }
0x4a: {  	_ =	shalt  }
0x4b: {  	_ =	shalt  }
0x4c: {  	_ =	shalt  }
0x4d: {  	_ =	shalt  }
0x4e: {  	_ =	shalt  }
0x4f: {  	_ =	shalt  }
0x50: {  	_ =	shalt  }
0x51: {  	_ =	shalt  }
0x52: {  	_ =	shalt  }
0x53: {  	_ =	shalt  }
0x54: {  	_ =	shalt  }
0x55: {  	_ =	shalt  }
0x56: {  	_ =	shalt  }
0x57: {  	_ =	shalt  }
0x58: {  	_ =	shalt  }
0x59: {  	_ =	shalt  }
0x5a: {  	_ =	shalt  }
0x5b: {  	_ =	shalt  }
0x5c: {  	_ =	shalt  }
0x5d: {  	_ =	shalt  }
0x5e: {  	_ =	shalt  }
0x5f: {  	_ =	shalt  }
0x60: {  	_ =	shalt  }
0x61: {  	_ =	shalt  }
0x62: {  	_ =	shalt  }
0x63: {  	_ =	shalt  }
0x64: {  	_ =	shalt  }
0x65: {  	_ =	shalt  }
0x66: {  	_ =	shalt  }
0x67: {  	_ =	shalt  }
0x68: {  	_ =	shalt  }
0x69: {  	_ =	shalt  }
0x6a: {  	_ =	shalt  }
0x6b: {  	_ =	shalt  }
0x6c: {  	_ =	shalt  }
0x6d: {  	_ =	shalt  }
0x6e: {  	_ =	shalt  }
0x6f: {  	_ =	shalt  }
0x70: {  	_ =	shalt  }
0x71: {  	_ =	shalt  }
0x72: {  	_ =	shalt  }
0x73: {  	_ =	shalt  }
0x74: {  	_ =	shalt  }
0x75: {  	_ =	shalt  }
0x76: {  	_ =	shalt  }
0x77: {  	_ =	shalt  }
0x78: {  	_ =	shalt  }
0x79: {  	_ =	shalt  }
0x7a: {  	_ =	shalt  }
0x7b: {  	_ =	shalt  }
0x7c: {  	_ =	shalt  }
0x7d: {  	_ =	shalt  }
0x7e: {  	_ =	shalt  }
0x7f: {  	_ =	shalt  }
0x80: {  	_ =	shalt  }
0x81: {  	_ =	shalt  }
0x82: {  	_ =	shalt  }
0x83: {  	_ =	shalt  }
0x84: {  	_ =	shalt  }
0x85: {  	_ =	shalt  }
0x86: {  	_ =	shalt  }
0x87: {  	_ =	shalt  }
.Lfunc_end0:
.L_simem_size_0:
called_computation_lowered:
.L_overlay_start_0:
0x88: {  	s2 =	sld [smem:$0x3FD9]  }
0x89: {  	s3 =	sld [smem:$0x3FFE];
	_ =	sdelay $0x1  }
0x8a: {  	s1 =	srdreg.scid  }
0x8b: {  	s0 =	sand.u32 $0x1, s1  }
0x8c: {  	s17 =	sshll.u32 s0, $0xA;
	s2 =	sadd.s32 s3, s2  }
0x8d: {  	s2 =	sadd.s32 s2, s17  }
0x8e: {  	[smem:$0x3FC6] =	sst s2  }
0x8f: {  	_ = 	snop  }
0x90: {  	s2 =	sld [smem:$0x3FC8]  }
0x91: {  	s18 =	sld [smem:$0x3FD0];
	(tm) =	ssettm $0x1  }
0x92: {  	s4 =	sld [smem:$0x3FFB];
	_ =	sdelay $0x3  }
0x93: {  	_ =	strace s4  }
0x94: {  	s4 =	sld [smem:$0x3FFC];
	_ =	sdelay $0x3  }
0x95: {  	_ =	strace s4  }
0x96: {  	s4 =	sld [smem:$0x3FFD];
	_ =	sdelay $0x3  }
0x97: {  	_ =	strace s4  }
0x98: {  	_ =	strace $0x8FFFFFFF  }
0x99: {  	s19 =	sld [smem:$0x3FDB];
	_ =	sdelay $0x1  }
0x9a: {  	s5 =	simm.s32 $_scs_section_size  }
0x9b: {  	s6 =	simm.s32 $_size__tile_overlayer_lowered;
	s7 =	simm.s32 $_tile_overlayer_lowered  }
0x9c: {  	s22 =	simm.s32 $0x1BFF;
	s21 =	sshll.u32 s7, $0x1;
	s4 =	sadd.s32 s5, s19  }
0x9d: {  	s8 =	simm.s32 $0x0;
	s20 =	sshll.u32 s6, $0x1;
	s6 =	sadd.s32 s21, s4  }
0x9e: {  	[timem:s8], [sflag:s22] =	dma.local [hbm:s6], s20  }
0x9f: {  	_ =	swait.ge [sflag:s22], s20  }
0xa0: {  	s5 =	ssub.s32 $0x0, s20;
	[sflag:s22] =	ssyncset.done $0x0  }
0xa1: {  	[sflag:s22] =	ssyncadd.s32 s5;
	_ =	sdelay $0x1  }
0xa2: {  	s23 =	simm.s32 $0x1B8B  }
0xa3: {  	_ =	swait.ge [sflag:s23], $0x1  }
0xa4: {  	[sflag:s23] =	ssyncset.done $0x0  }
0xa5: {  	s25 =	simm.s32 $0x1B8E;
	s24 =	sld [smem:$0x3FFE];
	[sflag:s23] =	ssyncadd.s32 $0xFFFFFFFF  }
0xa6: {  	s26 =	simm.s32 $execute0_lowered;
	[smem:$0x3FD2] =	sst s25  }
0xa7: {  	s6 =	sshll.u32 s26, $0x1;
	_ =	strace $0x80000046;
	[dreg:$0x1] =	wrdreg $0xFFFFFFFF  }
0xa8: {  	s28 =	simm.s32 $_size_execute0_lowered;
	s4 =	sadd.s32 s4, s6;
	[dreg:$0x0] =	wrdreg $0x0  }
0xa9: {  	s6 =	sshll.u32 s28, $0x1;
	[dreg:$0x2] =	wrdreg s4  }
0xaa: {  	[dreg:$0x3] =	wrdreg s6  }
0xab: {  	[dreg:$0x4] =	wrdreg $0xC0  }
0xac: {  	_ =	task [dreg:s8], $0x5FFFF  }
0xad: {  	[dreg:$0x1] =	wrdreg $0xFFFFFFFF  }
0xae: {  	[dreg:$0x0] =	wrdreg $0x60  }
0xaf: {  	[dreg:$0x2] =	wrdreg s24  }
0xb0: {  	[dreg:$0x3] =	wrdreg s2  }
0xb1: {  	[dreg:$0x4] =	wrdreg s18  }
0xb2: {  	[dreg:$0x5] =	wrdreg $0x9  }
0xb3: {  	_ =	task.clear_ibuf [dreg:s8], $0x6FFFF;
	_ =	strace $0x90000046  }
0xb4: {  	s29 =	simm.s32 $0x9;
	_ =	strace $0x80000048  }
0xb5: {  	_ =	swait.ge [sflag:s29], $0x1  }
0xb6: {  	[sflag:s29] =	ssyncadd.s32 $0xFFFFFFFF  }
0xb7: {  	_ =	strace $0x90000048  }
0xb8: {  	_ =	sfence  }
0xb9: {  	s30 =	sld [smem:$0x0];
	_ =	sdelay $0x2  }
0xba: {  	s31 =	sshll.u32 s1, $0xD;
	s1 =	sshrl.u32 s1, $0x2  }
0xbb: {  	s3 =	sand.u32 $0x4000, s31;
	s1 =	sadd.s32 s1, s30  }
0xbc: {  	s0 =	sor.u32 s3, s0;
	s1 =	sshll.u32 s1, $0x11  }
0xbd: {  	s0 =	sor.u32 s1, s0  }
0xbe: {  	s0 =	sadd.s32 $0x8F2B, s0  }
0xbf: {  	[sflag:s0] =	ssyncadd.remote.s32 $0x1  }
0xc0: {  	_ =	sfence.sel $0xFFFF  }
0xc1: {  	[dreg:$0x0] =	wrdreg $0xFFFFFFFF;
	(pc) =	sbr.abs _section_cstart, $3  }
0xc2: {  	[dreg:$0x1] =	wrdreg $0xFFFFFFFF  }
0xc3: {  	_ =	task.clear_ibuf [dreg:s8], $0x2FFFF;
	_ =	strace $0x9FFFFFFF  }
0xc4: {  	(tm) =	ssettm $0x7FFFFFFF  }
0xc5: {  	_ =	shalt  }
tec
execute0_lowered:
.L_overlay_start_1:
0x0: {  	(tag) =	ssettag $0x1  }
0x1: {  	s4 =	rddreg [dreg:$0x0]  }
0x2: {  	s2 =	rddreg [dreg:$0x1]  }
0x3: {  	s6 =	rddreg [dreg:$0x2]  }
0x4: {  	s0 =	rddreg [dreg:$0x3]  }
0x5: {  	s3 =	simm.s32 $0x0;
	s1 =	stileid.u32;
	s5 =	srdreg.scid  }
0x6: {  	s15 =	simm.s32 $0x100;
	s16 =	simm.s32 $0x400;
	s17 =	simm.s32 $0x5  }
0x7: {  	s18 =	simm.s32 $0x800;
	s19 =	simm.s32 $0x8800;
	s20 =	simm.s32 $0x1  }
0x8: {  	s21 =	simm.s32 $0x2;
	s22 =	simm.s32 $0x3;
	s23 =	simm.s32 $0x4  }
0x9: {  	s24 =	simm.s32 $0x0;
	[smem:$0x7FF] =	sst s3;
	s5 =	sand.u32 $0x1, s5  }
0xa: {  	s7 =	sshll.u32 s1, $0x1;
	s8 =	sshll.u32 s1, $0x9;
	_ =	strace $0x80000047  }
0xb: {  	s7 =	sor.u32 s5, s7;
	s8 =	sand.u32 $0x1C00, s8;
	s5 =	ssub.s32 $0x2, s5  }
0xc: {  	s9 =	sshll.u32 s7, $0x5;
	s4 =	sadd.s32 s8, s4;
	s31 =	sshrl.u32 s5, $0x1  }
0xd: {  	s7 =	sshll.u32 s7, $0xE;
	s9 =	sand.u32 $0x60, s9;
	s14 =	ssub.s32 s5, s31  }
0xe: {  	s5 =	sadd.s32 $0x1000, s2;
	s6 =	sadd.s32 s6, s7;
	s4 =	sadd.s32 s9, s4  }
0xf: {  	s7 =	sadd.s32 $0x80000, s6;
	s8 =	sadd.s32 $0x100000, s6;
	s9 =	sadd.s32 $0x180000, s6  }
0x10: {  	s10 =	sadd.s32 $0x2000, s6;
	s11 =	sadd.s32 $0x82000, s6;
	s12 =	sadd.s32 $0x102000, s6  }
0x11: {  	s13 =	sadd.s32 $0x182000, s6;
	s14 =	smax.u32 s14, $0x1;
	s4 =	sadd.s32 $0x400, s4  }
.LBB2_1:
0x12: {  	[tilespmem:s3], [sflag:$0x5] =	stream.strided.gather [hbm4b:s4+s15], $0x800, s16, s15, $0x38;
	[tilespmem:$0x18800] =	vst v63  }
0x13: {  	_ =	swait.ge [sflag:s17], $0x800  }
0x14: {  	[sflag:s17] =	ssyncset.done $0x0  }
0x15: {  	[sflag:s17] =	ssyncadd.s32 $0xFFFFF800  }
0x16: {  	[tilespmem:s18], [sflag:$0x5] =	stream.linear.gather [hbm4b:s2+s3], $0x8000, $0x38;
	[tilespmem:$0x18800] =	vst v63  }
0x17: {  	_ =	swait.ge [sflag:s17], $0x8000  }
0x18: {  	[sflag:s17] =	ssyncset.done $0x0  }
0x19: {  	s25 =	simm.s32 $0x0;
	s26 =	simm.s32 $0x0;
	[sflag:s17] =	ssyncadd.s32 $0xFFFF8000  }
.LBB2_2:
0x1a: {  	s28 =	sand.u32 $0x1C00, s26;
	s29 =	sand.u32 $0x70, s25  }
0x1b: {  	s30 =	sshrl.u32 s28, $0x2;
	s28 =	sor.u32 s29, s28  }
0x1c: {  	s30 =	sor.u32 s29, s30;
	v1 =	vld [tilespmem:s28+$0x800]  }
0x1d: {  	v0 =	vld [tilespmem:s30+$0x0]  }
0x1e: {  	v2 =	vld [tilespmem:s28+$0x880]  }
0x1f: {  	v3 =	vld [tilespmem:s28+$0x900]  }
0x20: {  	v4 =	vld [tilespmem:s28+$0x980]  }
0x21: {  	v5 =	vld [tilespmem:s28+$0xA00]  }
0x22: {  	v6 =	vld [tilespmem:s28+$0xA80];
	v1 =	vadd.f32 v1, v0  }
0x23: {  	v7 =	vld [tilespmem:s28+$0xB00];
	v2 =	vadd.f32 v2, v0  }
0x24: {  	v26 =	vadd.f32 v3, v0;
	[tilespmem:s28+$0x8800] =	vst v1  }
0x25: {  	v27 =	vadd.f32 v4, v0;
	[tilespmem:s28+$0x8880] =	vst v2  }
0x26: {  	v28 =	vadd.f32 v5, v0;
	[tilespmem:s28+$0x8900] =	vst v26  }
0x27: {  	v29 =	vadd.f32 v6, v0;
	[tilespmem:s28+$0x8980] =	vst v27  }
0x28: {  	s30 =	sand.u32 $0xFFFFFC00, s26;
	v30 =	vadd.f32 v7, v0;
	[tilespmem:s28+$0x8A00] =	vst v28  }
0x29: {  	s29 =	sadd.s32 s30, s25;
	[tilespmem:s28+$0x8A80] =	vst v29  }
0x2a: {  	s31 =	sor.u32 $0x380, s29;
	[tilespmem:s28+$0x8B00] =	vst v30  }
0x2b: {  	v1 =	vld [tilespmem:s31+$0x800];
	_ =	sdelay $0x4  }
0x2c: {  	v1 =	vadd.f32 v1, v0;
	_ =	sdelay $0x1  }
0x2d: {  	[tilespmem:s31+$0x8800] =	vst v1  }
0x2e: {  	v1 =	vld [tilespmem:s28+$0x2800]  }
0x2f: {  	v31 =	vld [tilespmem:s28+$0x2880]  }
0x30: {  	v32 =	vld [tilespmem:s28+$0x2900]  }
0x31: {  	v33 =	vld [tilespmem:s28+$0x2980]  }
0x32: {  	v34 =	vld [tilespmem:s28+$0x2A00]  }
0x33: {  	v35 =	vld [tilespmem:s28+$0x2A80];
	v1 =	vadd.f32 v1, v0  }
0x34: {  	v36 =	vld [tilespmem:s28+$0x2B00];
	v2 =	vadd.f32 v31, v0  }
0x35: {  	v37 =	vadd.f32 v32, v0;
	[tilespmem:s28+$0xA800] =	vst v1  }
0x36: {  	v38 =	vadd.f32 v33, v0;
	[tilespmem:s28+$0xA880] =	vst v2  }
0x37: {  	v39 =	vadd.f32 v34, v0;
	[tilespmem:s28+$0xA900] =	vst v37  }
0x38: {  	v40 =	vadd.f32 v35, v0;
	[tilespmem:s28+$0xA980] =	vst v38  }
0x39: {  	v41 =	vadd.f32 v36, v0;
	[tilespmem:s28+$0xAA00] =	vst v39  }
0x3a: {  	[tilespmem:s28+$0xAA80] =	vst v40  }
0x3b: {  	s31 =	sor.u32 $0x2380, s29;
	[tilespmem:s28+$0xAB00] =	vst v41  }
0x3c: {  	v1 =	vld [tilespmem:s31+$0x800];
	_ =	sdelay $0x4  }
0x3d: {  	v1 =	vadd.f32 v1, v0;
	_ =	sdelay $0x1  }
0x3e: {  	[tilespmem:s31+$0x8800] =	vst v1  }
0x3f: {  	v1 =	vld [tilespmem:s28+$0x4800]  }
0x40: {  	v42 =	vld [tilespmem:s28+$0x4880]  }
0x41: {  	v43 =	vld [tilespmem:s28+$0x4900]  }
0x42: {  	v44 =	vld [tilespmem:s28+$0x4980]  }
0x43: {  	v45 =	vld [tilespmem:s28+$0x4A00]  }
0x44: {  	v46 =	vld [tilespmem:s28+$0x4A80];
	v1 =	vadd.f32 v1, v0  }
0x45: {  	v47 =	vld [tilespmem:s28+$0x4B00];
	v2 =	vadd.f32 v42, v0  }
0x46: {  	v48 =	vadd.f32 v43, v0;
	[tilespmem:s28+$0xC800] =	vst v1  }
0x47: {  	v49 =	vadd.f32 v44, v0;
	[tilespmem:s28+$0xC880] =	vst v2  }
0x48: {  	v50 =	vadd.f32 v45, v0;
	[tilespmem:s28+$0xC900] =	vst v48  }
0x49: {  	v51 =	vadd.f32 v46, v0;
	[tilespmem:s28+$0xC980] =	vst v49  }
0x4a: {  	v52 =	vadd.f32 v47, v0;
	[tilespmem:s28+$0xCA00] =	vst v50  }
0x4b: {  	[tilespmem:s28+$0xCA80] =	vst v51  }
0x4c: {  	s31 =	sor.u32 $0x4380, s29;
	[tilespmem:s28+$0xCB00] =	vst v52  }
0x4d: {  	v1 =	vld [tilespmem:s31+$0x800];
	_ =	sdelay $0x4  }
0x4e: {  	v1 =	vadd.f32 v1, v0;
	_ =	sdelay $0x1  }
0x4f: {  	[tilespmem:s31+$0x8800] =	vst v1  }
0x50: {  	v1 =	vld [tilespmem:s28+$0x6800]  }
0x51: {  	v53 =	vld [tilespmem:s28+$0x6880]  }
0x52: {  	v54 =	vld [tilespmem:s28+$0x6900]  }
0x53: {  	v55 =	vld [tilespmem:s28+$0x6980]  }
0x54: {  	v56 =	vld [tilespmem:s28+$0x6A00]  }
0x55: {  	v57 =	vld [tilespmem:s28+$0x6A80];
	v1 =	vadd.f32 v1, v0  }
0x56: {  	v58 =	vld [tilespmem:s28+$0x6B00];
	v2 =	vadd.f32 v53, v0  }
0x57: {  	v59 =	vadd.f32 v54, v0;
	[tilespmem:s28+$0xE800] =	vst v1  }
0x58: {  	v60 =	vadd.f32 v55, v0;
	[tilespmem:s28+$0xE880] =	vst v2  }
0x59: {  	v61 =	vadd.f32 v56, v0;
	[tilespmem:s28+$0xE900] =	vst v59  }
0x5a: {  	v62 =	vadd.f32 v57, v0;
	[tilespmem:s28+$0xE980] =	vst v60  }
0x5b: {  	v63 =	vadd.f32 v58, v0;
	[tilespmem:s28+$0xEA00] =	vst v61  }
0x5c: {  	[tilespmem:s28+$0xEA80] =	vst v62  }
0x5d: {  	s31 =	sor.u32 $0x6380, s29;
	[tilespmem:s28+$0xEB00] =	vst v63  }
0x5e: {  	v1 =	vld [tilespmem:s31+$0x800];
	_ =	sdelay $0x1  }
0x5f: {  	p0 =	sne.s32 s26, $0x1F80  }
.Ltmp0:
0x60: {  	_ = 	snop;
	(pc) =	sbr.rel @p0 .LBB2_2-.Ltmp0, $3  }
0x61: {  	_ = 	snop  }
0x62: {  	v0 =	vadd.f32 v1, v0;
	_ =	sdelay $0x1  }
0x63: {  	s26 =	sadd.s32 $0x80, s26;
	s25 =	sadd.s32 $0x10, s25;
	[tilespmem:s31+$0x8800] =	vst v0  }
0x64: {  	s25 =	simm.s32 $0x0  }
0x65: {  	[tilespmem:s18], [sflag:$0x5] =	stream.linear.gather [hbm4b:s5+s25], $0x8000, $0x38;
	[tilespmem:$0x18800] =	vst v63  }
0x66: {  	_ =	swait.ge [sflag:s17], $0x8000  }
0x67: {  	s26 =	sand.u32 $0x70, s25;
	s28 =	sand.u32 $0x1C00, s25;
	[sflag:s17] =	ssyncset.done $0x0  }
0x68: {  	s25 =	sor.u32 s26, s28;
	[sflag:s17] =	ssyncadd.s32 $0xFFFF8000  }
0x69: {  	v0 =	vld [tilespmem:s25+$0x800]  }
0x6a: {  	v1 =	vld [tilespmem:s25+$0x880]  }
0x6b: {  	v2 =	vld [tilespmem:s25+$0x900]  }
0x6c: {  	v3 =	vld [tilespmem:s25+$0x980]  }
0x6d: {  	v4 =	vld [tilespmem:s25+$0xA00]  }
0x6e: {  	v5 =	vld [tilespmem:s25+$0xA80]  }
0x6f: {  	v6 =	vld [tilespmem:s25+$0xB00]  }
0x70: {  	v7 =	vld [tilespmem:s25+$0xB80]  }
0x71: {  	v8 =	vld [tilespmem:s25+$0x2800]  }
0x72: {  	s28 =	sshrl.u32 s28, $0x2;
	v9 =	vld [tilespmem:s25+$0x2880]  }
0x73: {  	s26 =	sor.u32 s26, s28;
	v10 =	vld [tilespmem:s25+$0x2900]  }
0x74: {  	v17 =	vld [tilespmem:s26+$0x0]  }
0x75: {  	v11 =	vld [tilespmem:s25+$0x2980]  }
0x76: {  	v12 =	vld [tilespmem:s25+$0x2A00]  }
0x77: {  	v13 =	vld [tilespmem:s25+$0x2A80]  }
0x78: {  	v14 =	vld [tilespmem:s25+$0x2B00]  }
0x79: {  	v15 =	vld [tilespmem:s25+$0x2B80];
	v0 =	vadd.f32 v0, v17  }
0x7a: {  	v16 =	vld [tilespmem:s25+$0x4800];
	v1 =	vadd.f32 v1, v17  }
0x7b: {  	v18 =	vld [tilespmem:s25+$0x4880];
	[tilespmem:s25+$0x10800] =	vst v0;
	v0 =	vadd.f32 v2, v17  }
0x7c: {  	v19 =	vld [tilespmem:s25+$0x4900];
	[tilespmem:s25+$0x10880] =	vst v1;
	v1 =	vadd.f32 v3, v17  }
0x7d: {  	v20 =	vld [tilespmem:s25+$0x4980];
	v2 =	vadd.f32 v11, v17;
	[tilespmem:s25+$0x10900] =	vst v0  }
0x7e: {  	v21 =	vld [tilespmem:s25+$0x4A00];
	v0 =	vadd.f32 v4, v17;
	[tilespmem:s25+$0x10980] =	vst v1  }
0x7f: {  	v22 =	vld [tilespmem:s25+$0x4A80];
	v1 =	vadd.f32 v5, v17;
	[tilespmem:s25+$0x12980] =	vst v2  }
0x80: {  	v23 =	vld [tilespmem:s25+$0x4B00];
	v2 =	vadd.f32 v14, v17;
	[tilespmem:s25+$0x10A00] =	vst v0  }
0x81: {  	v24 =	vld [tilespmem:s25+$0x4B80];
	v0 =	vadd.f32 v6, v17;
	[tilespmem:s25+$0x10A80] =	vst v1  }
0x82: {  	v25 =	vld [tilespmem:s25+$0x6800];
	v1 =	vadd.f32 v7, v17;
	[tilespmem:s25+$0x12B00] =	vst v2  }
0x83: {  	v26 =	vld [tilespmem:s25+$0x6880];
	[tilespmem:s25+$0x10B00] =	vst v0;
	v0 =	vadd.f32 v8, v17  }
0x84: {  	v27 =	vld [tilespmem:s25+$0x6900];
	[tilespmem:s25+$0x10B80] =	vst v1;
	v1 =	vadd.f32 v9, v17  }
0x85: {  	v28 =	vld [tilespmem:s25+$0x6980];
	[tilespmem:s25+$0x12800] =	vst v0;
	v0 =	vadd.f32 v10, v17  }
0x86: {  	v29 =	vld [tilespmem:s25+$0x6A00];
	[tilespmem:s25+$0x12880] =	vst v1;
	v1 =	vadd.f32 v12, v17  }
0x87: {  	s28 =	simm.s32 $0x80;
	v30 =	vld [tilespmem:s25+$0x6A80];
	s26 =	simm.s32 $0x10;
	[tilespmem:s25+$0x12900] =	vst v0;
	v0 =	vadd.f32 v13, v17  }
0x88: {  	s31 =	sand.u32 $0x1C00, s28;
	v31 =	vld [tilespmem:s25+$0x6B00];
	s30 =	sand.u32 $0x70, s26;
	[tilespmem:s25+$0x12A00] =	vst v1;
	v1 =	vadd.f32 v15, v17  }
0x89: {  	v32 =	vld [tilespmem:s25+$0x6B80];
	s28 =	sor.u32 s30, s31;
	v2 =	vadd.f32 v16, v17;
	[tilespmem:s25+$0x12A80] =	vst v0  }
0x8a: {  	v3 =	vadd.f32 v18, v17;
	v0 =	vld [tilespmem:s28+$0x800];
	[tilespmem:s25+$0x12B80] =	vst v1  }
0x8b: {  	v5 =	vadd.f32 v19, v17;
	v1 =	vld [tilespmem:s28+$0x880];
	[tilespmem:s25+$0x14800] =	vst v2  }
0x8c: {  	v6 =	vadd.f32 v20, v17;
	v2 =	vld [tilespmem:s28+$0x900];
	[tilespmem:s25+$0x14880] =	vst v3  }
0x8d: {  	v4 =	vld [tilespmem:s28+$0x980];
	[tilespmem:s25+$0x14900] =	vst v5;
	v5 =	vadd.f32 v21, v17  }
0x8e: {  	v7 =	vadd.f32 v22, v17;
	v3 =	vld [tilespmem:s28+$0xA00];
	[tilespmem:s25+$0x14980] =	vst v6  }
0x8f: {  	v9 =	vadd.f32 v23, v17;
	v6 =	vld [tilespmem:s28+$0xA80];
	[tilespmem:s25+$0x14A00] =	vst v5  }
0x90: {  	v10 =	vadd.f32 v24, v17;
	v5 =	vld [tilespmem:s28+$0xB00];
	[tilespmem:s25+$0x14A80] =	vst v7  }
0x91: {  	v11 =	vadd.f32 v25, v17;
	v8 =	vld [tilespmem:s28+$0xB80];
	[tilespmem:s25+$0x14B00] =	vst v9  }
0x92: {  	v12 =	vadd.f32 v26, v17;
	v7 =	vld [tilespmem:s28+$0x2800];
	[tilespmem:s25+$0x14B80] =	vst v10  }
0x93: {  	v13 =	vadd.f32 v27, v17;
	v9 =	vld [tilespmem:s28+$0x2880];
	[tilespmem:s25+$0x16800] =	vst v11  }
0x94: {  	v14 =	vadd.f32 v28, v17;
	v10 =	vld [tilespmem:s28+$0x2900];
	[tilespmem:s25+$0x16880] =	vst v12  }
0x95: {  	v15 =	vadd.f32 v29, v17;
	v11 =	vld [tilespmem:s28+$0x2980];
	[tilespmem:s25+$0x16900] =	vst v13  }
0x96: {  	v18 =	vadd.f32 v30, v17;
	v12 =	vld [tilespmem:s28+$0x2A00];
	[tilespmem:s25+$0x16980] =	vst v14  }
0x97: {  	v16 =	vadd.f32 v31, v17;
	v13 =	vld [tilespmem:s28+$0x2A80];
	[tilespmem:s25+$0x16A00] =	vst v15  }
0x98: {  	s29 =	simm.s32 $0x100;
	v15 =	vadd.f32 v32, v17;
	v14 =	vld [tilespmem:s28+$0x2B00];
	[tilespmem:s25+$0x16A80] =	vst v18  }
.LBB2_4:
0x99: {  	p0 =	sne.s32 s29, $0x1F80;
	s31 =	sshrl.u32 s31, $0x2;
	v17 =	vld [tilespmem:s28+$0x2B80];
	[tilespmem:s25+$0x16B00] =	vst v16  }
0x9a: {  	s30 =	sor.u32 s30, s31;
	v16 =	vld [tilespmem:s28+$0x4800];
	[tilespmem:s25+$0x16B80] =	vst v15;
	s25 =	smov.u32 s28  }
0x9b: {  	v15 =	vld [tilespmem:s30+$0x0]  }
0x9c: {  	v18 =	vld [tilespmem:s25+$0x4880]  }
0x9d: {  	v19 =	vld [tilespmem:s25+$0x4900]  }
0x9e: {  	v20 =	vld [tilespmem:s25+$0x4980]  }
0x9f: {  	v21 =	vld [tilespmem:s25+$0x4A00]  }
0xa0: {  	v0 =	vadd.f32 v0, v15;
	v1 =	vadd.f32 v1, v15;
	v22 =	vld [tilespmem:s25+$0x4A80]  }
0xa1: {  	v2 =	vadd.f32 v2, v15;
	v4 =	vadd.f32 v4, v15;
	v23 =	vld [tilespmem:s25+$0x4B00]  }
0xa2: {  	[tilespmem:s25+$0x10800] =	vst v0;
	v0 =	vadd.f32 v3, v15;
	v3 =	vadd.f32 v6, v15;
	v6 =	vld [tilespmem:s25+$0x4B80]  }
0xa3: {  	[tilespmem:s25+$0x10880] =	vst v1;
	v1 =	vadd.f32 v5, v15;
	v5 =	vadd.f32 v8, v15;
	v8 =	vld [tilespmem:s25+$0x6800]  }
0xa4: {  	[tilespmem:s25+$0x10900] =	vst v2;
	v2 =	vadd.f32 v7, v15;
	v7 =	vadd.f32 v9, v15;
	v9 =	vld [tilespmem:s25+$0x6880]  }
0xa5: {  	[tilespmem:s25+$0x10980] =	vst v4;
	v4 =	vadd.f32 v10, v15;
	v10 =	vadd.f32 v11, v15;
	v11 =	vld [tilespmem:s25+$0x6900]  }
0xa6: {  	[tilespmem:s25+$0x10A00] =	vst v0;
	v0 =	vadd.f32 v12, v15;
	v12 =	vadd.f32 v13, v15;
	v13 =	vld [tilespmem:s25+$0x6980]  }
0xa7: {  	[tilespmem:s25+$0x10A80] =	vst v3;
	v3 =	vadd.f32 v14, v15;
	v14 =	vadd.f32 v17, v15;
	v17 =	vld [tilespmem:s25+$0x6A00]  }
0xa8: {  	v24 =	vadd.f32 v16, v15;
	v18 =	vadd.f32 v18, v15;
	[tilespmem:s25+$0x10B00] =	vst v1;
	v1 =	vld [tilespmem:s25+$0x6A80]  }
0xa9: {  	[tilespmem:s25+$0x10B80] =	vst v5;
	v5 =	vadd.f32 v19, v15;
	v19 =	vadd.f32 v20, v15;
	v16 =	vld [tilespmem:s25+$0x6B00]  }
0xaa: {  	v20 =	vadd.f32 v21, v15;
	v21 =	vadd.f32 v22, v15;
	[tilespmem:s25+$0x12800] =	vst v2;
	v2 =	vld [tilespmem:s25+$0x6B80]  }
0xab: {  	v22 =	vadd.f32 v6, v15;
	[tilespmem:s25+$0x12880] =	vst v7;
	v7 =	vadd.f32 v23, v15  }
0xac: {  	v25 =	vadd.f32 v9, v15;
	v23 =	vadd.f32 v8, v15;
	[tilespmem:s25+$0x12900] =	vst v4  }
0xad: {  	v26 =	vadd.f32 v11, v15;
	v13 =	vadd.f32 v13, v15;
	[tilespmem:s25+$0x12980] =	vst v10  }
0xae: {  	s26 =	sadd.s32 $0x10, s26;
	v17 =	vadd.f32 v17, v15;
	v27 =	vadd.f32 v1, v15;
	[tilespmem:s25+$0x12A00] =	vst v0  }
0xaf: {  	s31 =	sand.u32 $0x1C00, s29;
	s30 =	sand.u32 $0x70, s26;
	v16 =	vadd.f32 v16, v15;
	[tilespmem:s25+$0x12A80] =	vst v12;
	v15 =	vadd.f32 v2, v15  }
0xb0: {  	s28 =	sor.u32 s30, s31;
	[tilespmem:s25+$0x12B00] =	vst v3  }
0xb1: {  	v0 =	vld [tilespmem:s28+$0x800];
	[tilespmem:s25+$0x12B80] =	vst v14  }
0xb2: {  	v1 =	vld [tilespmem:s28+$0x880];
	[tilespmem:s25+$0x14800] =	vst v24  }
0xb3: {  	v2 =	vld [tilespmem:s28+$0x900];
	[tilespmem:s25+$0x14880] =	vst v18  }
0xb4: {  	v4 =	vld [tilespmem:s28+$0x980];
	[tilespmem:s25+$0x14900] =	vst v5  }
0xb5: {  	v3 =	vld [tilespmem:s28+$0xA00];
	[tilespmem:s25+$0x14980] =	vst v19  }
0xb6: {  	v6 =	vld [tilespmem:s28+$0xA80];
	[tilespmem:s25+$0x14A00] =	vst v20  }
0xb7: {  	v5 =	vld [tilespmem:s28+$0xB00];
	[tilespmem:s25+$0x14A80] =	vst v21  }
0xb8: {  	v8 =	vld [tilespmem:s28+$0xB80];
	[tilespmem:s25+$0x14B00] =	vst v7  }
0xb9: {  	v7 =	vld [tilespmem:s28+$0x2800];
	[tilespmem:s25+$0x14B80] =	vst v22  }
0xba: {  	v9 =	vld [tilespmem:s28+$0x2880];
	[tilespmem:s25+$0x16800] =	vst v23  }
.Ltmp1:
0xbb: {  	v10 =	vld [tilespmem:s28+$0x2900];
	[tilespmem:s25+$0x16880] =	vst v25;
	(pc) =	sbr.rel @p0 .LBB2_4-.Ltmp1, $4  }
0xbc: {  	v11 =	vld [tilespmem:s28+$0x2980];
	[tilespmem:s25+$0x16900] =	vst v26  }
0xbd: {  	v12 =	vld [tilespmem:s28+$0x2A00];
	[tilespmem:s25+$0x16980] =	vst v13  }
0xbe: {  	v13 =	vld [tilespmem:s28+$0x2A80];
	[tilespmem:s25+$0x16A00] =	vst v17  }
0xbf: {  	s29 =	sadd.s32 $0x80, s29;
	v14 =	vld [tilespmem:s28+$0x2B00];
	[tilespmem:s25+$0x16A80] =	vst v27  }
0xc0: {  	v17 =	vld [tilespmem:s28+$0x2B80];
	[tilespmem:s25+$0x16B00] =	vst v16;
	s26 =	sshrl.u32 s31, $0x2  }
0xc1: {  	v16 =	vld [tilespmem:s28+$0x4800];
	s26 =	sor.u32 s30, s26;
	[tilespmem:s25+$0x16B80] =	vst v15  }
0xc2: {  	v15 =	vld [tilespmem:s26+$0x0];
	_ =	sdelay $0x4  }
0xc3: {  	v0 =	vadd.f32 v0, v15  }
0xc4: {  	v1 =	vadd.f32 v1, v15  }
0xc5: {  	v2 =	vadd.f32 v2, v15;
	[tilespmem:s28+$0x10800] =	vst v0  }
0xc6: {  	v4 =	vadd.f32 v4, v15;
	[tilespmem:s28+$0x10880] =	vst v1  }
0xc7: {  	v3 =	vadd.f32 v3, v15;
	[tilespmem:s28+$0x10900] =	vst v2  }
0xc8: {  	v6 =	vadd.f32 v6, v15;
	[tilespmem:s28+$0x10980] =	vst v4  }
0xc9: {  	v5 =	vadd.f32 v5, v15;
	[tilespmem:s28+$0x10A00] =	vst v3  }
0xca: {  	v8 =	vadd.f32 v8, v15;
	[tilespmem:s28+$0x10A80] =	vst v6  }
0xcb: {  	v7 =	vadd.f32 v7, v15;
	[tilespmem:s28+$0x10B00] =	vst v5  }
0xcc: {  	v9 =	vadd.f32 v9, v15;
	[tilespmem:s28+$0x10B80] =	vst v8  }
0xcd: {  	v45 =	vadd.f32 v10, v15;
	[tilespmem:s28+$0x12800] =	vst v7  }
0xce: {  	v11 =	vadd.f32 v11, v15;
	[tilespmem:s28+$0x12880] =	vst v9  }
0xcf: {  	v18 =	vld [tilespmem:s28+$0x4880];
	v47 =	vadd.f32 v12, v15;
	[tilespmem:s28+$0x12900] =	vst v45  }
0xd0: {  	v19 =	vld [tilespmem:s28+$0x4900];
	v48 =	vadd.f32 v13, v15;
	[tilespmem:s28+$0x12980] =	vst v11  }
0xd1: {  	v20 =	vld [tilespmem:s28+$0x4980];
	v49 =	vadd.f32 v14, v15;
	[tilespmem:s28+$0x12A00] =	vst v47  }
0xd2: {  	v21 =	vld [tilespmem:s28+$0x4A00];
	v50 =	vadd.f32 v17, v15;
	[tilespmem:s28+$0x12A80] =	vst v48  }
0xd3: {  	v22 =	vld [tilespmem:s28+$0x4A80];
	v51 =	vadd.f32 v16, v15;
	[tilespmem:s28+$0x12B00] =	vst v49  }
0xd4: {  	v23 =	vld [tilespmem:s28+$0x4B00];
	v52 =	vadd.f32 v18, v15;
	[tilespmem:s28+$0x12B80] =	vst v50  }
0xd5: {  	v40 =	vld [tilespmem:s28+$0x6900];
	v53 =	vadd.f32 v19, v15;
	[tilespmem:s28+$0x14800] =	vst v51  }
0xd6: {  	v41 =	vld [tilespmem:s28+$0x6980];
	v54 =	vadd.f32 v20, v15;
	[tilespmem:s28+$0x14880] =	vst v52  }
0xd7: {  	v42 =	vld [tilespmem:s28+$0x6A00];
	v55 =	vadd.f32 v21, v15;
	[tilespmem:s28+$0x14900] =	vst v53  }
0xd8: {  	v43 =	vld [tilespmem:s28+$0x6A80];
	v56 =	vadd.f32 v22, v15;
	[tilespmem:s28+$0x14980] =	vst v54  }
0xd9: {  	v44 =	vld [tilespmem:s28+$0x6B00];
	v57 =	vadd.f32 v23, v15;
	[tilespmem:s28+$0x14A00] =	vst v55  }
0xda: {  	v46 =	vld [tilespmem:s28+$0x6B80];
	v58 =	vadd.f32 v40, v15;
	[tilespmem:s28+$0x14A80] =	vst v56  }
0xdb: {  	v37 =	vld [tilespmem:s28+$0x4B80];
	v59 =	vadd.f32 v41, v15;
	[tilespmem:s28+$0x14B00] =	vst v57  }
0xdc: {  	v38 =	vld [tilespmem:s28+$0x6800];
	v60 =	vadd.f32 v42, v15;
	[tilespmem:s28+$0x16900] =	vst v58  }
0xdd: {  	v39 =	vld [tilespmem:s28+$0x6880];
	v61 =	vadd.f32 v43, v15;
	[tilespmem:s28+$0x16980] =	vst v59  }
0xde: {  	v62 =	vadd.f32 v44, v15;
	[tilespmem:s28+$0x16A00] =	vst v60  }
0xdf: {  	v63 =	vadd.f32 v46, v15;
	[tilespmem:s28+$0x16A80] =	vst v61  }
0xe0: {  	v0 =	vadd.f32 v37, v15;
	[tilespmem:s28+$0x16B00] =	vst v62  }
0xe1: {  	v1 =	vadd.f32 v38, v15;
	[tilespmem:s28+$0x16B80] =	vst v63  }
0xe2: {  	v2 =	vadd.f32 v39, v15;
	[tilespmem:s28+$0x14B80] =	vst v0  }
0xe3: {  	[tilespmem:s28+$0x16800] =	vst v1  }
0xe4: {  	s25 =	simm.s32 $0x0;
	[tilespmem:s28+$0x16880] =	vst v2  }
0xe5: {  	[hbm4b:s6+s25] =	stream.linear.scatter [tilespmem:s19], [sflag:$0x1], $0x10000, $0x38;
	[tilespmem:$0x18800] =	vst v63  }
0xe6: {  	_ = 	snop  }
0xe7: {  	[hbm4b:s7+s25] =	stream.linear.scatter [tilespmem:s19], [sflag:$0x2], $0x10000, $0x38;
	[tilespmem:$0x18800] =	vst v63  }
0xe8: {  	_ = 	snop  }
0xe9: {  	[hbm4b:s8+s25] =	stream.linear.scatter [tilespmem:s19], [sflag:$0x3], $0x10000, $0x38;
	[tilespmem:$0x18800] =	vst v63  }
0xea: {  	_ = 	snop  }
0xeb: {  	[hbm4b:s9+s25] =	stream.linear.scatter [tilespmem:s19], [sflag:$0x4], $0x10000, $0x38;
	[tilespmem:$0x18800] =	vst v63  }
0xec: {  	_ =	swait.ge [sflag:s20], $0x10000  }
0xed: {  	[sflag:s20] =	ssyncset.done $0x0  }
0xee: {  	[sflag:s20] =	ssyncadd.s32 $0xFFFF0000  }
0xef: {  	_ =	swait.ge [sflag:s21], $0x10000  }
0xf0: {  	[sflag:s21] =	ssyncset.done $0x0  }
0xf1: {  	[sflag:s21] =	ssyncadd.s32 $0xFFFF0000  }
0xf2: {  	_ =	swait.ge [sflag:s22], $0x10000  }
0xf3: {  	[sflag:s22] =	ssyncset.done $0x0  }
0xf4: {  	[sflag:s22] =	ssyncadd.s32 $0xFFFF0000  }
0xf5: {  	_ =	swait.ge [sflag:s23], $0x10000  }
0xf6: {  	[sflag:s23] =	ssyncset.done $0x0  }
0xf7: {  	[sflag:s23] =	ssyncadd.s32 $0xFFFF0000  }
0xf8: {  	[tilespmem:s18], [sflag:$0x5] =	stream.linear.gather [hbm4b:s2+s25], $0x8000, $0x38;
	[tilespmem:$0x18800] =	vst v63  }
0xf9: {  	_ =	swait.ge [sflag:s17], $0x8000  }
0xfa: {  	[sflag:s17] =	ssyncset.done $0x0  }
0xfb: {  	s26 =	simm.s32 $0x0;
	[sflag:s17] =	ssyncadd.s32 $0xFFFF8000  }
.LBB2_6:
0xfc: {  	s28 =	sand.u32 $0x1C00, s26;
	s29 =	sand.u32 $0x70, s25  }
0xfd: {  	s30 =	sshrl.u32 s28, $0x2;
	s28 =	sor.u32 s29, s28  }
0xfe: {  	s30 =	sor.u32 s29, s30;
	v1 =	vld [tilespmem:s28+$0x800]  }
0xff: {  	v0 =	vld [tilespmem:s30+$0x80]  }
0x100: {  	v2 =	vld [tilespmem:s28+$0x880]  }
0x101: {  	v3 =	vld [tilespmem:s28+$0x900]  }
0x102: {  	v4 =	vld [tilespmem:s28+$0x980]  }
0x103: {  	v5 =	vld [tilespmem:s28+$0xA00]  }
0x104: {  	v6 =	vld [tilespmem:s28+$0xA80];
	v1 =	vadd.f32 v1, v0  }
0x105: {  	v7 =	vld [tilespmem:s28+$0xB00];
	v2 =	vadd.f32 v2, v0  }
0x106: {  	v26 =	vadd.f32 v3, v0;
	[tilespmem:s28+$0x8800] =	vst v1  }
0x107: {  	v27 =	vadd.f32 v4, v0;
	[tilespmem:s28+$0x8880] =	vst v2  }
0x108: {  	v28 =	vadd.f32 v5, v0;
	[tilespmem:s28+$0x8900] =	vst v26  }
0x109: {  	v29 =	vadd.f32 v6, v0;
	[tilespmem:s28+$0x8980] =	vst v27  }
0x10a: {  	s30 =	sand.u32 $0xFFFFFC00, s26;
	v30 =	vadd.f32 v7, v0;
	[tilespmem:s28+$0x8A00] =	vst v28  }
0x10b: {  	s29 =	sadd.s32 s30, s25;
	[tilespmem:s28+$0x8A80] =	vst v29  }
0x10c: {  	s31 =	sor.u32 $0x380, s29;
	[tilespmem:s28+$0x8B00] =	vst v30  }
0x10d: {  	v1 =	vld [tilespmem:s31+$0x800];
	_ =	sdelay $0x4  }
0x10e: {  	v1 =	vadd.f32 v1, v0;
	_ =	sdelay $0x1  }
0x10f: {  	[tilespmem:s31+$0x8800] =	vst v1  }
0x110: {  	v1 =	vld [tilespmem:s28+$0x2800]  }
0x111: {  	v31 =	vld [tilespmem:s28+$0x2880]  }
0x112: {  	v32 =	vld [tilespmem:s28+$0x2900]  }
0x113: {  	v33 =	vld [tilespmem:s28+$0x2980]  }
0x114: {  	v34 =	vld [tilespmem:s28+$0x2A00]  }
0x115: {  	v35 =	vld [tilespmem:s28+$0x2A80];
	v1 =	vadd.f32 v1, v0  }
0x116: {  	v36 =	vld [tilespmem:s28+$0x2B00];
	v2 =	vadd.f32 v31, v0  }
0x117: {  	v37 =	vadd.f32 v32, v0;
	[tilespmem:s28+$0xA800] =	vst v1  }
0x118: {  	v38 =	vadd.f32 v33, v0;
	[tilespmem:s28+$0xA880] =	vst v2  }
0x119: {  	v39 =	vadd.f32 v34, v0;
	[tilespmem:s28+$0xA900] =	vst v37  }
0x11a: {  	v40 =	vadd.f32 v35, v0;
	[tilespmem:s28+$0xA980] =	vst v38  }
0x11b: {  	v41 =	vadd.f32 v36, v0;
	[tilespmem:s28+$0xAA00] =	vst v39  }
0x11c: {  	[tilespmem:s28+$0xAA80] =	vst v40  }
0x11d: {  	s31 =	sor.u32 $0x2380, s29;
	[tilespmem:s28+$0xAB00] =	vst v41  }
0x11e: {  	v1 =	vld [tilespmem:s31+$0x800];
	_ =	sdelay $0x4  }
0x11f: {  	v1 =	vadd.f32 v1, v0;
	_ =	sdelay $0x1  }
0x120: {  	[tilespmem:s31+$0x8800] =	vst v1  }
0x121: {  	v1 =	vld [tilespmem:s28+$0x4800]  }
0x122: {  	v42 =	vld [tilespmem:s28+$0x4880]  }
0x123: {  	v43 =	vld [tilespmem:s28+$0x4900]  }
0x124: {  	v44 =	vld [tilespmem:s28+$0x4980]  }
0x125: {  	v45 =	vld [tilespmem:s28+$0x4A00]  }
0x126: {  	v46 =	vld [tilespmem:s28+$0x4A80];
	v1 =	vadd.f32 v1, v0  }
0x127: {  	v47 =	vld [tilespmem:s28+$0x4B00];
	v2 =	vadd.f32 v42, v0  }
0x128: {  	v48 =	vadd.f32 v43, v0;
	[tilespmem:s28+$0xC800] =	vst v1  }
0x129: {  	v49 =	vadd.f32 v44, v0;
	[tilespmem:s28+$0xC880] =	vst v2  }
0x12a: {  	v50 =	vadd.f32 v45, v0;
	[tilespmem:s28+$0xC900] =	vst v48  }
0x12b: {  	v51 =	vadd.f32 v46, v0;
	[tilespmem:s28+$0xC980] =	vst v49  }
0x12c: {  	v52 =	vadd.f32 v47, v0;
	[tilespmem:s28+$0xCA00] =	vst v50  }
0x12d: {  	[tilespmem:s28+$0xCA80] =	vst v51  }
0x12e: {  	s31 =	sor.u32 $0x4380, s29;
	[tilespmem:s28+$0xCB00] =	vst v52  }
0x12f: {  	v1 =	vld [tilespmem:s31+$0x800];
	_ =	sdelay $0x4  }
0x130: {  	v1 =	vadd.f32 v1, v0;
	_ =	sdelay $0x1  }
0x131: {  	[tilespmem:s31+$0x8800] =	vst v1  }
0x132: {  	v1 =	vld [tilespmem:s28+$0x6800]  }
0x133: {  	v53 =	vld [tilespmem:s28+$0x6880]  }
0x134: {  	v54 =	vld [tilespmem:s28+$0x6900]  }
0x135: {  	v55 =	vld [tilespmem:s28+$0x6980]  }
0x136: {  	v56 =	vld [tilespmem:s28+$0x6A00]  }
0x137: {  	v57 =	vld [tilespmem:s28+$0x6A80];
	v1 =	vadd.f32 v1, v0  }
0x138: {  	v58 =	vld [tilespmem:s28+$0x6B00];
	v2 =	vadd.f32 v53, v0  }
0x139: {  	v59 =	vadd.f32 v54, v0;
	[tilespmem:s28+$0xE800] =	vst v1  }
0x13a: {  	v60 =	vadd.f32 v55, v0;
	[tilespmem:s28+$0xE880] =	vst v2  }
0x13b: {  	v61 =	vadd.f32 v56, v0;
	[tilespmem:s28+$0xE900] =	vst v59  }
0x13c: {  	v62 =	vadd.f32 v57, v0;
	[tilespmem:s28+$0xE980] =	vst v60  }
0x13d: {  	v63 =	vadd.f32 v58, v0;
	[tilespmem:s28+$0xEA00] =	vst v61  }
0x13e: {  	[tilespmem:s28+$0xEA80] =	vst v62  }
0x13f: {  	s31 =	sor.u32 $0x6380, s29;
	[tilespmem:s28+$0xEB00] =	vst v63  }
0x140: {  	v1 =	vld [tilespmem:s31+$0x800];
	_ =	sdelay $0x1  }
0x141: {  	p0 =	sne.s32 s26, $0x1F80  }
.Ltmp2:
0x142: {  	_ = 	snop;
	(pc) =	sbr.rel @p0 .LBB2_6-.Ltmp2, $3  }
0x143: {  	_ = 	snop  }
0x144: {  	v0 =	vadd.f32 v1, v0;
	_ =	sdelay $0x1  }
0x145: {  	s26 =	sadd.s32 $0x80, s26;
	s25 =	sadd.s32 $0x10, s25;
	[tilespmem:s31+$0x8800] =	vst v0  }
0x146: {  	s25 =	simm.s32 $0x0  }
0x147: {  	[tilespmem:s18], [sflag:$0x5] =	stream.linear.gather [hbm4b:s5+s25], $0x8000, $0x38;
	[tilespmem:$0x18800] =	vst v63  }
0x148: {  	_ =	swait.ge [sflag:s17], $0x8000  }
0x149: {  	s26 =	sand.u32 $0x70, s25;
	s28 =	sand.u32 $0x1C00, s25;
	[sflag:s17] =	ssyncset.done $0x0  }
0x14a: {  	s25 =	sor.u32 s26, s28;
	[sflag:s17] =	ssyncadd.s32 $0xFFFF8000  }
0x14b: {  	v0 =	vld [tilespmem:s25+$0x800]  }
0x14c: {  	v1 =	vld [tilespmem:s25+$0x880]  }
0x14d: {  	v2 =	vld [tilespmem:s25+$0x900]  }
0x14e: {  	v3 =	vld [tilespmem:s25+$0x980]  }
0x14f: {  	v4 =	vld [tilespmem:s25+$0xA00]  }
0x150: {  	v5 =	vld [tilespmem:s25+$0xA80]  }
0x151: {  	v6 =	vld [tilespmem:s25+$0xB00]  }
0x152: {  	v7 =	vld [tilespmem:s25+$0xB80]  }
0x153: {  	v8 =	vld [tilespmem:s25+$0x2800]  }
0x154: {  	s28 =	sshrl.u32 s28, $0x2;
	v9 =	vld [tilespmem:s25+$0x2880]  }
0x155: {  	s26 =	sor.u32 s26, s28;
	v10 =	vld [tilespmem:s25+$0x2900]  }
0x156: {  	v17 =	vld [tilespmem:s26+$0x80]  }
0x157: {  	v11 =	vld [tilespmem:s25+$0x2980]  }
0x158: {  	v12 =	vld [tilespmem:s25+$0x2A00]  }
0x159: {  	v13 =	vld [tilespmem:s25+$0x2A80]  }
0x15a: {  	v14 =	vld [tilespmem:s25+$0x2B00]  }
0x15b: {  	v15 =	vld [tilespmem:s25+$0x2B80];
	v0 =	vadd.f32 v0, v17  }
0x15c: {  	v16 =	vld [tilespmem:s25+$0x4800];
	v1 =	vadd.f32 v1, v17  }
0x15d: {  	v18 =	vld [tilespmem:s25+$0x4880];
	[tilespmem:s25+$0x10800] =	vst v0;
	v0 =	vadd.f32 v2, v17  }
0x15e: {  	v19 =	vld [tilespmem:s25+$0x4900];
	[tilespmem:s25+$0x10880] =	vst v1;
	v1 =	vadd.f32 v3, v17  }
0x15f: {  	v20 =	vld [tilespmem:s25+$0x4980];
	v2 =	vadd.f32 v11, v17;
	[tilespmem:s25+$0x10900] =	vst v0  }
0x160: {  	v21 =	vld [tilespmem:s25+$0x4A00];
	v0 =	vadd.f32 v4, v17;
	[tilespmem:s25+$0x10980] =	vst v1  }
0x161: {  	v22 =	vld [tilespmem:s25+$0x4A80];
	v1 =	vadd.f32 v5, v17;
	[tilespmem:s25+$0x12980] =	vst v2  }
0x162: {  	v23 =	vld [tilespmem:s25+$0x4B00];
	v2 =	vadd.f32 v14, v17;
	[tilespmem:s25+$0x10A00] =	vst v0  }
0x163: {  	v24 =	vld [tilespmem:s25+$0x4B80];
	v0 =	vadd.f32 v6, v17;
	[tilespmem:s25+$0x10A80] =	vst v1  }
0x164: {  	v25 =	vld [tilespmem:s25+$0x6800];
	v1 =	vadd.f32 v7, v17;
	[tilespmem:s25+$0x12B00] =	vst v2  }
0x165: {  	v26 =	vld [tilespmem:s25+$0x6880];
	[tilespmem:s25+$0x10B00] =	vst v0;
	v0 =	vadd.f32 v8, v17  }
0x166: {  	v27 =	vld [tilespmem:s25+$0x6900];
	[tilespmem:s25+$0x10B80] =	vst v1;
	v1 =	vadd.f32 v9, v17  }
0x167: {  	v28 =	vld [tilespmem:s25+$0x6980];
	[tilespmem:s25+$0x12800] =	vst v0;
	v0 =	vadd.f32 v10, v17  }
0x168: {  	v29 =	vld [tilespmem:s25+$0x6A00];
	[tilespmem:s25+$0x12880] =	vst v1;
	v1 =	vadd.f32 v12, v17  }
0x169: {  	s28 =	simm.s32 $0x80;
	v30 =	vld [tilespmem:s25+$0x6A80];
	s26 =	simm.s32 $0x10;
	[tilespmem:s25+$0x12900] =	vst v0;
	v0 =	vadd.f32 v13, v17  }
0x16a: {  	s31 =	sand.u32 $0x1C00, s28;
	v31 =	vld [tilespmem:s25+$0x6B00];
	s30 =	sand.u32 $0x70, s26;
	[tilespmem:s25+$0x12A00] =	vst v1;
	v1 =	vadd.f32 v15, v17  }
0x16b: {  	v32 =	vld [tilespmem:s25+$0x6B80];
	s28 =	sor.u32 s30, s31;
	v2 =	vadd.f32 v16, v17;
	[tilespmem:s25+$0x12A80] =	vst v0  }
0x16c: {  	v3 =	vadd.f32 v18, v17;
	v0 =	vld [tilespmem:s28+$0x800];
	[tilespmem:s25+$0x12B80] =	vst v1  }
0x16d: {  	v5 =	vadd.f32 v19, v17;
	v1 =	vld [tilespmem:s28+$0x880];
	[tilespmem:s25+$0x14800] =	vst v2  }
0x16e: {  	v6 =	vadd.f32 v20, v17;
	v2 =	vld [tilespmem:s28+$0x900];
	[tilespmem:s25+$0x14880] =	vst v3  }
0x16f: {  	v4 =	vld [tilespmem:s28+$0x980];
	[tilespmem:s25+$0x14900] =	vst v5;
	v5 =	vadd.f32 v21, v17  }
0x170: {  	v7 =	vadd.f32 v22, v17;
	v3 =	vld [tilespmem:s28+$0xA00];
	[tilespmem:s25+$0x14980] =	vst v6  }
0x171: {  	v9 =	vadd.f32 v23, v17;
	v6 =	vld [tilespmem:s28+$0xA80];
	[tilespmem:s25+$0x14A00] =	vst v5  }
0x172: {  	v10 =	vadd.f32 v24, v17;
	v5 =	vld [tilespmem:s28+$0xB00];
	[tilespmem:s25+$0x14A80] =	vst v7  }
0x173: {  	v11 =	vadd.f32 v25, v17;
	v8 =	vld [tilespmem:s28+$0xB80];
	[tilespmem:s25+$0x14B00] =	vst v9  }
0x174: {  	v12 =	vadd.f32 v26, v17;
	v7 =	vld [tilespmem:s28+$0x2800];
	[tilespmem:s25+$0x14B80] =	vst v10  }
0x175: {  	v13 =	vadd.f32 v27, v17;
	v9 =	vld [tilespmem:s28+$0x2880];
	[tilespmem:s25+$0x16800] =	vst v11  }
0x176: {  	v14 =	vadd.f32 v28, v17;
	v10 =	vld [tilespmem:s28+$0x2900];
	[tilespmem:s25+$0x16880] =	vst v12  }
0x177: {  	v15 =	vadd.f32 v29, v17;
	v11 =	vld [tilespmem:s28+$0x2980];
	[tilespmem:s25+$0x16900] =	vst v13  }
0x178: {  	v18 =	vadd.f32 v30, v17;
	v12 =	vld [tilespmem:s28+$0x2A00];
	[tilespmem:s25+$0x16980] =	vst v14  }
0x179: {  	v16 =	vadd.f32 v31, v17;
	v13 =	vld [tilespmem:s28+$0x2A80];
	[tilespmem:s25+$0x16A00] =	vst v15  }
0x17a: {  	s29 =	simm.s32 $0x100;
	v15 =	vadd.f32 v32, v17;
	v14 =	vld [tilespmem:s28+$0x2B00];
	[tilespmem:s25+$0x16A80] =	vst v18  }
.LBB2_8:
0x17b: {  	p0 =	sne.s32 s29, $0x1F80;
	s31 =	sshrl.u32 s31, $0x2;
	v17 =	vld [tilespmem:s28+$0x2B80];
	[tilespmem:s25+$0x16B00] =	vst v16  }
0x17c: {  	s30 =	sor.u32 s30, s31;
	v16 =	vld [tilespmem:s28+$0x4800];
	[tilespmem:s25+$0x16B80] =	vst v15;
	s25 =	smov.u32 s28  }
0x17d: {  	v15 =	vld [tilespmem:s30+$0x80]  }
0x17e: {  	v18 =	vld [tilespmem:s25+$0x4880]  }
0x17f: {  	v19 =	vld [tilespmem:s25+$0x4900]  }
0x180: {  	v20 =	vld [tilespmem:s25+$0x4980]  }
0x181: {  	v21 =	vld [tilespmem:s25+$0x4A00]  }
0x182: {  	v0 =	vadd.f32 v0, v15;
	v1 =	vadd.f32 v1, v15;
	v22 =	vld [tilespmem:s25+$0x4A80]  }
0x183: {  	v2 =	vadd.f32 v2, v15;
	v4 =	vadd.f32 v4, v15;
	v23 =	vld [tilespmem:s25+$0x4B00]  }
0x184: {  	[tilespmem:s25+$0x10800] =	vst v0;
	v0 =	vadd.f32 v3, v15;
	v3 =	vadd.f32 v6, v15;
	v6 =	vld [tilespmem:s25+$0x4B80]  }
0x185: {  	[tilespmem:s25+$0x10880] =	vst v1;
	v1 =	vadd.f32 v5, v15;
	v5 =	vadd.f32 v8, v15;
	v8 =	vld [tilespmem:s25+$0x6800]  }
0x186: {  	[tilespmem:s25+$0x10900] =	vst v2;
	v2 =	vadd.f32 v7, v15;
	v7 =	vadd.f32 v9, v15;
	v9 =	vld [tilespmem:s25+$0x6880]  }
0x187: {  	[tilespmem:s25+$0x10980] =	vst v4;
	v4 =	vadd.f32 v10, v15;
	v10 =	vadd.f32 v11, v15;
	v11 =	vld [tilespmem:s25+$0x6900]  }
0x188: {  	[tilespmem:s25+$0x10A00] =	vst v0;
	v0 =	vadd.f32 v12, v15;
	v12 =	vadd.f32 v13, v15;
	v13 =	vld [tilespmem:s25+$0x6980]  }
0x189: {  	[tilespmem:s25+$0x10A80] =	vst v3;
	v3 =	vadd.f32 v14, v15;
	v14 =	vadd.f32 v17, v15;
	v17 =	vld [tilespmem:s25+$0x6A00]  }
0x18a: {  	v24 =	vadd.f32 v16, v15;
	v18 =	vadd.f32 v18, v15;
	[tilespmem:s25+$0x10B00] =	vst v1;
	v1 =	vld [tilespmem:s25+$0x6A80]  }
0x18b: {  	[tilespmem:s25+$0x10B80] =	vst v5;
	v5 =	vadd.f32 v19, v15;
	v19 =	vadd.f32 v20, v15;
	v16 =	vld [tilespmem:s25+$0x6B00]  }
0x18c: {  	v20 =	vadd.f32 v21, v15;
	v21 =	vadd.f32 v22, v15;
	[tilespmem:s25+$0x12800] =	vst v2;
	v2 =	vld [tilespmem:s25+$0x6B80]  }
0x18d: {  	v22 =	vadd.f32 v6, v15;
	[tilespmem:s25+$0x12880] =	vst v7;
	v7 =	vadd.f32 v23, v15  }
0x18e: {  	v25 =	vadd.f32 v9, v15;
	v23 =	vadd.f32 v8, v15;
	[tilespmem:s25+$0x12900] =	vst v4  }
0x18f: {  	v26 =	vadd.f32 v11, v15;
	v13 =	vadd.f32 v13, v15;
	[tilespmem:s25+$0x12980] =	vst v10  }
0x190: {  	s26 =	sadd.s32 $0x10, s26;
	v17 =	vadd.f32 v17, v15;
	v27 =	vadd.f32 v1, v15;
	[tilespmem:s25+$0x12A00] =	vst v0  }
0x191: {  	s31 =	sand.u32 $0x1C00, s29;
	s30 =	sand.u32 $0x70, s26;
	v16 =	vadd.f32 v16, v15;
	[tilespmem:s25+$0x12A80] =	vst v12;
	v15 =	vadd.f32 v2, v15  }
0x192: {  	s28 =	sor.u32 s30, s31;
	[tilespmem:s25+$0x12B00] =	vst v3  }
0x193: {  	v0 =	vld [tilespmem:s28+$0x800];
	[tilespmem:s25+$0x12B80] =	vst v14  }
0x194: {  	v1 =	vld [tilespmem:s28+$0x880];
	[tilespmem:s25+$0x14800] =	vst v24  }
0x195: {  	v2 =	vld [tilespmem:s28+$0x900];
	[tilespmem:s25+$0x14880] =	vst v18  }
0x196: {  	v4 =	vld [tilespmem:s28+$0x980];
	[tilespmem:s25+$0x14900] =	vst v5  }
0x197: {  	v3 =	vld [tilespmem:s28+$0xA00];
	[tilespmem:s25+$0x14980] =	vst v19  }
0x198: {  	v6 =	vld [tilespmem:s28+$0xA80];
	[tilespmem:s25+$0x14A00] =	vst v20  }
0x199: {  	v5 =	vld [tilespmem:s28+$0xB00];
	[tilespmem:s25+$0x14A80] =	vst v21  }
0x19a: {  	v8 =	vld [tilespmem:s28+$0xB80];
	[tilespmem:s25+$0x14B00] =	vst v7  }
0x19b: {  	v7 =	vld [tilespmem:s28+$0x2800];
	[tilespmem:s25+$0x14B80] =	vst v22  }
0x19c: {  	v9 =	vld [tilespmem:s28+$0x2880];
	[tilespmem:s25+$0x16800] =	vst v23  }
.Ltmp3:
0x19d: {  	v10 =	vld [tilespmem:s28+$0x2900];
	[tilespmem:s25+$0x16880] =	vst v25;
	(pc) =	sbr.rel @p0 .LBB2_8-.Ltmp3, $4  }
0x19e: {  	v11 =	vld [tilespmem:s28+$0x2980];
	[tilespmem:s25+$0x16900] =	vst v26  }
0x19f: {  	v12 =	vld [tilespmem:s28+$0x2A00];
	[tilespmem:s25+$0x16980] =	vst v13  }
0x1a0: {  	v13 =	vld [tilespmem:s28+$0x2A80];
	[tilespmem:s25+$0x16A00] =	vst v17  }
0x1a1: {  	s29 =	sadd.s32 $0x80, s29;
	v14 =	vld [tilespmem:s28+$0x2B00];
	[tilespmem:s25+$0x16A80] =	vst v27  }
0x1a2: {  	v17 =	vld [tilespmem:s28+$0x2B80];
	[tilespmem:s25+$0x16B00] =	vst v16;
	s26 =	sshrl.u32 s31, $0x2  }
0x1a3: {  	v16 =	vld [tilespmem:s28+$0x4800];
	s26 =	sor.u32 s30, s26;
	[tilespmem:s25+$0x16B80] =	vst v15  }
0x1a4: {  	v15 =	vld [tilespmem:s26+$0x80];
	_ =	sdelay $0x4  }
0x1a5: {  	v0 =	vadd.f32 v0, v15  }
0x1a6: {  	v1 =	vadd.f32 v1, v15  }
0x1a7: {  	v2 =	vadd.f32 v2, v15;
	[tilespmem:s28+$0x10800] =	vst v0  }
0x1a8: {  	v4 =	vadd.f32 v4, v15;
	[tilespmem:s28+$0x10880] =	vst v1  }
0x1a9: {  	v3 =	vadd.f32 v3, v15;
	[tilespmem:s28+$0x10900] =	vst v2  }
0x1aa: {  	v6 =	vadd.f32 v6, v15;
	[tilespmem:s28+$0x10980] =	vst v4  }
0x1ab: {  	v5 =	vadd.f32 v5, v15;
	[tilespmem:s28+$0x10A00] =	vst v3  }
0x1ac: {  	v8 =	vadd.f32 v8, v15;
	[tilespmem:s28+$0x10A80] =	vst v6  }
0x1ad: {  	v7 =	vadd.f32 v7, v15;
	[tilespmem:s28+$0x10B00] =	vst v5  }
0x1ae: {  	v9 =	vadd.f32 v9, v15;
	[tilespmem:s28+$0x10B80] =	vst v8  }
0x1af: {  	v45 =	vadd.f32 v10, v15;
	[tilespmem:s28+$0x12800] =	vst v7  }
0x1b0: {  	v11 =	vadd.f32 v11, v15;
	[tilespmem:s28+$0x12880] =	vst v9  }
0x1b1: {  	v18 =	vld [tilespmem:s28+$0x4880];
	v47 =	vadd.f32 v12, v15;
	[tilespmem:s28+$0x12900] =	vst v45  }
0x1b2: {  	v19 =	vld [tilespmem:s28+$0x4900];
	v48 =	vadd.f32 v13, v15;
	[tilespmem:s28+$0x12980] =	vst v11  }
0x1b3: {  	v20 =	vld [tilespmem:s28+$0x4980];
	v49 =	vadd.f32 v14, v15;
	[tilespmem:s28+$0x12A00] =	vst v47  }
0x1b4: {  	v21 =	vld [tilespmem:s28+$0x4A00];
	v50 =	vadd.f32 v17, v15;
	[tilespmem:s28+$0x12A80] =	vst v48  }
0x1b5: {  	v22 =	vld [tilespmem:s28+$0x4A80];
	v51 =	vadd.f32 v16, v15;
	[tilespmem:s28+$0x12B00] =	vst v49  }
0x1b6: {  	v23 =	vld [tilespmem:s28+$0x4B00];
	v52 =	vadd.f32 v18, v15;
	[tilespmem:s28+$0x12B80] =	vst v50  }
0x1b7: {  	v40 =	vld [tilespmem:s28+$0x6900];
	v53 =	vadd.f32 v19, v15;
	[tilespmem:s28+$0x14800] =	vst v51  }
0x1b8: {  	v41 =	vld [tilespmem:s28+$0x6980];
	v54 =	vadd.f32 v20, v15;
	[tilespmem:s28+$0x14880] =	vst v52  }
0x1b9: {  	v42 =	vld [tilespmem:s28+$0x6A00];
	v55 =	vadd.f32 v21, v15;
	[tilespmem:s28+$0x14900] =	vst v53  }
0x1ba: {  	v43 =	vld [tilespmem:s28+$0x6A80];
	v56 =	vadd.f32 v22, v15;
	[tilespmem:s28+$0x14980] =	vst v54  }
0x1bb: {  	v44 =	vld [tilespmem:s28+$0x6B00];
	v57 =	vadd.f32 v23, v15;
	[tilespmem:s28+$0x14A00] =	vst v55  }
0x1bc: {  	v46 =	vld [tilespmem:s28+$0x6B80];
	v58 =	vadd.f32 v40, v15;
	[tilespmem:s28+$0x14A80] =	vst v56  }
0x1bd: {  	v37 =	vld [tilespmem:s28+$0x4B80];
	v59 =	vadd.f32 v41, v15;
	[tilespmem:s28+$0x14B00] =	vst v57  }
0x1be: {  	v38 =	vld [tilespmem:s28+$0x6800];
	v60 =	vadd.f32 v42, v15;
	[tilespmem:s28+$0x16900] =	vst v58  }
0x1bf: {  	v39 =	vld [tilespmem:s28+$0x6880];
	v61 =	vadd.f32 v43, v15;
	[tilespmem:s28+$0x16980] =	vst v59  }
0x1c0: {  	v62 =	vadd.f32 v44, v15;
	[tilespmem:s28+$0x16A00] =	vst v60  }
0x1c1: {  	v63 =	vadd.f32 v46, v15;
	[tilespmem:s28+$0x16A80] =	vst v61  }
0x1c2: {  	v0 =	vadd.f32 v37, v15;
	[tilespmem:s28+$0x16B00] =	vst v62  }
0x1c3: {  	v1 =	vadd.f32 v38, v15;
	[tilespmem:s28+$0x16B80] =	vst v63  }
0x1c4: {  	v2 =	vadd.f32 v39, v15;
	[tilespmem:s28+$0x14B80] =	vst v0  }
0x1c5: {  	[tilespmem:s28+$0x16800] =	vst v1  }
0x1c6: {  	[tilespmem:s28+$0x16880] =	vst v2  }
0x1c7: {  	[hbm4b:s10+s3] =	stream.linear.scatter [tilespmem:s19], [sflag:$0x1], $0x10000, $0x38;
	[tilespmem:$0x18800] =	vst v63  }
0x1c8: {  	_ = 	snop  }
0x1c9: {  	[hbm4b:s11+s3] =	stream.linear.scatter [tilespmem:s19], [sflag:$0x2], $0x10000, $0x38;
	[tilespmem:$0x18800] =	vst v63  }
0x1ca: {  	_ = 	snop  }
0x1cb: {  	[hbm4b:s12+s3] =	stream.linear.scatter [tilespmem:s19], [sflag:$0x3], $0x10000, $0x38;
	[tilespmem:$0x18800] =	vst v63  }
0x1cc: {  	_ = 	snop  }
0x1cd: {  	[hbm4b:s13+s3] =	stream.linear.scatter [tilespmem:s19], [sflag:$0x4], $0x10000, $0x38;
	[tilespmem:$0x18800] =	vst v63  }
0x1ce: {  	_ =	swait.ge [sflag:s20], $0x10000  }
0x1cf: {  	[sflag:s20] =	ssyncset.done $0x0  }
0x1d0: {  	[sflag:s20] =	ssyncadd.s32 $0xFFFF0000  }
0x1d1: {  	_ =	swait.ge [sflag:s21], $0x10000  }
0x1d2: {  	[sflag:s21] =	ssyncset.done $0x0  }
0x1d3: {  	s24 =	sadd.s32 $0x1, s24;
	[sflag:s21] =	ssyncadd.s32 $0xFFFF0000  }
0x1d4: {  	p0 =	sne.s32 s24, s14;
	_ =	swait.ge [sflag:s22], $0x10000  }
.Ltmp4:
0x1d5: {  	[sflag:s22] =	ssyncset.done $0x0;
	(pc) =	sbr.rel @p0 .LBB2_1-.Ltmp4, $4  }
0x1d6: {  	[sflag:s22] =	ssyncadd.s32 $0xFFFF0000  }
0x1d7: {  	_ =	swait.ge [sflag:s23], $0x10000  }
0x1d8: {  	[sflag:s23] =	ssyncset.done $0x0  }
0x1d9: {  	[sflag:s23] =	ssyncadd.s32 $0xFFFF0000  }
0x1da: {  	_ =	sfence.sel $0x180000  }
0x1db: {  	[bflag:$0x0] =	sbarrier.arrive $0xFFFF  }
0x1dc: {  	p0 =	sne.s32 s1, $0x0;
	_ =	strace $0x90000047  }
0x1dd: {  	s0 =	sadd.s32 @!p0 $0x100000, s0;
	[bflag:$0x2] =	sbarrier.arrive $0xFFFF  }
0x1de: {  	[sflag:s0] =	ssyncadd.tile.s32 @!p0 $0x1;
	_ =	shalt  }
.Lfunc_end2:
_tile_overlayer_lowered:
.L_overlay_start_2:
0x1df: {  	(tag) =	ssettag $0x2  }
0x1e0: {  	s0 =	rddreg [dreg:$0x0];
	s2 =	stileid.u32  }
0x1e1: {  	s1 =	rddreg [dreg:$0x1];
	p0 =	sne.s32 s2, $0x0  }
0x1e2: {  	s3 =	rddreg [dreg:$0x2];
	[bflag:$0x3] =	sbarrier.arrive $0xFFFF;
	s2 =	simm.s32 @!p0 $0x1C05  }
0x1e3: {  	[timem:s3], [sflag:s2] =	dma.local @!p0 [hbm:s0], s1  }
0x1e4: {  	s0 =	simm.s32 @!p0 $0x5  }
0x1e5: {  	_ =	swait.ge @!p0 [sflag:s0], s1  }
0x1e6: {  	s1 =	ssub.s32 @!p0 $0x0, s1;
	[sflag:s0] =	ssyncset.done @!p0 $0x0  }
0x1e7: {  	[sflag:s0] =	ssyncadd.s32 @!p0 s1  }
0x1e8: {  	[bflag:$0x3] =	sbarrier.arrive $0xFFFF  }
0x1e9: {  	_ =	shalt  }

</sc_bundles>
